<compile_context>
chip_gen: v7x
topology: tpu7x:2x2x1
jax: 0.10.2.dev20260603
libtpu: 0.0.44.dev20260713+nightly
codegen_flags: <defaults>
</compile_context>

<pallas_src>
import functools

import jax
import jax.numpy as jnp
from jax import lax
from jax.experimental import pallas as pl
from jax.experimental.pallas import tpu as pltpu
from jax.experimental.pallas import tpu_sc as plsc

NC = 2
NS = 16
NW = NC * NS
CH = 128
GPT = 80
EPT = CH * GPT
EP = NW * EPT
NP = 10240
STRIPE = NP // NS
D = 128
ROWB = 512
GRID = NP // ROWB

_mesh = plsc.VectorSubcoreMesh(
    core_axis_name="c", subcore_axis_name="s", num_cores=NC, num_subcores=NS
)


def _count_body(dst_ref, out_ref, idx_v, cnt_v):
    cid = lax.axis_index("c")
    sid = lax.axis_index("s")
    wid = cid * NS + sid
    pltpu.sync_copy(dst_ref.at[wid], idx_v)
    zeros = jnp.zeros((16,), jnp.float32)

    def zero_body(i, carry):
        cnt_v[pl.ds(i * 16, 16)] = zeros
        return carry

    lax.fori_loop(0, NP // 16, zero_body, 0)
    ones = jnp.full((16,), 1.0, jnp.float32)

    def scat_body(i, carry):
        idx = idx_v[pl.ds(i * 16, 16)]
        plsc.addupdate_scatter(cnt_v, [idx], ones)
        return carry

    lax.fori_loop(0, EPT // 16, scat_body, 0)
    pltpu.sync_copy(cnt_v, out_ref.at[wid])


_count_kernel = functools.partial(
    pl.kernel,
    out_type=jax.ShapeDtypeStruct((NW, NP), jnp.float32),
    mesh=_mesh,
    compiler_params=pltpu.CompilerParams(needs_layout_passes=False),
    scratch_types=[
        pltpu.VMEM((EPT,), jnp.int32),
        pltpu.VMEM((NP,), jnp.float32),
    ],
)(_count_body)


def _mm_body(x_ref, w_ref, cnt_ref, h2_ref, dinv_ref):
    cnt = jnp.sum(cnt_ref[...], axis=0)
    dinv = lax.rsqrt(cnt + 1.0)
    h = jnp.dot(x_ref[...], w_ref[...], preferred_element_type=jnp.float32)
    h2_ref[...] = h * dinv[:, None]
    dinv_ref[...] = dinv[:, None]


SCH = 64
NCHK = EPT // SCH
BLK = 8
NBLK = NCHK // BLK
NB = 4


def _agg_body(h2_ref, srcg_ref, dstg_ref, out_ref,
              acc_sh, idxs_v, idxd0, idxd1, buf0, buf1, buf2, buf3,
              sg0, sg1, sg2, sg3, ss0, ss1, ss2, ss3, si0, si1):
    cid = lax.axis_index("c")
    sid = lax.axis_index("s")
    wid = cid * NS + sid
    pltpu.sync_copy(srcg_ref.at[wid], idxs_v)

    zeros = jnp.zeros((16,), jnp.float32)

    def zero_body(r, carry):
        for c in range(D // 16):
            buf0[r, pl.ds(c * 16, 16)] = zeros
        return carry

    lax.fori_loop(0, SCH, zero_body, 0)
    base = sid * STRIPE
    for z in range(STRIPE // SCH):
        pltpu.sync_copy(buf0, acc_sh.at[pl.ds(base + z * SCH, SCH)])
    plsc.subcore_barrier()

    bufs = (buf0, buf1, buf2, buf3)
    sgs = (sg0, sg1, sg2, sg3)
    sss = (ss0, ss1, ss2, ss3)
    idxds = (idxd0, idxd1)
    sis = (si0, si1)

    def gather(row, half, bi):
        return pltpu.make_async_copy(
            h2_ref.at[idxs_v.at[row, pl.ds(half * SCH, SCH)]],
            bufs[bi], sgs[bi])

    def scat_wait(bi, sub):
        pltpu.make_async_copy(bufs[bi], acc_sh.at[idxds[sub].at[0]],
                              sss[bi]).wait()

    def iblock(g, sub):
        return pltpu.make_async_copy(dstg_ref.at[wid, g], idxds[sub],
                                     sis[sub])

    iblock(0, 0).start()
    iblock(1, 1).start()
    gather(0, 0, 0).start()
    gather(0, 1, 1).start()

    def loop(gp, carry):
        for sub in (0, 1):
            g = gp * 2 + sub
            row0 = g * (BLK // 2)
            iblock(g, sub).wait()
            for t in range(BLK):
                bi = t % NB
                k = g * BLK + t
                gather(row0 + t // 2, t % 2, bi).wait()
                pltpu.async_copy(bufs[bi], acc_sh.at[idxds[sub].at[t]],
                                 sss[bi], add=True)
                bj = (t + 2) % NB

                @pl.when(k >= 2)
                def _():
                    scat_wait(bj, sub)

                gather(row0 + (t + 2) // 2, t % 2, bj).start()
            iblock(g + 2, sub).start()
        return carry

    lax.fori_loop(0, NBLK // 2, loop, 0)
    scat_wait(2, 0)
    scat_wait(3, 0)
    gather(NCHK // 2, 0, 0).wait()
    gather(NCHK // 2, 1, 1).wait()
    iblock(NBLK, 0).wait()
    iblock(NBLK + 1, 1).wait()
    plsc.subcore_barrier()

    NZ = STRIPE // SCH

    def cin(z, b):
        return pltpu.make_async_copy(
            acc_sh.at[pl.ds(base + z * SCH, SCH)], bufs[b], sgs[b])

    def cout(z, b):
        return pltpu.make_async_copy(
            bufs[b], out_ref.at[cid, pl.ds(base + z * SCH, SCH)], sss[b])

    for z in range(NB):
        cin(z, z).start()
    for z in range(NZ):
        b = z % NB
        cin(z, b).wait()
        cout(z, b).start()
        if z + NB < NZ:
            cout(z, b).wait()
            cin(z + NB, b).start()
    for z in range(NZ - NB, NZ):
        cout(z, z % NB).wait()


_agg_kernel = functools.partial(
    pl.kernel,
    out_type=jax.ShapeDtypeStruct((NC, NP, D), jnp.float32),
    mesh=_mesh,
    scratch_types=[
        pltpu.VMEM_SHARED((NP, D), jnp.float32),
        pltpu.VMEM((GPT + 2, CH), jnp.int32),
        pltpu.VMEM((BLK, SCH), jnp.int32),
        pltpu.VMEM((BLK, SCH), jnp.int32),
        pltpu.VMEM((SCH, D), jnp.float32),
        pltpu.VMEM((SCH, D), jnp.float32),
        pltpu.VMEM((SCH, D), jnp.float32),
        pltpu.VMEM((SCH, D), jnp.float32),
        pltpu.SemaphoreType.DMA,
        pltpu.SemaphoreType.DMA,
        pltpu.SemaphoreType.DMA,
        pltpu.SemaphoreType.DMA,
        pltpu.SemaphoreType.DMA,
        pltpu.SemaphoreType.DMA,
        pltpu.SemaphoreType.DMA,
        pltpu.SemaphoreType.DMA,
        pltpu.SemaphoreType.DMA,
        pltpu.SemaphoreType.DMA,
    ],
)(_agg_body)


def _fin_body(acc_ref, h2_ref, dinv_ref, b_ref, o_ref):
    s = acc_ref[0] + acc_ref[1] + h2_ref[...]
    o_ref[...] = jnp.maximum(s * dinv_ref[...] + b_ref[...], 0.0)


def kernel(x, edge_index, W, b):
    N = x.shape[0]
    E = edge_index.shape[1]
    ei = edge_index.astype(jnp.int32)
    pad = jnp.full((EP - E,), NP - 1, jnp.int32)
    src = jnp.concatenate([ei[0], pad])
    dst = jnp.concatenate([ei[1], pad])
    srcg = src.reshape(NW, GPT, CH)
    srcg = jnp.concatenate([srcg, jnp.zeros((NW, 2, CH), jnp.int32)], axis=1)
    dstg = dst.reshape(NW, NBLK, BLK, SCH)
    dstg = jnp.concatenate(
        [dstg, jnp.zeros((NW, 2, BLK, SCH), jnp.int32)], axis=1)
    dst_flat = dst.reshape(NW, EPT)
    x_p = jnp.pad(x, ((0, NP - N), (0, 0)))

    cnt_part = _count_kernel(dst_flat)

    h2, dinv = pl.pallas_call(
        _mm_body,
        grid=(GRID,),
        in_specs=[
            pl.BlockSpec((ROWB, D), lambda i: (i, 0)),
            pl.BlockSpec((D, D), lambda i: (0, 0)),
            pl.BlockSpec((NW, ROWB), lambda i: (0, i)),
        ],
        out_specs=[
            pl.BlockSpec((ROWB, D), lambda i: (i, 0)),
            pl.BlockSpec((ROWB, 1), lambda i: (i, 0)),
        ],
        out_shape=[
            jax.ShapeDtypeStruct((NP, D), jnp.float32),
            jax.ShapeDtypeStruct((NP, 1), jnp.float32),
        ],
    )(x_p, W, cnt_part)

    accp = _agg_kernel(h2, srcg, dstg)

    FINB = 400
    out = pl.pallas_call(
        _fin_body,
        grid=(N // FINB,),
        in_specs=[
            pl.BlockSpec((NC, FINB, D), lambda i: (0, i, 0)),
            pl.BlockSpec((FINB, D), lambda i: (i, 0)),
            pl.BlockSpec((FINB, 1), lambda i: (i, 0)),
            pl.BlockSpec((1, D), lambda i: (0, 0)),
        ],
        out_specs=pl.BlockSpec((FINB, D), lambda i: (i, 0)),
        out_shape=jax.ShapeDtypeStruct((N, D), jnp.float32),
    )(accp, h2, dinv, b.reshape(1, D))

    return out

# --- scband reference (transcript-rebuilt; emitter-appended) ---
"""Pipeline reference for scband-gcnencoder-20822001451037 (READ-ONLY COPY).

The authoritative reference and input builder live on the scoring server;
editing this copy changes nothing except your own understanding.
"""

import jax, jax.numpy as jnp
import numpy as np

N_NODES = 10000
N_EDGES = 320000
D_IN = 128
D_HID = 128


def setup_inputs(seed: int = 0) -> dict:
    key = jax.random.key(seed)
    k1, k2, k3, k4 = jax.random.split(key, 4)
    x = jax.random.normal(k1, (N_NODES, D_IN), dtype=jnp.float32)
    edge_index = jax.random.randint(k2, (2, N_EDGES), 0, N_NODES, dtype=jnp.int64)
    # GCNConv learned params (glorot weight, zero bias as in PyG defaults)
    limit = float(np.sqrt(6.0 / (D_IN + D_HID)))
    W = jax.random.uniform(k3, (D_IN, D_HID), dtype=jnp.float32, minval=-limit, maxval=limit)
    b = jnp.zeros((D_HID,), dtype=jnp.float32)
    return {"x": x, "edge_index": edge_index, "W": W, "b": b}


def reference(x, edge_index, W, b):
    N = x.shape[0]
    # GCNConv: linear transform
    h = x @ W
    # add self-loops
    loop = jnp.arange(N, dtype=edge_index.dtype)
    src = jnp.concatenate([edge_index[0], loop])
    dst = jnp.concatenate([edge_index[1], loop])
    # symmetric normalization: deg computed on destination nodes
    deg = jnp.zeros((N,), dtype=h.dtype).at[dst].add(1.0)
    deg_inv_sqrt = jnp.where(deg > 0, jax.lax.rsqrt(jnp.maximum(deg, 1e-12)), 0.0)
    norm = deg_inv_sqrt[src] * deg_inv_sqrt[dst]
    # message = norm * h[src]; aggregate (scatter-add) at dst
    msg = h[src] * norm[:, None]
    out = jnp.zeros((N, h.shape[1]), dtype=h.dtype).at[dst].add(msg)
    out = out + b
    # GCNEncoder applies ReLU after conv1
    return jax.nn.relu(out)

if __name__ == "__main__":
    import jax
    _d = setup_inputs()
    print(jax.jit(kernel)(*tuple(_d.values())))

</pallas_src>

<mosaic_0001>
#map = affine_map<(d0, d1) -> (0, 0)>
module attributes {stable_mosaic.version = 14 : i64} {
  func.func @_count_body(%arg0: i32, %arg1: i32, %arg2: memref<32x10240xi32, #tpu.memory_space<hbm>>, %arg3: memref<32x10240xf32, #tpu.memory_space<hbm>>, %arg4: memref<10240xi32, #tpu.memory_space<vmem>>, %arg5: memref<10240xf32, #tpu.memory_space<vmem>>) attributes {dimension_semantics = [#tpu.dimension_semantics<core_parallel>, #tpu.dimension_semantics<subcore_parallel>], iteration_bounds = array<i64: 2, 16>, scalar_prefetch = 0 : i64, scratch_operands = 2 : i64, tpu.core_type = #tpu.core_type<sc_vector_subcore>, window_params = [{transform_indices = #map}, {transform_indices = #map}]} {
    %mul3A = arith.constant 16 : i32
    %mul3A_0 = arith.muli %arg0, %mul3A : i32
    %add3A = arith.addi %mul3A_0, %arg1 : i32
    "tpu.region"() ({
      %run_scoped3A = tpu.sem_alloc : memref<!tpu.dma_semaphore, #tpu.memory_space<semaphore_mem>>
      %dma_start3A = arith.constant 0 : i32
      %dma_start3A_15 = tpu.memref_slice %arg2[%add3A, %dma_start3A] : memref<32x10240xi32, #tpu.memory_space<hbm>> -> memref<1x10240xi32, #tpu.memory_space<hbm>>
      %dma_start3A_16 = tpu.memref_squeeze %dma_start3A_15 : memref<1x10240xi32, #tpu.memory_space<hbm>> -> memref<10240xi32, #tpu.memory_space<hbm>>
      %dma_start3A_17 = arith.constant 0 : i32
      %dma_start3A_18 = tpu.memref_slice %arg2[%add3A, %dma_start3A_17] : memref<32x10240xi32, #tpu.memory_space<hbm>> -> memref<1x10240xi32, #tpu.memory_space<hbm>>
      %dma_start3A_19 = tpu.memref_squeeze %dma_start3A_18 : memref<1x10240xi32, #tpu.memory_space<hbm>> -> memref<10240xi32, #tpu.memory_space<hbm>>
      tpu.enqueue_dma source(%dma_start3A_19 : memref<10240xi32, #tpu.memory_space<hbm>>) target(%arg4 : memref<10240xi32, #tpu.memory_space<vmem>>) target_semaphore(%run_scoped3A : memref<!tpu.dma_semaphore, #tpu.memory_space<semaphore_mem>>)
      %dma_wait3A = arith.constant 0 : i32
      %dma_wait3A_20 = tpu.memref_slice %arg2[%add3A, %dma_wait3A] : memref<32x10240xi32, #tpu.memory_space<hbm>> -> memref<1x10240xi32, #tpu.memory_space<hbm>>
      %dma_wait3A_21 = tpu.memref_squeeze %dma_wait3A_20 : memref<1x10240xi32, #tpu.memory_space<hbm>> -> memref<10240xi32, #tpu.memory_space<hbm>>
      %dma_wait3A_22 = arith.constant 0 : i32
      %dma_wait3A_23 = tpu.memref_slice %arg2[%add3A, %dma_wait3A_22] : memref<32x10240xi32, #tpu.memory_space<hbm>> -> memref<1x10240xi32, #tpu.memory_space<hbm>>
      %dma_wait3A_24 = tpu.memref_squeeze %dma_wait3A_23 : memref<1x10240xi32, #tpu.memory_space<hbm>> -> memref<10240xi32, #tpu.memory_space<hbm>>
      tpu.wait_dma2 semaphore(%run_scoped3A : memref<!tpu.dma_semaphore, #tpu.memory_space<semaphore_mem>>) src(%dma_wait3A_24 : memref<10240xi32, #tpu.memory_space<hbm>>) dst(%arg4 : memref<10240xi32, #tpu.memory_space<vmem>>)
      tpu.yield
    }) : () -> ()
    %broadcast_in_dim3A = arith.constant 0.000000e+00 : f32
    %broadcast_in_dim3A_1 = vector.broadcast %broadcast_in_dim3A : f32 to vector<16xf32>
    %scan3A = arith.constant 0 : i32
    %scan3A_2 = arith.constant 0 : i32
    %scan3A_3 = arith.constant 640 : i32
    %scan3A_4 = arith.addi %scan3A_2, %scan3A_3 : i32
    %scan3A_5 = arith.constant 1 : i32
    scf.for %scan3A_15 = %scan3A_2 to %scan3A_4 step %scan3A_5  : i32 {
      %mul3A_16 = arith.constant 16 : i32
      %mul3A_17 = arith.muli %scan3A_15, %mul3A_16 : i32
      %swap3A = arith.index_cast %mul3A_17 : i32 to index
      %swap3A_18 = tpu.vector_load %arg5[%swap3A] {strides = array<i32>} : memref<10240xf32, #tpu.memory_space<vmem>>, vector<16xf32>,
      tpu.vector_store %arg5[%swap3A], %broadcast_in_dim3A_1 {strides = array<i32>} : memref<10240xf32, #tpu.memory_space<vmem>>, vector<16xf32>,
    }
    %scan3A_6 = arith.constant 640 : i32
    %broadcast_in_dim3A_7 = arith.constant 1.000000e+00 : f32
    %broadcast_in_dim3A_8 = vector.broadcast %broadcast_in_dim3A_7 : f32 to vector<16xf32>
    %scan3A_9 = arith.constant 0 : i32
    %scan3A_10 = arith.constant 0 : i32
    %scan3A_11 = arith.constant 640 : i32
    %scan3A_12 = arith.addi %scan3A_10, %scan3A_11 : i32
    %scan3A_13 = arith.constant 1 : i32
    scf.for %scan3A_15 = %scan3A_10 to %scan3A_12 step %scan3A_13  : i32 {
      %mul3A_16 = arith.constant 16 : i32
      %mul3A_17 = arith.muli %scan3A_15, %mul3A_16 : i32
      %get3A = arith.index_cast %mul3A_17 : i32 to index
      %get3A_18 = tpu.vector_load %arg4[%get3A] {strides = array<i32>} : memref<10240xi32, #tpu.memory_space<vmem>>, vector<16xi32>,
      tpu.vector_store_idx %arg5[%get3A_18], %broadcast_in_dim3A_8 {add = true} : memref<10240xf32, #tpu.memory_space<vmem>>[vector<16xi32>], vector<16xf32>,
    }
    %scan3A_14 = arith.constant 640 : i32
    "tpu.region"() ({
      %run_scoped3A = tpu.sem_alloc : memref<!tpu.dma_semaphore, #tpu.memory_space<semaphore_mem>>
      %dma_start3A = arith.constant 0 : i32
      %dma_start3A_15 = tpu.memref_slice %arg3[%add3A, %dma_start3A] : memref<32x10240xf32, #tpu.memory_space<hbm>> -> memref<1x10240xf32, #tpu.memory_space<hbm>>
      %dma_start3A_16 = tpu.memref_squeeze %dma_start3A_15 : memref<1x10240xf32, #tpu.memory_space<hbm>> -> memref<10240xf32, #tpu.memory_space<hbm>>
      %dma_start3A_17 = arith.constant 0 : i32
      %dma_start3A_18 = tpu.memref_slice %arg3[%add3A, %dma_start3A_17] : memref<32x10240xf32, #tpu.memory_space<hbm>> -> memref<1x10240xf32, #tpu.memory_space<hbm>>
      %dma_start3A_19 = tpu.memref_squeeze %dma_start3A_18 : memref<1x10240xf32, #tpu.memory_space<hbm>> -> memref<10240xf32, #tpu.memory_space<hbm>>
      tpu.enqueue_dma source(%arg5 : memref<10240xf32, #tpu.memory_space<vmem>>) target(%dma_start3A_19 : memref<10240xf32, #tpu.memory_space<hbm>>) target_semaphore(%run_scoped3A : memref<!tpu.dma_semaphore, #tpu.memory_space<semaphore_mem>>)
      %dma_wait3A = arith.constant 0 : i32
      %dma_wait3A_20 = tpu.memref_slice %arg3[%add3A, %dma_wait3A] : memref<32x10240xf32, #tpu.memory_space<hbm>> -> memref<1x10240xf32, #tpu.memory_space<hbm>>
      %dma_wait3A_21 = tpu.memref_squeeze %dma_wait3A_20 : memref<1x10240xf32, #tpu.memory_space<hbm>> -> memref<10240xf32, #tpu.memory_space<hbm>>
      %dma_wait3A_22 = arith.constant 0 : i32
      %dma_wait3A_23 = tpu.memref_slice %arg3[%add3A, %dma_wait3A_22] : memref<32x10240xf32, #tpu.memory_space<hbm>> -> memref<1x10240xf32, #tpu.memory_space<hbm>>
      %dma_wait3A_24 = tpu.memref_squeeze %dma_wait3A_23 : memref<1x10240xf32, #tpu.memory_space<hbm>> -> memref<10240xf32, #tpu.memory_space<hbm>>
      tpu.wait_dma2 semaphore(%run_scoped3A : memref<!tpu.dma_semaphore, #tpu.memory_space<semaphore_mem>>) src(%arg5 : memref<10240xf32, #tpu.memory_space<vmem>>) dst(%dma_wait3A_24 : memref<10240xf32, #tpu.memory_space<hbm>>)
      tpu.yield
    }) : () -> ()
    return
  }
}

#map = affine_map<(d0, d1) -> (0, 0)>
#map1 = affine_map<(d0, d1) -> (0, 0, 0)>
#map2 = affine_map<(d0, d1) -> (0, 0, 0, 0)>
module attributes {stable_mosaic.version = 14 : i64} {
  func.func @_agg_body(%arg0: i32, %arg1: i32, %arg2: memref<10240x128xf32, #tpu.memory_space<hbm>>, %arg3: memref<32x82x128xi32, #tpu.memory_space<hbm>>, %arg4: memref<32x22x8x64xi32, #tpu.memory_space<hbm>>, %arg5: memref<2x10240x128xf32, #tpu.memory_space<hbm>>, %arg6: memref<10240x128xf32, #tpu.memory_space<vmem_shared>>, %arg7: memref<82x128xi32, #tpu.memory_space<vmem>>, %arg8: memref<8x64xi32, #tpu.memory_space<vmem>>, %arg9: memref<8x64xi32, #tpu.memory_space<vmem>>, %arg10: memref<64x128xf32, #tpu.memory_space<vmem>>, %arg11: memref<64x128xf32, #tpu.memory_space<vmem>>, %arg12: memref<64x128xf32, #tpu.memory_space<vmem>>, %arg13: memref<64x128xf32, #tpu.memory_space<vmem>>, %arg14: memref<!tpu.dma_semaphore, #tpu.memory_space<semaphore_mem>>, %arg15: memref<!tpu.dma_semaphore, #tpu.memory_space<semaphore_mem>>, %arg16: memref<!tpu.dma_semaphore, #tpu.memory_space<semaphore_mem>>, %arg17: memref<!tpu.dma_semaphore, #tpu.memory_space<semaphore_mem>>, %arg18: memref<!tpu.dma_semaphore, #tpu.memory_space<semaphore_mem>>, %arg19: memref<!tpu.dma_semaphore, #tpu.memory_space<semaphore_mem>>, %arg20: memref<!tpu.dma_semaphore, #tpu.memory_space<semaphore_mem>>, %arg21: memref<!tpu.dma_semaphore, #tpu.memory_space<semaphore_mem>>, %arg22: memref<!tpu.dma_semaphore, #tpu.memory_space<semaphore_mem>>, %arg23: memref<!tpu.dma_semaphore, #tpu.memory_space<semaphore_mem>>) attributes {dimension_semantics = [#tpu.dimension_semantics<core_parallel>, #tpu.dimension_semantics<subcore_parallel>], iteration_bounds = array<i64: 2, 16>, scalar_prefetch = 0 : i64, scratch_operands = 18 : i64, tpu.core_type = #tpu.core_type<sc_vector_subcore>, window_params = [{transform_indices = #map}, {transform_indices = #map1}, {transform_indices = #map2}, {transform_indices = #map1}]} {
    %mul3A = arith.constant 16 : i32
    %mul3A_0 = arith.muli %arg0, %mul3A : i32
    %add3A = arith.addi %mul3A_0, %arg1 : i32
    "tpu.region"() ({
      %run_scoped3A = tpu.sem_alloc : memref<!tpu.dma_semaphore, #tpu.memory_space<semaphore_mem>>
      %dma_start3A_392 = arith.constant 0 : i32
      %dma_start3A_393 = arith.constant 0 : i32
      %dma_start3A_394 = tpu.memref_slice %arg3[%add3A, %dma_start3A_392, %dma_start3A_393] : memref<32x82x128xi32, #tpu.memory_space<hbm>> -> memref<1x82x128xi32, #tpu.memory_space<hbm>>
      %dma_start3A_395 = tpu.memref_squeeze %dma_start3A_394 : memref<1x82x128xi32, #tpu.memory_space<hbm>> -> memref<82x128xi32, #tpu.memory_space<hbm>>
      %dma_start3A_396 = arith.constant 0 : i32
      %dma_start3A_397 = arith.constant 0 : i32
      %dma_start3A_398 = tpu.memref_slice %arg3[%add3A, %dma_start3A_396, %dma_start3A_397] : memref<32x82x128xi32, #tpu.memory_space<hbm>> -> memref<1x82x128xi32, #tpu.memory_space<hbm>>
      %dma_start3A_399 = tpu.memref_squeeze %dma_start3A_398 : memref<1x82x128xi32, #tpu.memory_space<hbm>> -> memref<82x128xi32, #tpu.memory_space<hbm>>
      tpu.enqueue_dma source(%dma_start3A_399 : memref<82x128xi32, #tpu.memory_space<hbm>>) target(%arg7 : memref<82x128xi32, #tpu.memory_space<vmem>>) target_semaphore(%run_scoped3A : memref<!tpu.dma_semaphore, #tpu.memory_space<semaphore_mem>>)
      %dma_wait3A_400 = arith.constant 0 : i32
      %dma_wait3A_401 = arith.constant 0 : i32
      %dma_wait3A_402 = tpu.memref_slice %arg3[%add3A, %dma_wait3A_400, %dma_wait3A_401] : memref<32x82x128xi32, #tpu.memory_space<hbm>> -> memref<1x82x128xi32, #tpu.memory_space<hbm>>
      %dma_wait3A_403 = tpu.memref_squeeze %dma_wait3A_402 : memref<1x82x128xi32, #tpu.memory_space<hbm>> -> memref<82x128xi32, #tpu.memory_space<hbm>>
      %dma_wait3A_404 = arith.constant 0 : i32
      %dma_wait3A_405 = arith.constant 0 : i32
      %dma_wait3A_406 = tpu.memref_slice %arg3[%add3A, %dma_wait3A_404, %dma_wait3A_405] : memref<32x82x128xi32, #tpu.memory_space<hbm>> -> memref<1x82x128xi32, #tpu.memory_space<hbm>>
      %dma_wait3A_407 = tpu.memref_squeeze %dma_wait3A_406 : memref<1x82x128xi32, #tpu.memory_space<hbm>> -> memref<82x128xi32, #tpu.memory_space<hbm>>
      tpu.wait_dma2 semaphore(%run_scoped3A : memref<!tpu.dma_semaphore, #tpu.memory_space<semaphore_mem>>) src(%dma_wait3A_407 : memref<82x128xi32, #tpu.memory_space<hbm>>) dst(%arg7 : memref<82x128xi32, #tpu.memory_space<vmem>>)
      tpu.yield
    }) : () -> ()
    %broadcast_in_dim3A = arith.constant 0.000000e+00 : f32
    %broadcast_in_dim3A_1 = vector.broadcast %broadcast_in_dim3A : f32 to vector<16xf32>
    %scan3A = arith.constant 0 : i32
    %scan3A_2 = arith.constant 0 : i32
    %scan3A_3 = arith.constant 64 : i32
    %scan3A_4 = arith.addi %scan3A_2, %scan3A_3 : i32
    %scan3A_5 = arith.constant 1 : i32
    scf.for %scan3A_392 = %scan3A_2 to %scan3A_4 step %scan3A_5  : i32 {
      %swap3A = arith.index_cast %scan3A_392 : i32 to index
      %swap3A_393 = arith.constant 0 : index
      %swap3A_394 = tpu.vector_load %arg10[%swap3A, %swap3A_393] {strides = array<i32>} : memref<64x128xf32, #tpu.memory_space<vmem>>, vector<1x16xf32>,
      %swap3A_395 = vector.shape_cast %swap3A_394 : vector<1x16xf32> to vector<16xf32>
      %swap3A_396 = vector.shape_cast %broadcast_in_dim3A_1 : vector<16xf32> to vector<1x16xf32>
      tpu.vector_store %arg10[%swap3A, %swap3A_393], %swap3A_396 {strides = array<i32>} : memref<64x128xf32, #tpu.memory_space<vmem>>, vector<1x16xf32>,
      %swap3A_397 = arith.index_cast %scan3A_392 : i32 to index
      %swap3A_398 = arith.constant 16 : index
      %swap3A_399 = tpu.vector_load %arg10[%swap3A_397, %swap3A_398] {strides = array<i32>} : memref<64x128xf32, #tpu.memory_space<vmem>>, vector<1x16xf32>,
      %swap3A_400 = vector.shape_cast %swap3A_399 : vector<1x16xf32> to vector<16xf32>
      %swap3A_401 = vector.shape_cast %broadcast_in_dim3A_1 : vector<16xf32> to vector<1x16xf32>
      tpu.vector_store %arg10[%swap3A_397, %swap3A_398], %swap3A_401 {strides = array<i32>} : memref<64x128xf32, #tpu.memory_space<vmem>>, vector<1x16xf32>,
      %swap3A_402 = arith.index_cast %scan3A_392 : i32 to index
      %swap3A_403 = arith.constant 32 : index
      %swap3A_404 = tpu.vector_load %arg10[%swap3A_402, %swap3A_403] {strides = array<i32>} : memref<64x128xf32, #tpu.memory_space<vmem>>, vector<1x16xf32>,
      %swap3A_405 = vector.shape_cast %swap3A_404 : vector<1x16xf32> to vector<16xf32>
      %swap3A_406 = vector.shape_cast %broadcast_in_dim3A_1 : vector<16xf32> to vector<1x16xf32>
      tpu.vector_store %arg10[%swap3A_402, %swap3A_403], %swap3A_406 {strides = array<i32>} : memref<64x128xf32, #tpu.memory_space<vmem>>, vector<1x16xf32>,
      %swap3A_407 = arith.index_cast %scan3A_392 : i32 to index
      %swap3A_408 = arith.constant 48 : index
      %swap3A_409 = tpu.vector_load %arg10[%swap3A_407, %swap3A_408] {strides = array<i32>} : memref<64x128xf32, #tpu.memory_space<vmem>>, vector<1x16xf32>,
      %swap3A_410 = vector.shape_cast %swap3A_409 : vector<1x16xf32> to vector<16xf32>
      %swap3A_411 = vector.shape_cast %broadcast_in_dim3A_1 : vector<16xf32> to vector<1x16xf32>
      tpu.vector_store %arg10[%swap3A_407, %swap3A_408], %swap3A_411 {strides = array<i32>} : memref<64x128xf32, #tpu.memory_space<vmem>>, vector<1x16xf32>,
      %swap3A_412 = arith.index_cast %scan3A_392 : i32 to index
      %swap3A_413 = arith.constant 64 : index
      %swap3A_414 = tpu.vector_load %arg10[%swap3A_412, %swap3A_413] {strides = array<i32>} : memref<64x128xf32, #tpu.memory_space<vmem>>, vector<1x16xf32>,
      %swap3A_415 = vector.shape_cast %swap3A_414 : vector<1x16xf32> to vector<16xf32>
      %swap3A_416 = vector.shape_cast %broadcast_in_dim3A_1 : vector<16xf32> to vector<1x16xf32>
      tpu.vector_store %arg10[%swap3A_412, %swap3A_413], %swap3A_416 {strides = array<i32>} : memref<64x128xf32, #tpu.memory_space<vmem>>, vector<1x16xf32>,
      %swap3A_417 = arith.index_cast %scan3A_392 : i32 to index
      %swap3A_418 = arith.constant 80 : index
      %swap3A_419 = tpu.vector_load %arg10[%swap3A_417, %swap3A_418] {strides = array<i32>} : memref<64x128xf32, #tpu.memory_space<vmem>>, vector<1x16xf32>,
      %swap3A_420 = vector.shape_cast %swap3A_419 : vector<1x16xf32> to vector<16xf32>
      %swap3A_421 = vector.shape_cast %broadcast_in_dim3A_1 : vector<16xf32> to vector<1x16xf32>
      tpu.vector_store %arg10[%swap3A_417, %swap3A_418], %swap3A_421 {strides = array<i32>} : memref<64x128xf32, #tpu.memory_space<vmem>>, vector<1x16xf32>,
      %swap3A_422 = arith.index_cast %scan3A_392 : i32 to index
      %swap3A_423 = arith.constant 96 : index
      %swap3A_424 = tpu.vector_load %arg10[%swap3A_422, %swap3A_423] {strides = array<i32>} : memref<64x128xf32, #tpu.memory_space<vmem>>, vector<1x16xf32>,
      %swap3A_425 = vector.shape_cast %swap3A_424 : vector<1x16xf32> to vector<16xf32>
      %swap3A_426 = vector.shape_cast %broadcast_in_dim3A_1 : vector<16xf32> to vector<1x16xf32>
      tpu.vector_store %arg10[%swap3A_422, %swap3A_423], %swap3A_426 {strides = array<i32>} : memref<64x128xf32, #tpu.memory_space<vmem>>, vector<1x16xf32>,
      %swap3A_427 = arith.index_cast %scan3A_392 : i32 to index
      %swap3A_428 = arith.constant 112 : index
      %swap3A_429 = tpu.vector_load %arg10[%swap3A_427, %swap3A_428] {strides = array<i32>} : memref<64x128xf32, #tpu.memory_space<vmem>>, vector<1x16xf32>,
      %swap3A_430 = vector.shape_cast %swap3A_429 : vector<1x16xf32> to vector<16xf32>
      %swap3A_431 = vector.shape_cast %broadcast_in_dim3A_1 : vector<16xf32> to vector<1x16xf32>
      tpu.vector_store %arg10[%swap3A_427, %swap3A_428], %swap3A_431 {strides = array<i32>} : memref<64x128xf32, #tpu.memory_space<vmem>>, vector<1x16xf32>,
    }
    %scan3A_6 = arith.constant 64 : i32
    %mul3A_7 = arith.constant 640 : i32
    %mul3A_8 = arith.muli %arg1, %mul3A_7 : i32
    %add3A_9 = arith.constant 0 : i32
    %add3A_10 = arith.addi %mul3A_8, %add3A_9 : i32
    "tpu.region"() ({
      %run_scoped3A = tpu.sem_alloc : memref<!tpu.dma_semaphore, #tpu.memory_space<semaphore_mem>>
      %dma_start3A_392 = arith.constant 0 : i32
      %dma_start3A_393 = tpu.memref_slice %arg6[%add3A_10, %dma_start3A_392] : memref<10240x128xf32, #tpu.memory_space<vmem_shared>> -> memref<64x128xf32, #tpu.memory_space<vmem_shared>>
      %dma_start3A_394 = arith.constant 0 : i32
      %dma_start3A_395 = tpu.memref_slice %arg6[%add3A_10, %dma_start3A_394] : memref<10240x128xf32, #tpu.memory_space<vmem_shared>> -> memref<64x128xf32, #tpu.memory_space<vmem_shared>>
      tpu.enqueue_dma source(%arg10 : memref<64x128xf32, #tpu.memory_space<vmem>>) target(%dma_start3A_395 : memref<64x128xf32, #tpu.memory_space<vmem_shared>>) target_semaphore(%run_scoped3A : memref<!tpu.dma_semaphore, #tpu.memory_space<semaphore_mem>>)
      %dma_wait3A_396 = arith.constant 0 : i32
      %dma_wait3A_397 = tpu.memref_slice %arg6[%add3A_10, %dma_wait3A_396] : memref<10240x128xf32, #tpu.memory_space<vmem_shared>> -> memref<64x128xf32, #tpu.memory_space<vmem_shared>>
      %dma_wait3A_398 = arith.constant 0 : i32
      %dma_wait3A_399 = tpu.memref_slice %arg6[%add3A_10, %dma_wait3A_398] : memref<10240x128xf32, #tpu.memory_space<vmem_shared>> -> memref<64x128xf32, #tpu.memory_space<vmem_shared>>
      tpu.wait_dma2 semaphore(%run_scoped3A : memref<!tpu.dma_semaphore, #tpu.memory_space<semaphore_mem>>) src(%arg10 : memref<64x128xf32, #tpu.memory_space<vmem>>) dst(%dma_wait3A_399 : memref<64x128xf32, #tpu.memory_space<vmem_shared>>)
      tpu.yield
    }) : () -> ()
    %add3A_11 = arith.constant 64 : i32
    %add3A_12 = arith.addi %mul3A_8, %add3A_11 : i32
    "tpu.region"() ({
      %run_scoped3A = tpu.sem_alloc : memref<!tpu.dma_semaphore, #tpu.memory_space<semaphore_mem>>
      %dma_start3A_392 = arith.constant 0 : i32
      %dma_start3A_393 = tpu.memref_slice %arg6[%add3A_12, %dma_start3A_392] : memref<10240x128xf32, #tpu.memory_space<vmem_shared>> -> memref<64x128xf32, #tpu.memory_space<vmem_shared>>
      %dma_start3A_394 = arith.constant 0 : i32
      %dma_start3A_395 = tpu.memref_slice %arg6[%add3A_12, %dma_start3A_394] : memref<10240x128xf32, #tpu.memory_space<vmem_shared>> -> memref<64x128xf32, #tpu.memory_space<vmem_shared>>
      tpu.enqueue_dma source(%arg10 : memref<64x128xf32, #tpu.memory_space<vmem>>) target(%dma_start3A_395 : memref<64x128xf32, #tpu.memory_space<vmem_shared>>) target_semaphore(%run_scoped3A : memref<!tpu.dma_semaphore, #tpu.memory_space<semaphore_mem>>)
      %dma_wait3A_396 = arith.constant 0 : i32
      %dma_wait3A_397 = tpu.memref_slice %arg6[%add3A_12, %dma_wait3A_396] : memref<10240x128xf32, #tpu.memory_space<vmem_shared>> -> memref<64x128xf32, #tpu.memory_space<vmem_shared>>
      %dma_wait3A_398 = arith.constant 0 : i32
      %dma_wait3A_399 = tpu.memref_slice %arg6[%add3A_12, %dma_wait3A_398] : memref<10240x128xf32, #tpu.memory_space<vmem_shared>> -> memref<64x128xf32, #tpu.memory_space<vmem_shared>>
      tpu.wait_dma2 semaphore(%run_scoped3A : memref<!tpu.dma_semaphore, #tpu.memory_space<semaphore_mem>>) src(%arg10 : memref<64x128xf32, #tpu.memory_space<vmem>>) dst(%dma_wait3A_399 : memref<64x128xf32, #tpu.memory_space<vmem_shared>>)
      tpu.yield
    }) : () -> ()
    %add3A_13 = arith.constant 128 : i32
    %add3A_14 = arith.addi %mul3A_8, %add3A_13 : i32
    "tpu.region"() ({
      %run_scoped3A = tpu.sem_alloc : memref<!tpu.dma_semaphore, #tpu.memory_space<semaphore_mem>>
      %dma_start3A_392 = arith.constant 0 : i32
      %dma_start3A_393 = tpu.memref_slice %arg6[%add3A_14, %dma_start3A_392] : memref<10240x128xf32, #tpu.memory_space<vmem_shared>> -> memref<64x128xf32, #tpu.memory_space<vmem_shared>>
      %dma_start3A_394 = arith.constant 0 : i32
      %dma_start3A_395 = tpu.memref_slice %arg6[%add3A_14, %dma_start3A_394] : memref<10240x128xf32, #tpu.memory_space<vmem_shared>> -> memref<64x128xf32, #tpu.memory_space<vmem_shared>>
      tpu.enqueue_dma source(%arg10 : memref<64x128xf32, #tpu.memory_space<vmem>>) target(%dma_start3A_395 : memref<64x128xf32, #tpu.memory_space<vmem_shared>>) target_semaphore(%run_scoped3A : memref<!tpu.dma_semaphore, #tpu.memory_space<semaphore_mem>>)
      %dma_wait3A_396 = arith.constant 0 : i32
      %dma_wait3A_397 = tpu.memref_slice %arg6[%add3A_14, %dma_wait3A_396] : memref<10240x128xf32, #tpu.memory_space<vmem_shared>> -> memref<64x128xf32, #tpu.memory_space<vmem_shared>>
      %dma_wait3A_398 = arith.constant 0 : i32
      %dma_wait3A_399 = tpu.memref_slice %arg6[%add3A_14, %dma_wait3A_398] : memref<10240x128xf32, #tpu.memory_space<vmem_shared>> -> memref<64x128xf32, #tpu.memory_space<vmem_shared>>
      tpu.wait_dma2 semaphore(%run_scoped3A : memref<!tpu.dma_semaphore, #tpu.memory_space<semaphore_mem>>) src(%arg10 : memref<64x128xf32, #tpu.memory_space<vmem>>) dst(%dma_wait3A_399 : memref<64x128xf32, #tpu.memory_space<vmem_shared>>)
      tpu.yield
    }) : () -> ()
    %add3A_15 = arith.constant 192 : i32
    %add3A_16 = arith.addi %mul3A_8, %add3A_15 : i32
    "tpu.region"() ({
      %run_scoped3A = tpu.sem_alloc : memref<!tpu.dma_semaphore, #tpu.memory_space<semaphore_mem>>
      %dma_start3A_392 = arith.constant 0 : i32
      %dma_start3A_393 = tpu.memref_slice %arg6[%add3A_16, %dma_start3A_392] : memref<10240x128xf32, #tpu.memory_space<vmem_shared>> -> memref<64x128xf32, #tpu.memory_space<vmem_shared>>
      %dma_start3A_394 = arith.constant 0 : i32
      %dma_start3A_395 = tpu.memref_slice %arg6[%add3A_16, %dma_start3A_394] : memref<10240x128xf32, #tpu.memory_space<vmem_shared>> -> memref<64x128xf32, #tpu.memory_space<vmem_shared>>
      tpu.enqueue_dma source(%arg10 : memref<64x128xf32, #tpu.memory_space<vmem>>) target(%dma_start3A_395 : memref<64x128xf32, #tpu.memory_space<vmem_shared>>) target_semaphore(%run_scoped3A : memref<!tpu.dma_semaphore, #tpu.memory_space<semaphore_mem>>)
      %dma_wait3A_396 = arith.constant 0 : i32
      %dma_wait3A_397 = tpu.memref_slice %arg6[%add3A_16, %dma_wait3A_396] : memref<10240x128xf32, #tpu.memory_space<vmem_shared>> -> memref<64x128xf32, #tpu.memory_space<vmem_shared>>
      %dma_wait3A_398 = arith.constant 0 : i32
      %dma_wait3A_399 = tpu.memref_slice %arg6[%add3A_16, %dma_wait3A_398] : memref<10240x128xf32, #tpu.memory_space<vmem_shared>> -> memref<64x128xf32, #tpu.memory_space<vmem_shared>>
      tpu.wait_dma2 semaphore(%run_scoped3A : memref<!tpu.dma_semaphore, #tpu.memory_space<semaphore_mem>>) src(%arg10 : memref<64x128xf32, #tpu.memory_space<vmem>>) dst(%dma_wait3A_399 : memref<64x128xf32, #tpu.memory_space<vmem_shared>>)
      tpu.yield
    }) : () -> ()
    %add3A_17 = arith.constant 256 : i32
    %add3A_18 = arith.addi %mul3A_8, %add3A_17 : i32
    "tpu.region"() ({
      %run_scoped3A = tpu.sem_alloc : memref<!tpu.dma_semaphore, #tpu.memory_space<semaphore_mem>>
      %dma_start3A_392 = arith.constant 0 : i32
      %dma_start3A_393 = tpu.memref_slice %arg6[%add3A_18, %dma_start3A_392] : memref<10240x128xf32, #tpu.memory_space<vmem_shared>> -> memref<64x128xf32, #tpu.memory_space<vmem_shared>>
      %dma_start3A_394 = arith.constant 0 : i32
      %dma_start3A_395 = tpu.memref_slice %arg6[%add3A_18, %dma_start3A_394] : memref<10240x128xf32, #tpu.memory_space<vmem_shared>> -> memref<64x128xf32, #tpu.memory_space<vmem_shared>>
      tpu.enqueue_dma source(%arg10 : memref<64x128xf32, #tpu.memory_space<vmem>>) target(%dma_start3A_395 : memref<64x128xf32, #tpu.memory_space<vmem_shared>>) target_semaphore(%run_scoped3A : memref<!tpu.dma_semaphore, #tpu.memory_space<semaphore_mem>>)
      %dma_wait3A_396 = arith.constant 0 : i32
      %dma_wait3A_397 = tpu.memref_slice %arg6[%add3A_18, %dma_wait3A_396] : memref<10240x128xf32, #tpu.memory_space<vmem_shared>> -> memref<64x128xf32, #tpu.memory_space<vmem_shared>>
      %dma_wait3A_398 = arith.constant 0 : i32
      %dma_wait3A_399 = tpu.memref_slice %arg6[%add3A_18, %dma_wait3A_398] : memref<10240x128xf32, #tpu.memory_space<vmem_shared>> -> memref<64x128xf32, #tpu.memory_space<vmem_shared>>
      tpu.wait_dma2 semaphore(%run_scoped3A : memref<!tpu.dma_semaphore, #tpu.memory_space<semaphore_mem>>) src(%arg10 : memref<64x128xf32, #tpu.memory_space<vmem>>) dst(%dma_wait3A_399 : memref<64x128xf32, #tpu.memory_space<vmem_shared>>)
      tpu.yield
    }) : () -> ()
    %add3A_19 = arith.constant 320 : i32
    %add3A_20 = arith.addi %mul3A_8, %add3A_19 : i32
    "tpu.region"() ({
      %run_scoped3A = tpu.sem_alloc : memref<!tpu.dma_semaphore, #tpu.memory_space<semaphore_mem>>
      %dma_start3A_392 = arith.constant 0 : i32
      %dma_start3A_393 = tpu.memref_slice %arg6[%add3A_20, %dma_start3A_392] : memref<10240x128xf32, #tpu.memory_space<vmem_shared>> -> memref<64x128xf32, #tpu.memory_space<vmem_shared>>
      %dma_start3A_394 = arith.constant 0 : i32
      %dma_start3A_395 = tpu.memref_slice %arg6[%add3A_20, %dma_start3A_394] : memref<10240x128xf32, #tpu.memory_space<vmem_shared>> -> memref<64x128xf32, #tpu.memory_space<vmem_shared>>
      tpu.enqueue_dma source(%arg10 : memref<64x128xf32, #tpu.memory_space<vmem>>) target(%dma_start3A_395 : memref<64x128xf32, #tpu.memory_space<vmem_shared>>) target_semaphore(%run_scoped3A : memref<!tpu.dma_semaphore, #tpu.memory_space<semaphore_mem>>)
      %dma_wait3A_396 = arith.constant 0 : i32
      %dma_wait3A_397 = tpu.memref_slice %arg6[%add3A_20, %dma_wait3A_396] : memref<10240x128xf32, #tpu.memory_space<vmem_shared>> -> memref<64x128xf32, #tpu.memory_space<vmem_shared>>
      %dma_wait3A_398 = arith.constant 0 : i32
      %dma_wait3A_399 = tpu.memref_slice %arg6[%add3A_20, %dma_wait3A_398] : memref<10240x128xf32, #tpu.memory_space<vmem_shared>> -> memref<64x128xf32, #tpu.memory_space<vmem_shared>>
      tpu.wait_dma2 semaphore(%run_scoped3A : memref<!tpu.dma_semaphore, #tpu.memory_space<semaphore_mem>>) src(%arg10 : memref<64x128xf32, #tpu.memory_space<vmem>>) dst(%dma_wait3A_399 : memref<64x128xf32, #tpu.memory_space<vmem_shared>>)
      tpu.yield
    }) : () -> ()
    %add3A_21 = arith.constant 384 : i32
    %add3A_22 = arith.addi %mul3A_8, %add3A_21 : i32
    "tpu.region"() ({
      %run_scoped3A = tpu.sem_alloc : memref<!tpu.dma_semaphore, #tpu.memory_space<semaphore_mem>>
      %dma_start3A_392 = arith.constant 0 : i32
      %dma_start3A_393 = tpu.memref_slice %arg6[%add3A_22, %dma_start3A_392] : memref<10240x128xf32, #tpu.memory_space<vmem_shared>> -> memref<64x128xf32, #tpu.memory_space<vmem_shared>>
      %dma_start3A_394 = arith.constant 0 : i32
      %dma_start3A_395 = tpu.memref_slice %arg6[%add3A_22, %dma_start3A_394] : memref<10240x128xf32, #tpu.memory_space<vmem_shared>> -> memref<64x128xf32, #tpu.memory_space<vmem_shared>>
      tpu.enqueue_dma source(%arg10 : memref<64x128xf32, #tpu.memory_space<vmem>>) target(%dma_start3A_395 : memref<64x128xf32, #tpu.memory_space<vmem_shared>>) target_semaphore(%run_scoped3A : memref<!tpu.dma_semaphore, #tpu.memory_space<semaphore_mem>>)
      %dma_wait3A_396 = arith.constant 0 : i32
      %dma_wait3A_397 = tpu.memref_slice %arg6[%add3A_22, %dma_wait3A_396] : memref<10240x128xf32, #tpu.memory_space<vmem_shared>> -> memref<64x128xf32, #tpu.memory_space<vmem_shared>>
      %dma_wait3A_398 = arith.constant 0 : i32
      %dma_wait3A_399 = tpu.memref_slice %arg6[%add3A_22, %dma_wait3A_398] : memref<10240x128xf32, #tpu.memory_space<vmem_shared>> -> memref<64x128xf32, #tpu.memory_space<vmem_shared>>
      tpu.wait_dma2 semaphore(%run_scoped3A : memref<!tpu.dma_semaphore, #tpu.memory_space<semaphore_mem>>) src(%arg10 : memref<64x128xf32, #tpu.memory_space<vmem>>) dst(%dma_wait3A_399 : memref<64x128xf32, #tpu.memory_space<vmem_shared>>)
      tpu.yield
    }) : () -> ()
    %add3A_23 = arith.constant 448 : i32
    %add3A_24 = arith.addi %mul3A_8, %add3A_23 : i32
    "tpu.region"() ({
      %run_scoped3A = tpu.sem_alloc : memref<!tpu.dma_semaphore, #tpu.memory_space<semaphore_mem>>
      %dma_start3A_392 = arith.constant 0 : i32
      %dma_start3A_393 = tpu.memref_slice %arg6[%add3A_24, %dma_start3A_392] : memref<10240x128xf32, #tpu.memory_space<vmem_shared>> -> memref<64x128xf32, #tpu.memory_space<vmem_shared>>
      %dma_start3A_394 = arith.constant 0 : i32
      %dma_start3A_395 = tpu.memref_slice %arg6[%add3A_24, %dma_start3A_394] : memref<10240x128xf32, #tpu.memory_space<vmem_shared>> -> memref<64x128xf32, #tpu.memory_space<vmem_shared>>
      tpu.enqueue_dma source(%arg10 : memref<64x128xf32, #tpu.memory_space<vmem>>) target(%dma_start3A_395 : memref<64x128xf32, #tpu.memory_space<vmem_shared>>) target_semaphore(%run_scoped3A : memref<!tpu.dma_semaphore, #tpu.memory_space<semaphore_mem>>)
      %dma_wait3A_396 = arith.constant 0 : i32
      %dma_wait3A_397 = tpu.memref_slice %arg6[%add3A_24, %dma_wait3A_396] : memref<10240x128xf32, #tpu.memory_space<vmem_shared>> -> memref<64x128xf32, #tpu.memory_space<vmem_shared>>
      %dma_wait3A_398 = arith.constant 0 : i32
      %dma_wait3A_399 = tpu.memref_slice %arg6[%add3A_24, %dma_wait3A_398] : memref<10240x128xf32, #tpu.memory_space<vmem_shared>> -> memref<64x128xf32, #tpu.memory_space<vmem_shared>>
      tpu.wait_dma2 semaphore(%run_scoped3A : memref<!tpu.dma_semaphore, #tpu.memory_space<semaphore_mem>>) src(%arg10 : memref<64x128xf32, #tpu.memory_space<vmem>>) dst(%dma_wait3A_399 : memref<64x128xf32, #tpu.memory_space<vmem_shared>>)
      tpu.yield
    }) : () -> ()
    %add3A_25 = arith.constant 512 : i32
    %add3A_26 = arith.addi %mul3A_8, %add3A_25 : i32
    "tpu.region"() ({
      %run_scoped3A = tpu.sem_alloc : memref<!tpu.dma_semaphore, #tpu.memory_space<semaphore_mem>>
      %dma_start3A_392 = arith.constant 0 : i32
      %dma_start3A_393 = tpu.memref_slice %arg6[%add3A_26, %dma_start3A_392] : memref<10240x128xf32, #tpu.memory_space<vmem_shared>> -> memref<64x128xf32, #tpu.memory_space<vmem_shared>>
      %dma_start3A_394 = arith.constant 0 : i32
      %dma_start3A_395 = tpu.memref_slice %arg6[%add3A_26, %dma_start3A_394] : memref<10240x128xf32, #tpu.memory_space<vmem_shared>> -> memref<64x128xf32, #tpu.memory_space<vmem_shared>>
      tpu.enqueue_dma source(%arg10 : memref<64x128xf32, #tpu.memory_space<vmem>>) target(%dma_start3A_395 : memref<64x128xf32, #tpu.memory_space<vmem_shared>>) target_semaphore(%run_scoped3A : memref<!tpu.dma_semaphore, #tpu.memory_space<semaphore_mem>>)
      %dma_wait3A_396 = arith.constant 0 : i32
      %dma_wait3A_397 = tpu.memref_slice %arg6[%add3A_26, %dma_wait3A_396] : memref<10240x128xf32, #tpu.memory_space<vmem_shared>> -> memref<64x128xf32, #tpu.memory_space<vmem_shared>>
      %dma_wait3A_398 = arith.constant 0 : i32
      %dma_wait3A_399 = tpu.memref_slice %arg6[%add3A_26, %dma_wait3A_398] : memref<10240x128xf32, #tpu.memory_space<vmem_shared>> -> memref<64x128xf32, #tpu.memory_space<vmem_shared>>
      tpu.wait_dma2 semaphore(%run_scoped3A : memref<!tpu.dma_semaphore, #tpu.memory_space<semaphore_mem>>) src(%arg10 : memref<64x128xf32, #tpu.memory_space<vmem>>) dst(%dma_wait3A_399 : memref<64x128xf32, #tpu.memory_space<vmem_shared>>)
      tpu.yield
    }) : () -> ()
    %add3A_27 = arith.constant 576 : i32
    %add3A_28 = arith.addi %mul3A_8, %add3A_27 : i32
    "tpu.region"() ({
      %run_scoped3A = tpu.sem_alloc : memref<!tpu.dma_semaphore, #tpu.memory_space<semaphore_mem>>
      %dma_start3A_392 = arith.constant 0 : i32
      %dma_start3A_393 = tpu.memref_slice %arg6[%add3A_28, %dma_start3A_392] : memref<10240x128xf32, #tpu.memory_space<vmem_shared>> -> memref<64x128xf32, #tpu.memory_space<vmem_shared>>
      %dma_start3A_394 = arith.constant 0 : i32
      %dma_start3A_395 = tpu.memref_slice %arg6[%add3A_28, %dma_start3A_394] : memref<10240x128xf32, #tpu.memory_space<vmem_shared>> -> memref<64x128xf32, #tpu.memory_space<vmem_shared>>
      tpu.enqueue_dma source(%arg10 : memref<64x128xf32, #tpu.memory_space<vmem>>) target(%dma_start3A_395 : memref<64x128xf32, #tpu.memory_space<vmem_shared>>) target_semaphore(%run_scoped3A : memref<!tpu.dma_semaphore, #tpu.memory_space<semaphore_mem>>)
      %dma_wait3A_396 = arith.constant 0 : i32
      %dma_wait3A_397 = tpu.memref_slice %arg6[%add3A_28, %dma_wait3A_396] : memref<10240x128xf32, #tpu.memory_space<vmem_shared>> -> memref<64x128xf32, #tpu.memory_space<vmem_shared>>
      %dma_wait3A_398 = arith.constant 0 : i32
      %dma_wait3A_399 = tpu.memref_slice %arg6[%add3A_28, %dma_wait3A_398] : memref<10240x128xf32, #tpu.memory_space<vmem_shared>> -> memref<64x128xf32, #tpu.memory_space<vmem_shared>>
      tpu.wait_dma2 semaphore(%run_scoped3A : memref<!tpu.dma_semaphore, #tpu.memory_space<semaphore_mem>>) src(%arg10 : memref<64x128xf32, #tpu.memory_space<vmem>>) dst(%dma_wait3A_399 : memref<64x128xf32, #tpu.memory_space<vmem_shared>>)
      tpu.yield
    }) : () -> ()
    %barrier3A = arith.constant 0 : index
    tpu.barrier barrier_id(%barrier3A)
    %dma_start3A = arith.constant 0 : i32
    %dma_start3A_29 = arith.constant 0 : i32
    %dma_start3A_30 = arith.constant 0 : i32
    %dma_start3A_31 = tpu.memref_slice %arg4[%add3A, %dma_start3A, %dma_start3A_29, %dma_start3A_30] : memref<32x22x8x64xi32, #tpu.memory_space<hbm>> -> memref<1x1x8x64xi32, #tpu.memory_space<hbm>>
    %dma_start3A_32 = tpu.memref_squeeze %dma_start3A_31 : memref<1x1x8x64xi32, #tpu.memory_space<hbm>> -> memref<8x64xi32, #tpu.memory_space<hbm>>
    %dma_start3A_33 = arith.constant 0 : i32
    %dma_start3A_34 = arith.constant 0 : i32
    %dma_start3A_35 = tpu.memref_slice %arg4[%add3A, %dma_start3A, %dma_start3A_33, %dma_start3A_34] : memref<32x22x8x64xi32, #tpu.memory_space<hbm>> -> memref<1x1x8x64xi32, #tpu.memory_space<hbm>>
    %dma_start3A_36 = tpu.memref_squeeze %dma_start3A_35 : memref<1x1x8x64xi32, #tpu.memory_space<hbm>> -> memref<8x64xi32, #tpu.memory_space<hbm>>
    tpu.enqueue_dma source(%dma_start3A_36 : memref<8x64xi32, #tpu.memory_space<hbm>>) target(%arg8 : memref<8x64xi32, #tpu.memory_space<vmem>>) target_semaphore(%arg22 : memref<!tpu.dma_semaphore, #tpu.memory_space<semaphore_mem>>)
    %dma_start3A_37 = arith.constant 1 : i32
    %dma_start3A_38 = arith.constant 0 : i32
    %dma_start3A_39 = arith.constant 0 : i32
    %dma_start3A_40 = tpu.memref_slice %arg4[%add3A, %dma_start3A_37, %dma_start3A_38, %dma_start3A_39] : memref<32x22x8x64xi32, #tpu.memory_space<hbm>> -> memref<1x1x8x64xi32, #tpu.memory_space<hbm>>
    %dma_start3A_41 = tpu.memref_squeeze %dma_start3A_40 : memref<1x1x8x64xi32, #tpu.memory_space<hbm>> -> memref<8x64xi32, #tpu.memory_space<hbm>>
    %dma_start3A_42 = arith.constant 0 : i32
    %dma_start3A_43 = arith.constant 0 : i32
    %dma_start3A_44 = tpu.memref_slice %arg4[%add3A, %dma_start3A_37, %dma_start3A_42, %dma_start3A_43] : memref<32x22x8x64xi32, #tpu.memory_space<hbm>> -> memref<1x1x8x64xi32, #tpu.memory_space<hbm>>
    %dma_start3A_45 = tpu.memref_squeeze %dma_start3A_44 : memref<1x1x8x64xi32, #tpu.memory_space<hbm>> -> memref<8x64xi32, #tpu.memory_space<hbm>>
    tpu.enqueue_dma source(%dma_start3A_45 : memref<8x64xi32, #tpu.memory_space<hbm>>) target(%arg9 : memref<8x64xi32, #tpu.memory_space<vmem>>) target_semaphore(%arg23 : memref<!tpu.dma_semaphore, #tpu.memory_space<semaphore_mem>>)
    %dma_start3A_46 = arith.constant 0 : i32
    %dma_start3A_47 = arith.constant 0 : i32
    %dma_start3A_48 = tpu.memref_slice %arg7[%dma_start3A_46, %dma_start3A_47] : memref<82x128xi32, #tpu.memory_space<vmem>> -> memref<1x64xi32, #tpu.memory_space<vmem>>
    %dma_start3A_49 = tpu.memref_squeeze %dma_start3A_48 : memref<1x64xi32, #tpu.memory_space<vmem>> -> memref<64xi32, #tpu.memory_space<vmem>>
    %dma_start3A_50 = arith.constant 0 : i32
    %dma_start3A_51 = arith.constant 0 : i32
    %dma_start3A_52 = tpu.memref_slice %arg2[%dma_start3A_50, %dma_start3A_51] : memref<10240x128xf32, #tpu.memory_space<hbm>> -> memref<10240x128xf32, #tpu.memory_space<hbm>>
    tpu.enqueue_indirect_dma source(%dma_start3A_52 : memref<10240x128xf32, #tpu.memory_space<hbm>>) target(%arg10 : memref<64x128xf32, #tpu.memory_space<vmem>>) offsets(%dma_start3A_49 : memref<64xi32, #tpu.memory_space<vmem>>) semaphore(%arg14 : memref<!tpu.dma_semaphore, #tpu.memory_space<semaphore_mem>>)
    %dma_start3A_53 = arith.constant 0 : i32
    %dma_start3A_54 = arith.constant 64 : i32
    %dma_start3A_55 = tpu.memref_slice %arg7[%dma_start3A_53, %dma_start3A_54] : memref<82x128xi32, #tpu.memory_space<vmem>> -> memref<1x64xi32, #tpu.memory_space<vmem>>
    %dma_start3A_56 = tpu.memref_squeeze %dma_start3A_55 : memref<1x64xi32, #tpu.memory_space<vmem>> -> memref<64xi32, #tpu.memory_space<vmem>>
    %dma_start3A_57 = arith.constant 0 : i32
    %dma_start3A_58 = arith.constant 0 : i32
    %dma_start3A_59 = tpu.memref_slice %arg2[%dma_start3A_57, %dma_start3A_58] : memref<10240x128xf32, #tpu.memory_space<hbm>> -> memref<10240x128xf32, #tpu.memory_space<hbm>>
    tpu.enqueue_indirect_dma source(%dma_start3A_59 : memref<10240x128xf32, #tpu.memory_space<hbm>>) target(%arg11 : memref<64x128xf32, #tpu.memory_space<vmem>>) offsets(%dma_start3A_56 : memref<64xi32, #tpu.memory_space<vmem>>) semaphore(%arg15 : memref<!tpu.dma_semaphore, #tpu.memory_space<semaphore_mem>>)
    %scan3A_60 = arith.constant 0 : i32
    %scan3A_61 = arith.constant 0 : i32
    %scan3A_62 = arith.constant 10 : i32
    %scan3A_63 = arith.addi %scan3A_61, %scan3A_62 : i32
    %scan3A_64 = arith.constant 1 : i32
    scf.for %scan3A_392 = %scan3A_61 to %scan3A_63 step %scan3A_64  : i32 {
      %mul3A_393 = arith.constant 2 : i32
      %mul3A_394 = arith.muli %scan3A_392, %mul3A_393 : i32
      %add3A_395 = arith.constant 0 : i32
      %add3A_396 = arith.addi %mul3A_394, %add3A_395 : i32
      %mul3A_397 = arith.constant 4 : i32
      %mul3A_398 = arith.muli %add3A_396, %mul3A_397 : i32
      %dma_wait3A_399 = arith.constant 0 : i32
      %dma_wait3A_400 = arith.constant 0 : i32
      %dma_wait3A_401 = tpu.memref_slice %arg4[%add3A, %add3A_396, %dma_wait3A_399, %dma_wait3A_400] : memref<32x22x8x64xi32, #tpu.memory_space<hbm>> -> memref<1x1x8x64xi32, #tpu.memory_space<hbm>>
      %dma_wait3A_402 = tpu.memref_squeeze %dma_wait3A_401 : memref<1x1x8x64xi32, #tpu.memory_space<hbm>> -> memref<8x64xi32, #tpu.memory_space<hbm>>
      %dma_wait3A_403 = arith.constant 0 : i32
      %dma_wait3A_404 = arith.constant 0 : i32
      %dma_wait3A_405 = tpu.memref_slice %arg4[%add3A, %add3A_396, %dma_wait3A_403, %dma_wait3A_404] : memref<32x22x8x64xi32, #tpu.memory_space<hbm>> -> memref<1x1x8x64xi32, #tpu.memory_space<hbm>>
      %dma_wait3A_406 = tpu.memref_squeeze %dma_wait3A_405 : memref<1x1x8x64xi32, #tpu.memory_space<hbm>> -> memref<8x64xi32, #tpu.memory_space<hbm>>
      tpu.wait_dma2 semaphore(%arg22 : memref<!tpu.dma_semaphore, #tpu.memory_space<semaphore_mem>>) src(%dma_wait3A_406 : memref<8x64xi32, #tpu.memory_space<hbm>>) dst(%arg8 : memref<8x64xi32, #tpu.memory_space<vmem>>)
      %mul3A_407 = arith.constant 8 : i32
      %mul3A_408 = arith.muli %add3A_396, %mul3A_407 : i32
      %add3A_409 = arith.constant 0 : i32
      %add3A_410 = arith.addi %mul3A_408, %add3A_409 : i32
      %add3A_411 = arith.constant 0 : i32
      %add3A_412 = arith.addi %mul3A_398, %add3A_411 : i32
      %dma_wait3A_413 = arith.constant 0 : i32
      %dma_wait3A_414 = tpu.memref_slice %arg7[%add3A_412, %dma_wait3A_413] : memref<82x128xi32, #tpu.memory_space<vmem>> -> memref<1x64xi32, #tpu.memory_space<vmem>>
      %dma_wait3A_415 = tpu.memref_squeeze %dma_wait3A_414 : memref<1x64xi32, #tpu.memory_space<vmem>> -> memref<64xi32, #tpu.memory_space<vmem>>
      %dma_wait3A_416 = arith.constant 0 : i32
      %dma_wait3A_417 = arith.constant 0 : i32
      %dma_wait3A_418 = tpu.memref_slice %arg2[%dma_wait3A_416, %dma_wait3A_417] : memref<10240x128xf32, #tpu.memory_space<hbm>> -> memref<10240x128xf32, #tpu.memory_space<hbm>>
      tpu.wait_indirect_dma semaphore(%arg14 : memref<!tpu.dma_semaphore, #tpu.memory_space<semaphore_mem>>) src(%dma_wait3A_418 : memref<10240x128xf32, #tpu.memory_space<hbm>>) dst(%arg10 : memref<64x128xf32, #tpu.memory_space<vmem>>)
      %dma_start3A_419 = arith.constant 0 : i32
      %dma_start3A_420 = arith.constant 0 : i32
      %dma_start3A_421 = tpu.memref_slice %arg8[%dma_start3A_419, %dma_start3A_420] : memref<8x64xi32, #tpu.memory_space<vmem>> -> memref<1x64xi32, #tpu.memory_space<vmem>>
      %dma_start3A_422 = tpu.memref_squeeze %dma_start3A_421 : memref<1x64xi32, #tpu.memory_space<vmem>> -> memref<64xi32, #tpu.memory_space<vmem>>
      %dma_start3A_423 = arith.constant 0 : i32
      %dma_start3A_424 = arith.constant 0 : i32
      %dma_start3A_425 = tpu.memref_slice %arg6[%dma_start3A_423, %dma_start3A_424] : memref<10240x128xf32, #tpu.memory_space<vmem_shared>> -> memref<10240x128xf32, #tpu.memory_space<vmem_shared>>
      tpu.enqueue_indirect_dma source(%arg10 : memref<64x128xf32, #tpu.memory_space<vmem>>) target(%dma_start3A_425 : memref<10240x128xf32, #tpu.memory_space<vmem_shared>>) offsets(%dma_start3A_422 : memref<64xi32, #tpu.memory_space<vmem>>) semaphore(%arg18 : memref<!tpu.dma_semaphore, #tpu.memory_space<semaphore_mem>>) {add = true}
      %ge3A = arith.constant 2 : i32
      %ge3A_426 = arith.cmpi sge, %add3A_410, %ge3A : i32
      %convert_element_type3A = arith.extui %ge3A_426 : i1 to i32
      %cond3A = arith.constant 0 : i32
      %cond3A_427 = arith.cmpi ne, %convert_element_type3A, %cond3A : i32
      scf.if %cond3A_427 {
        %dma_wait3A_950 = arith.constant 0 : i32
        %dma_wait3A_951 = arith.constant 0 : i32
        %dma_wait3A_952 = tpu.memref_slice %arg8[%dma_wait3A_950, %dma_wait3A_951] : memref<8x64xi32, #tpu.memory_space<vmem>> -> memref<1x64xi32, #tpu.memory_space<vmem>>
        %dma_wait3A_953 = tpu.memref_squeeze %dma_wait3A_952 : memref<1x64xi32, #tpu.memory_space<vmem>> -> memref<64xi32, #tpu.memory_space<vmem>>
        %dma_wait3A_954 = arith.constant 0 : i32
        %dma_wait3A_955 = arith.constant 0 : i32
        %dma_wait3A_956 = tpu.memref_slice %arg6[%dma_wait3A_954, %dma_wait3A_955] : memref<10240x128xf32, #tpu.memory_space<vmem_shared>> -> memref<10240x128xf32, #tpu.memory_space<vmem_shared>>
        tpu.wait_indirect_dma semaphore(%arg20 : memref<!tpu.dma_semaphore, #tpu.memory_space<semaphore_mem>>) src(%arg12 : memref<64x128xf32, #tpu.memory_space<vmem>>) dst(%dma_wait3A_956 : memref<10240x128xf32, #tpu.memory_space<vmem_shared>>)
      } else {
      }
      %add3A_428 = arith.constant 1 : i32
      %add3A_429 = arith.addi %mul3A_398, %add3A_428 : i32
      %dma_start3A_430 = arith.constant 0 : i32
      %dma_start3A_431 = tpu.memref_slice %arg7[%add3A_429, %dma_start3A_430] : memref<82x128xi32, #tpu.memory_space<vmem>> -> memref<1x64xi32, #tpu.memory_space<vmem>>
      %dma_start3A_432 = tpu.memref_squeeze %dma_start3A_431 : memref<1x64xi32, #tpu.memory_space<vmem>> -> memref<64xi32, #tpu.memory_space<vmem>>
      %dma_start3A_433 = arith.constant 0 : i32
      %dma_start3A_434 = arith.constant 0 : i32
      %dma_start3A_435 = tpu.memref_slice %arg2[%dma_start3A_433, %dma_start3A_434] : memref<10240x128xf32, #tpu.memory_space<hbm>> -> memref<10240x128xf32, #tpu.memory_space<hbm>>
      tpu.enqueue_indirect_dma source(%dma_start3A_435 : memref<10240x128xf32, #tpu.memory_space<hbm>>) target(%arg12 : memref<64x128xf32, #tpu.memory_space<vmem>>) offsets(%dma_start3A_432 : memref<64xi32, #tpu.memory_space<vmem>>) semaphore(%arg16 : memref<!tpu.dma_semaphore, #tpu.memory_space<semaphore_mem>>)
      %mul3A_436 = arith.constant 8 : i32
      %mul3A_437 = arith.muli %add3A_396, %mul3A_436 : i32
      %add3A_438 = arith.constant 1 : i32
      %add3A_439 = arith.addi %mul3A_437, %add3A_438 : i32
      %add3A_440 = arith.constant 0 : i32
      %add3A_441 = arith.addi %mul3A_398, %add3A_440 : i32
      %dma_wait3A_442 = arith.constant 64 : i32
      %dma_wait3A_443 = tpu.memref_slice %arg7[%add3A_441, %dma_wait3A_442] : memref<82x128xi32, #tpu.memory_space<vmem>> -> memref<1x64xi32, #tpu.memory_space<vmem>>
      %dma_wait3A_444 = tpu.memref_squeeze %dma_wait3A_443 : memref<1x64xi32, #tpu.memory_space<vmem>> -> memref<64xi32, #tpu.memory_space<vmem>>
      %dma_wait3A_445 = arith.constant 0 : i32
      %dma_wait3A_446 = arith.constant 0 : i32
      %dma_wait3A_447 = tpu.memref_slice %arg2[%dma_wait3A_445, %dma_wait3A_446] : memref<10240x128xf32, #tpu.memory_space<hbm>> -> memref<10240x128xf32, #tpu.memory_space<hbm>>
      tpu.wait_indirect_dma semaphore(%arg15 : memref<!tpu.dma_semaphore, #tpu.memory_space<semaphore_mem>>) src(%dma_wait3A_447 : memref<10240x128xf32, #tpu.memory_space<hbm>>) dst(%arg11 : memref<64x128xf32, #tpu.memory_space<vmem>>)
      %dma_start3A_448 = arith.constant 1 : i32
      %dma_start3A_449 = arith.constant 0 : i32
      %dma_start3A_450 = tpu.memref_slice %arg8[%dma_start3A_448, %dma_start3A_449] : memref<8x64xi32, #tpu.memory_space<vmem>> -> memref<1x64xi32, #tpu.memory_space<vmem>>
      %dma_start3A_451 = tpu.memref_squeeze %dma_start3A_450 : memref<1x64xi32, #tpu.memory_space<vmem>> -> memref<64xi32, #tpu.memory_space<vmem>>
      %dma_start3A_452 = arith.constant 0 : i32
      %dma_start3A_453 = arith.constant 0 : i32
      %dma_start3A_454 = tpu.memref_slice %arg6[%dma_start3A_452, %dma_start3A_453] : memref<10240x128xf32, #tpu.memory_space<vmem_shared>> -> memref<10240x128xf32, #tpu.memory_space<vmem_shared>>
      tpu.enqueue_indirect_dma source(%arg11 : memref<64x128xf32, #tpu.memory_space<vmem>>) target(%dma_start3A_454 : memref<10240x128xf32, #tpu.memory_space<vmem_shared>>) offsets(%dma_start3A_451 : memref<64xi32, #tpu.memory_space<vmem>>) semaphore(%arg19 : memref<!tpu.dma_semaphore, #tpu.memory_space<semaphore_mem>>) {add = true}
      %ge3A_455 = arith.constant 2 : i32
      %ge3A_456 = arith.cmpi sge, %add3A_439, %ge3A_455 : i32
      %convert_element_type3A_457 = arith.extui %ge3A_456 : i1 to i32
      %cond3A_458 = arith.constant 0 : i32
      %cond3A_459 = arith.cmpi ne, %convert_element_type3A_457, %cond3A_458 : i32
      scf.if %cond3A_459 {
        %dma_wait3A_950 = arith.constant 0 : i32
        %dma_wait3A_951 = arith.constant 0 : i32
        %dma_wait3A_952 = tpu.memref_slice %arg8[%dma_wait3A_950, %dma_wait3A_951] : memref<8x64xi32, #tpu.memory_space<vmem>> -> memref<1x64xi32, #tpu.memory_space<vmem>>
        %dma_wait3A_953 = tpu.memref_squeeze %dma_wait3A_952 : memref<1x64xi32, #tpu.memory_space<vmem>> -> memref<64xi32, #tpu.memory_space<vmem>>
        %dma_wait3A_954 = arith.constant 0 : i32
        %dma_wait3A_955 = arith.constant 0 : i32
        %dma_wait3A_956 = tpu.memref_slice %arg6[%dma_wait3A_954, %dma_wait3A_955] : memref<10240x128xf32, #tpu.memory_space<vmem_shared>> -> memref<10240x128xf32, #tpu.memory_space<vmem_shared>>
        tpu.wait_indirect_dma semaphore(%arg21 : memref<!tpu.dma_semaphore, #tpu.memory_space<semaphore_mem>>) src(%arg13 : memref<64x128xf32, #tpu.memory_space<vmem>>) dst(%dma_wait3A_956 : memref<10240x128xf32, #tpu.memory_space<vmem_shared>>)
      } else {
      }
      %add3A_460 = arith.constant 1 : i32
      %add3A_461 = arith.addi %mul3A_398, %add3A_460 : i32
      %dma_start3A_462 = arith.constant 64 : i32
      %dma_start3A_463 = tpu.memref_slice %arg7[%add3A_461, %dma_start3A_462] : memref<82x128xi32, #tpu.memory_space<vmem>> -> memref<1x64xi32, #tpu.memory_space<vmem>>
      %dma_start3A_464 = tpu.memref_squeeze %dma_start3A_463 : memref<1x64xi32, #tpu.memory_space<vmem>> -> memref<64xi32, #tpu.memory_space<vmem>>
      %dma_start3A_465 = arith.constant 0 : i32
      %dma_start3A_466 = arith.constant 0 : i32
      %dma_start3A_467 = tpu.memref_slice %arg2[%dma_start3A_465, %dma_start3A_466] : memref<10240x128xf32, #tpu.memory_space<hbm>> -> memref<10240x128xf32, #tpu.memory_space<hbm>>
      tpu.enqueue_indirect_dma source(%dma_start3A_467 : memref<10240x128xf32, #tpu.memory_space<hbm>>) target(%arg13 : memref<64x128xf32, #tpu.memory_space<vmem>>) offsets(%dma_start3A_464 : memref<64xi32, #tpu.memory_space<vmem>>) semaphore(%arg17 : memref<!tpu.dma_semaphore, #tpu.memory_space<semaphore_mem>>)
      %mul3A_468 = arith.constant 8 : i32
      %mul3A_469 = arith.muli %add3A_396, %mul3A_468 : i32
      %add3A_470 = arith.constant 2 : i32
      %add3A_471 = arith.addi %mul3A_469, %add3A_470 : i32
      %add3A_472 = arith.constant 1 : i32
      %add3A_473 = arith.addi %mul3A_398, %add3A_472 : i32
      %dma_wait3A_474 = arith.constant 0 : i32
      %dma_wait3A_475 = tpu.memref_slice %arg7[%add3A_473, %dma_wait3A_474] : memref<82x128xi32, #tpu.memory_space<vmem>> -> memref<1x64xi32, #tpu.memory_space<vmem>>
      %dma_wait3A_476 = tpu.memref_squeeze %dma_wait3A_475 : memref<1x64xi32, #tpu.memory_space<vmem>> -> memref<64xi32, #tpu.memory_space<vmem>>
      %dma_wait3A_477 = arith.constant 0 : i32
      %dma_wait3A_478 = arith.constant 0 : i32
      %dma_wait3A_479 = tpu.memref_slice %arg2[%dma_wait3A_477, %dma_wait3A_478] : memref<10240x128xf32, #tpu.memory_space<hbm>> -> memref<10240x128xf32, #tpu.memory_space<hbm>>
      tpu.wait_indirect_dma semaphore(%arg16 : memref<!tpu.dma_semaphore, #tpu.memory_space<semaphore_mem>>) src(%dma_wait3A_479 : memref<10240x128xf32, #tpu.memory_space<hbm>>) dst(%arg12 : memref<64x128xf32, #tpu.memory_space<vmem>>)
      %dma_start3A_480 = arith.constant 2 : i32
      %dma_start3A_481 = arith.constant 0 : i32
      %dma_start3A_482 = tpu.memref_slice %arg8[%dma_start3A_480, %dma_start3A_481] : memref<8x64xi32, #tpu.memory_space<vmem>> -> memref<1x64xi32, #tpu.memory_space<vmem>>
      %dma_start3A_483 = tpu.memref_squeeze %dma_start3A_482 : memref<1x64xi32, #tpu.memory_space<vmem>> -> memref<64xi32, #tpu.memory_space<vmem>>
      %dma_start3A_484 = arith.constant 0 : i32
      %dma_start3A_485 = arith.constant 0 : i32
      %dma_start3A_486 = tpu.memref_slice %arg6[%dma_start3A_484, %dma_start3A_485] : memref<10240x128xf32, #tpu.memory_space<vmem_shared>> -> memref<10240x128xf32, #tpu.memory_space<vmem_shared>>
      tpu.enqueue_indirect_dma source(%arg12 : memref<64x128xf32, #tpu.memory_space<vmem>>) target(%dma_start3A_486 : memref<10240x128xf32, #tpu.memory_space<vmem_shared>>) offsets(%dma_start3A_483 : memref<64xi32, #tpu.memory_space<vmem>>) semaphore(%arg20 : memref<!tpu.dma_semaphore, #tpu.memory_space<semaphore_mem>>) {add = true}
      %ge3A_487 = arith.constant 2 : i32
      %ge3A_488 = arith.cmpi sge, %add3A_471, %ge3A_487 : i32
      %convert_element_type3A_489 = arith.extui %ge3A_488 : i1 to i32
      %cond3A_490 = arith.constant 0 : i32
      %cond3A_491 = arith.cmpi ne, %convert_element_type3A_489, %cond3A_490 : i32
      scf.if %cond3A_491 {
        %dma_wait3A_950 = arith.constant 0 : i32
        %dma_wait3A_951 = arith.constant 0 : i32
        %dma_wait3A_952 = tpu.memref_slice %arg8[%dma_wait3A_950, %dma_wait3A_951] : memref<8x64xi32, #tpu.memory_space<vmem>> -> memref<1x64xi32, #tpu.memory_space<vmem>>
        %dma_wait3A_953 = tpu.memref_squeeze %dma_wait3A_952 : memref<1x64xi32, #tpu.memory_space<vmem>> -> memref<64xi32, #tpu.memory_space<vmem>>
        %dma_wait3A_954 = arith.constant 0 : i32
        %dma_wait3A_955 = arith.constant 0 : i32
        %dma_wait3A_956 = tpu.memref_slice %arg6[%dma_wait3A_954, %dma_wait3A_955] : memref<10240x128xf32, #tpu.memory_space<vmem_shared>> -> memref<10240x128xf32, #tpu.memory_space<vmem_shared>>
        tpu.wait_indirect_dma semaphore(%arg18 : memref<!tpu.dma_semaphore, #tpu.memory_space<semaphore_mem>>) src(%arg10 : memref<64x128xf32, #tpu.memory_space<vmem>>) dst(%dma_wait3A_956 : memref<10240x128xf32, #tpu.memory_space<vmem_shared>>)
      } else {
      }
      %add3A_492 = arith.constant 2 : i32
      %add3A_493 = arith.addi %mul3A_398, %add3A_492 : i32
      %dma_start3A_494 = arith.constant 0 : i32
      %dma_start3A_495 = tpu.memref_slice %arg7[%add3A_493, %dma_start3A_494] : memref<82x128xi32, #tpu.memory_space<vmem>> -> memref<1x64xi32, #tpu.memory_space<vmem>>
      %dma_start3A_496 = tpu.memref_squeeze %dma_start3A_495 : memref<1x64xi32, #tpu.memory_space<vmem>> -> memref<64xi32, #tpu.memory_space<vmem>>
      %dma_start3A_497 = arith.constant 0 : i32
      %dma_start3A_498 = arith.constant 0 : i32
      %dma_start3A_499 = tpu.memref_slice %arg2[%dma_start3A_497, %dma_start3A_498] : memref<10240x128xf32, #tpu.memory_space<hbm>> -> memref<10240x128xf32, #tpu.memory_space<hbm>>
      tpu.enqueue_indirect_dma source(%dma_start3A_499 : memref<10240x128xf32, #tpu.memory_space<hbm>>) target(%arg10 : memref<64x128xf32, #tpu.memory_space<vmem>>) offsets(%dma_start3A_496 : memref<64xi32, #tpu.memory_space<vmem>>) semaphore(%arg14 : memref<!tpu.dma_semaphore, #tpu.memory_space<semaphore_mem>>)
      %mul3A_500 = arith.constant 8 : i32
      %mul3A_501 = arith.muli %add3A_396, %mul3A_500 : i32
      %add3A_502 = arith.constant 3 : i32
      %add3A_503 = arith.addi %mul3A_501, %add3A_502 : i32
      %add3A_504 = arith.constant 1 : i32
      %add3A_505 = arith.addi %mul3A_398, %add3A_504 : i32
      %dma_wait3A_506 = arith.constant 64 : i32
      %dma_wait3A_507 = tpu.memref_slice %arg7[%add3A_505, %dma_wait3A_506] : memref<82x128xi32, #tpu.memory_space<vmem>> -> memref<1x64xi32, #tpu.memory_space<vmem>>
      %dma_wait3A_508 = tpu.memref_squeeze %dma_wait3A_507 : memref<1x64xi32, #tpu.memory_space<vmem>> -> memref<64xi32, #tpu.memory_space<vmem>>
      %dma_wait3A_509 = arith.constant 0 : i32
      %dma_wait3A_510 = arith.constant 0 : i32
      %dma_wait3A_511 = tpu.memref_slice %arg2[%dma_wait3A_509, %dma_wait3A_510] : memref<10240x128xf32, #tpu.memory_space<hbm>> -> memref<10240x128xf32, #tpu.memory_space<hbm>>
      tpu.wait_indirect_dma semaphore(%arg17 : memref<!tpu.dma_semaphore, #tpu.memory_space<semaphore_mem>>) src(%dma_wait3A_511 : memref<10240x128xf32, #tpu.memory_space<hbm>>) dst(%arg13 : memref<64x128xf32, #tpu.memory_space<vmem>>)
      %dma_start3A_512 = arith.constant 3 : i32
      %dma_start3A_513 = arith.constant 0 : i32
      %dma_start3A_514 = tpu.memref_slice %arg8[%dma_start3A_512, %dma_start3A_513] : memref<8x64xi32, #tpu.memory_space<vmem>> -> memref<1x64xi32, #tpu.memory_space<vmem>>
      %dma_start3A_515 = tpu.memref_squeeze %dma_start3A_514 : memref<1x64xi32, #tpu.memory_space<vmem>> -> memref<64xi32, #tpu.memory_space<vmem>>
      %dma_start3A_516 = arith.constant 0 : i32
      %dma_start3A_517 = arith.constant 0 : i32
      %dma_start3A_518 = tpu.memref_slice %arg6[%dma_start3A_516, %dma_start3A_517] : memref<10240x128xf32, #tpu.memory_space<vmem_shared>> -> memref<10240x128xf32, #tpu.memory_space<vmem_shared>>
      tpu.enqueue_indirect_dma source(%arg13 : memref<64x128xf32, #tpu.memory_space<vmem>>) target(%dma_start3A_518 : memref<10240x128xf32, #tpu.memory_space<vmem_shared>>) offsets(%dma_start3A_515 : memref<64xi32, #tpu.memory_space<vmem>>) semaphore(%arg21 : memref<!tpu.dma_semaphore, #tpu.memory_space<semaphore_mem>>) {add = true}
      %ge3A_519 = arith.constant 2 : i32
      %ge3A_520 = arith.cmpi sge, %add3A_503, %ge3A_519 : i32
      %convert_element_type3A_521 = arith.extui %ge3A_520 : i1 to i32
      %cond3A_522 = arith.constant 0 : i32
      %cond3A_523 = arith.cmpi ne, %convert_element_type3A_521, %cond3A_522 : i32
      scf.if %cond3A_523 {
        %dma_wait3A_950 = arith.constant 0 : i32
        %dma_wait3A_951 = arith.constant 0 : i32
        %dma_wait3A_952 = tpu.memref_slice %arg8[%dma_wait3A_950, %dma_wait3A_951] : memref<8x64xi32, #tpu.memory_space<vmem>> -> memref<1x64xi32, #tpu.memory_space<vmem>>
        %dma_wait3A_953 = tpu.memref_squeeze %dma_wait3A_952 : memref<1x64xi32, #tpu.memory_space<vmem>> -> memref<64xi32, #tpu.memory_space<vmem>>
        %dma_wait3A_954 = arith.constant 0 : i32
        %dma_wait3A_955 = arith.constant 0 : i32
        %dma_wait3A_956 = tpu.memref_slice %arg6[%dma_wait3A_954, %dma_wait3A_955] : memref<10240x128xf32, #tpu.memory_space<vmem_shared>> -> memref<10240x128xf32, #tpu.memory_space<vmem_shared>>
        tpu.wait_indirect_dma semaphore(%arg19 : memref<!tpu.dma_semaphore, #tpu.memory_space<semaphore_mem>>) src(%arg11 : memref<64x128xf32, #tpu.memory_space<vmem>>) dst(%dma_wait3A_956 : memref<10240x128xf32, #tpu.memory_space<vmem_shared>>)
      } else {
      }
      %add3A_524 = arith.constant 2 : i32
      %add3A_525 = arith.addi %mul3A_398, %add3A_524 : i32
      %dma_start3A_526 = arith.constant 64 : i32
      %dma_start3A_527 = tpu.memref_slice %arg7[%add3A_525, %dma_start3A_526] : memref<82x128xi32, #tpu.memory_space<vmem>> -> memref<1x64xi32, #tpu.memory_space<vmem>>
      %dma_start3A_528 = tpu.memref_squeeze %dma_start3A_527 : memref<1x64xi32, #tpu.memory_space<vmem>> -> memref<64xi32, #tpu.memory_space<vmem>>
      %dma_start3A_529 = arith.constant 0 : i32
      %dma_start3A_530 = arith.constant 0 : i32
      %dma_start3A_531 = tpu.memref_slice %arg2[%dma_start3A_529, %dma_start3A_530] : memref<10240x128xf32, #tpu.memory_space<hbm>> -> memref<10240x128xf32, #tpu.memory_space<hbm>>
      tpu.enqueue_indirect_dma source(%dma_start3A_531 : memref<10240x128xf32, #tpu.memory_space<hbm>>) target(%arg11 : memref<64x128xf32, #tpu.memory_space<vmem>>) offsets(%dma_start3A_528 : memref<64xi32, #tpu.memory_space<vmem>>) semaphore(%arg15 : memref<!tpu.dma_semaphore, #tpu.memory_space<semaphore_mem>>)
      %mul3A_532 = arith.constant 8 : i32
      %mul3A_533 = arith.muli %add3A_396, %mul3A_532 : i32
      %add3A_534 = arith.constant 4 : i32
      %add3A_535 = arith.addi %mul3A_533, %add3A_534 : i32
      %add3A_536 = arith.constant 2 : i32
      %add3A_537 = arith.addi %mul3A_398, %add3A_536 : i32
      %dma_wait3A_538 = arith.constant 0 : i32
      %dma_wait3A_539 = tpu.memref_slice %arg7[%add3A_537, %dma_wait3A_538] : memref<82x128xi32, #tpu.memory_space<vmem>> -> memref<1x64xi32, #tpu.memory_space<vmem>>
      %dma_wait3A_540 = tpu.memref_squeeze %dma_wait3A_539 : memref<1x64xi32, #tpu.memory_space<vmem>> -> memref<64xi32, #tpu.memory_space<vmem>>
      %dma_wait3A_541 = arith.constant 0 : i32
      %dma_wait3A_542 = arith.constant 0 : i32
      %dma_wait3A_543 = tpu.memref_slice %arg2[%dma_wait3A_541, %dma_wait3A_542] : memref<10240x128xf32, #tpu.memory_space<hbm>> -> memref<10240x128xf32, #tpu.memory_space<hbm>>
      tpu.wait_indirect_dma semaphore(%arg14 : memref<!tpu.dma_semaphore, #tpu.memory_space<semaphore_mem>>) src(%dma_wait3A_543 : memref<10240x128xf32, #tpu.memory_space<hbm>>) dst(%arg10 : memref<64x128xf32, #tpu.memory_space<vmem>>)
      %dma_start3A_544 = arith.constant 4 : i32
      %dma_start3A_545 = arith.constant 0 : i32
      %dma_start3A_546 = tpu.memref_slice %arg8[%dma_start3A_544, %dma_start3A_545] : memref<8x64xi32, #tpu.memory_space<vmem>> -> memref<1x64xi32, #tpu.memory_space<vmem>>
      %dma_start3A_547 = tpu.memref_squeeze %dma_start3A_546 : memref<1x64xi32, #tpu.memory_space<vmem>> -> memref<64xi32, #tpu.memory_space<vmem>>
      %dma_start3A_548 = arith.constant 0 : i32
      %dma_start3A_549 = arith.constant 0 : i32
      %dma_start3A_550 = tpu.memref_slice %arg6[%dma_start3A_548, %dma_start3A_549] : memref<10240x128xf32, #tpu.memory_space<vmem_shared>> -> memref<10240x128xf32, #tpu.memory_space<vmem_shared>>
      tpu.enqueue_indirect_dma source(%arg10 : memref<64x128xf32, #tpu.memory_space<vmem>>) target(%dma_start3A_550 : memref<10240x128xf32, #tpu.memory_space<vmem_shared>>) offsets(%dma_start3A_547 : memref<64xi32, #tpu.memory_space<vmem>>) semaphore(%arg18 : memref<!tpu.dma_semaphore, #tpu.memory_space<semaphore_mem>>) {add = true}
      %ge3A_551 = arith.constant 2 : i32
      %ge3A_552 = arith.cmpi sge, %add3A_535, %ge3A_551 : i32
      %convert_element_type3A_553 = arith.extui %ge3A_552 : i1 to i32
      %cond3A_554 = arith.constant 0 : i32
      %cond3A_555 = arith.cmpi ne, %convert_element_type3A_553, %cond3A_554 : i32
      scf.if %cond3A_555 {
        %dma_wait3A_950 = arith.constant 0 : i32
        %dma_wait3A_951 = arith.constant 0 : i32
        %dma_wait3A_952 = tpu.memref_slice %arg8[%dma_wait3A_950, %dma_wait3A_951] : memref<8x64xi32, #tpu.memory_space<vmem>> -> memref<1x64xi32, #tpu.memory_space<vmem>>
        %dma_wait3A_953 = tpu.memref_squeeze %dma_wait3A_952 : memref<1x64xi32, #tpu.memory_space<vmem>> -> memref<64xi32, #tpu.memory_space<vmem>>
        %dma_wait3A_954 = arith.constant 0 : i32
        %dma_wait3A_955 = arith.constant 0 : i32
        %dma_wait3A_956 = tpu.memref_slice %arg6[%dma_wait3A_954, %dma_wait3A_955] : memref<10240x128xf32, #tpu.memory_space<vmem_shared>> -> memref<10240x128xf32, #tpu.memory_space<vmem_shared>>
        tpu.wait_indirect_dma semaphore(%arg20 : memref<!tpu.dma_semaphore, #tpu.memory_space<semaphore_mem>>) src(%arg12 : memref<64x128xf32, #tpu.memory_space<vmem>>) dst(%dma_wait3A_956 : memref<10240x128xf32, #tpu.memory_space<vmem_shared>>)
      } else {
      }
      %add3A_556 = arith.constant 3 : i32
      %add3A_557 = arith.addi %mul3A_398, %add3A_556 : i32
      %dma_start3A_558 = arith.constant 0 : i32
      %dma_start3A_559 = tpu.memref_slice %arg7[%add3A_557, %dma_start3A_558] : memref<82x128xi32, #tpu.memory_space<vmem>> -> memref<1x64xi32, #tpu.memory_space<vmem>>
      %dma_start3A_560 = tpu.memref_squeeze %dma_start3A_559 : memref<1x64xi32, #tpu.memory_space<vmem>> -> memref<64xi32, #tpu.memory_space<vmem>>
      %dma_start3A_561 = arith.constant 0 : i32
      %dma_start3A_562 = arith.constant 0 : i32
      %dma_start3A_563 = tpu.memref_slice %arg2[%dma_start3A_561, %dma_start3A_562] : memref<10240x128xf32, #tpu.memory_space<hbm>> -> memref<10240x128xf32, #tpu.memory_space<hbm>>
      tpu.enqueue_indirect_dma source(%dma_start3A_563 : memref<10240x128xf32, #tpu.memory_space<hbm>>) target(%arg12 : memref<64x128xf32, #tpu.memory_space<vmem>>) offsets(%dma_start3A_560 : memref<64xi32, #tpu.memory_space<vmem>>) semaphore(%arg16 : memref<!tpu.dma_semaphore, #tpu.memory_space<semaphore_mem>>)
      %mul3A_564 = arith.constant 8 : i32
      %mul3A_565 = arith.muli %add3A_396, %mul3A_564 : i32
      %add3A_566 = arith.constant 5 : i32
      %add3A_567 = arith.addi %mul3A_565, %add3A_566 : i32
      %add3A_568 = arith.constant 2 : i32
      %add3A_569 = arith.addi %mul3A_398, %add3A_568 : i32
      %dma_wait3A_570 = arith.constant 64 : i32
      %dma_wait3A_571 = tpu.memref_slice %arg7[%add3A_569, %dma_wait3A_570] : memref<82x128xi32, #tpu.memory_space<vmem>> -> memref<1x64xi32, #tpu.memory_space<vmem>>
      %dma_wait3A_572 = tpu.memref_squeeze %dma_wait3A_571 : memref<1x64xi32, #tpu.memory_space<vmem>> -> memref<64xi32, #tpu.memory_space<vmem>>
      %dma_wait3A_573 = arith.constant 0 : i32
      %dma_wait3A_574 = arith.constant 0 : i32
      %dma_wait3A_575 = tpu.memref_slice %arg2[%dma_wait3A_573, %dma_wait3A_574] : memref<10240x128xf32, #tpu.memory_space<hbm>> -> memref<10240x128xf32, #tpu.memory_space<hbm>>
      tpu.wait_indirect_dma semaphore(%arg15 : memref<!tpu.dma_semaphore, #tpu.memory_space<semaphore_mem>>) src(%dma_wait3A_575 : memref<10240x128xf32, #tpu.memory_space<hbm>>) dst(%arg11 : memref<64x128xf32, #tpu.memory_space<vmem>>)
      %dma_start3A_576 = arith.constant 5 : i32
      %dma_start3A_577 = arith.constant 0 : i32
      %dma_start3A_578 = tpu.memref_slice %arg8[%dma_start3A_576, %dma_start3A_577] : memref<8x64xi32, #tpu.memory_space<vmem>> -> memref<1x64xi32, #tpu.memory_space<vmem>>
      %dma_start3A_579 = tpu.memref_squeeze %dma_start3A_578 : memref<1x64xi32, #tpu.memory_space<vmem>> -> memref<64xi32, #tpu.memory_space<vmem>>
      %dma_start3A_580 = arith.constant 0 : i32
      %dma_start3A_581 = arith.constant 0 : i32
      %dma_start3A_582 = tpu.memref_slice %arg6[%dma_start3A_580, %dma_start3A_581] : memref<10240x128xf32, #tpu.memory_space<vmem_shared>> -> memref<10240x128xf32, #tpu.memory_space<vmem_shared>>
      tpu.enqueue_indirect_dma source(%arg11 : memref<64x128xf32, #tpu.memory_space<vmem>>) target(%dma_start3A_582 : memref<10240x128xf32, #tpu.memory_space<vmem_shared>>) offsets(%dma_start3A_579 : memref<64xi32, #tpu.memory_space<vmem>>) semaphore(%arg19 : memref<!tpu.dma_semaphore, #tpu.memory_space<semaphore_mem>>) {add = true}
      %ge3A_583 = arith.constant 2 : i32
      %ge3A_584 = arith.cmpi sge, %add3A_567, %ge3A_583 : i32
      %convert_element_type3A_585 = arith.extui %ge3A_584 : i1 to i32
      %cond3A_586 = arith.constant 0 : i32
      %cond3A_587 = arith.cmpi ne, %convert_element_type3A_585, %cond3A_586 : i32
      scf.if %cond3A_587 {
        %dma_wait3A_950 = arith.constant 0 : i32
        %dma_wait3A_951 = arith.constant 0 : i32
        %dma_wait3A_952 = tpu.memref_slice %arg8[%dma_wait3A_950, %dma_wait3A_951] : memref<8x64xi32, #tpu.memory_space<vmem>> -> memref<1x64xi32, #tpu.memory_space<vmem>>
        %dma_wait3A_953 = tpu.memref_squeeze %dma_wait3A_952 : memref<1x64xi32, #tpu.memory_space<vmem>> -> memref<64xi32, #tpu.memory_space<vmem>>
        %dma_wait3A_954 = arith.constant 0 : i32
        %dma_wait3A_955 = arith.constant 0 : i32
        %dma_wait3A_956 = tpu.memref_slice %arg6[%dma_wait3A_954, %dma_wait3A_955] : memref<10240x128xf32, #tpu.memory_space<vmem_shared>> -> memref<10240x128xf32, #tpu.memory_space<vmem_shared>>
        tpu.wait_indirect_dma semaphore(%arg21 : memref<!tpu.dma_semaphore, #tpu.memory_space<semaphore_mem>>) src(%arg13 : memref<64x128xf32, #tpu.memory_space<vmem>>) dst(%dma_wait3A_956 : memref<10240x128xf32, #tpu.memory_space<vmem_shared>>)
      } else {
      }
      %add3A_588 = arith.constant 3 : i32
      %add3A_589 = arith.addi %mul3A_398, %add3A_588 : i32
      %dma_start3A_590 = arith.constant 64 : i32
      %dma_start3A_591 = tpu.memref_slice %arg7[%add3A_589, %dma_start3A_590] : memref<82x128xi32, #tpu.memory_space<vmem>> -> memref<1x64xi32, #tpu.memory_space<vmem>>
      %dma_start3A_592 = tpu.memref_squeeze %dma_start3A_591 : memref<1x64xi32, #tpu.memory_space<vmem>> -> memref<64xi32, #tpu.memory_space<vmem>>
      %dma_start3A_593 = arith.constant 0 : i32
      %dma_start3A_594 = arith.constant 0 : i32
      %dma_start3A_595 = tpu.memref_slice %arg2[%dma_start3A_593, %dma_start3A_594] : memref<10240x128xf32, #tpu.memory_space<hbm>> -> memref<10240x128xf32, #tpu.memory_space<hbm>>
      tpu.enqueue_indirect_dma source(%dma_start3A_595 : memref<10240x128xf32, #tpu.memory_space<hbm>>) target(%arg13 : memref<64x128xf32, #tpu.memory_space<vmem>>) offsets(%dma_start3A_592 : memref<64xi32, #tpu.memory_space<vmem>>) semaphore(%arg17 : memref<!tpu.dma_semaphore, #tpu.memory_space<semaphore_mem>>)
      %mul3A_596 = arith.constant 8 : i32
      %mul3A_597 = arith.muli %add3A_396, %mul3A_596 : i32
      %add3A_598 = arith.constant 6 : i32
      %add3A_599 = arith.addi %mul3A_597, %add3A_598 : i32
      %add3A_600 = arith.constant 3 : i32
      %add3A_601 = arith.addi %mul3A_398, %add3A_600 : i32
      %dma_wait3A_602 = arith.constant 0 : i32
      %dma_wait3A_603 = tpu.memref_slice %arg7[%add3A_601, %dma_wait3A_602] : memref<82x128xi32, #tpu.memory_space<vmem>> -> memref<1x64xi32, #tpu.memory_space<vmem>>
      %dma_wait3A_604 = tpu.memref_squeeze %dma_wait3A_603 : memref<1x64xi32, #tpu.memory_space<vmem>> -> memref<64xi32, #tpu.memory_space<vmem>>
      %dma_wait3A_605 = arith.constant 0 : i32
      %dma_wait3A_606 = arith.constant 0 : i32
      %dma_wait3A_607 = tpu.memref_slice %arg2[%dma_wait3A_605, %dma_wait3A_606] : memref<10240x128xf32, #tpu.memory_space<hbm>> -> memref<10240x128xf32, #tpu.memory_space<hbm>>
      tpu.wait_indirect_dma semaphore(%arg16 : memref<!tpu.dma_semaphore, #tpu.memory_space<semaphore_mem>>) src(%dma_wait3A_607 : memref<10240x128xf32, #tpu.memory_space<hbm>>) dst(%arg12 : memref<64x128xf32, #tpu.memory_space<vmem>>)
      %dma_start3A_608 = arith.constant 6 : i32
      %dma_start3A_609 = arith.constant 0 : i32
      %dma_start3A_610 = tpu.memref_slice %arg8[%dma_start3A_608, %dma_start3A_609] : memref<8x64xi32, #tpu.memory_space<vmem>> -> memref<1x64xi32, #tpu.memory_space<vmem>>
      %dma_start3A_611 = tpu.memref_squeeze %dma_start3A_610 : memref<1x64xi32, #tpu.memory_space<vmem>> -> memref<64xi32, #tpu.memory_space<vmem>>
      %dma_start3A_612 = arith.constant 0 : i32
      %dma_start3A_613 = arith.constant 0 : i32
      %dma_start3A_614 = tpu.memref_slice %arg6[%dma_start3A_612, %dma_start3A_613] : memref<10240x128xf32, #tpu.memory_space<vmem_shared>> -> memref<10240x128xf32, #tpu.memory_space<vmem_shared>>
      tpu.enqueue_indirect_dma source(%arg12 : memref<64x128xf32, #tpu.memory_space<vmem>>) target(%dma_start3A_614 : memref<10240x128xf32, #tpu.memory_space<vmem_shared>>) offsets(%dma_start3A_611 : memref<64xi32, #tpu.memory_space<vmem>>) semaphore(%arg20 : memref<!tpu.dma_semaphore, #tpu.memory_space<semaphore_mem>>) {add = true}
      %ge3A_615 = arith.constant 2 : i32
      %ge3A_616 = arith.cmpi sge, %add3A_599, %ge3A_615 : i32
      %convert_element_type3A_617 = arith.extui %ge3A_616 : i1 to i32
      %cond3A_618 = arith.constant 0 : i32
      %cond3A_619 = arith.cmpi ne, %convert_element_type3A_617, %cond3A_618 : i32
      scf.if %cond3A_619 {
        %dma_wait3A_950 = arith.constant 0 : i32
        %dma_wait3A_951 = arith.constant 0 : i32
        %dma_wait3A_952 = tpu.memref_slice %arg8[%dma_wait3A_950, %dma_wait3A_951] : memref<8x64xi32, #tpu.memory_space<vmem>> -> memref<1x64xi32, #tpu.memory_space<vmem>>
        %dma_wait3A_953 = tpu.memref_squeeze %dma_wait3A_952 : memref<1x64xi32, #tpu.memory_space<vmem>> -> memref<64xi32, #tpu.memory_space<vmem>>
        %dma_wait3A_954 = arith.constant 0 : i32
        %dma_wait3A_955 = arith.constant 0 : i32
        %dma_wait3A_956 = tpu.memref_slice %arg6[%dma_wait3A_954, %dma_wait3A_955] : memref<10240x128xf32, #tpu.memory_space<vmem_shared>> -> memref<10240x128xf32, #tpu.memory_space<vmem_shared>>
        tpu.wait_indirect_dma semaphore(%arg18 : memref<!tpu.dma_semaphore, #tpu.memory_space<semaphore_mem>>) src(%arg10 : memref<64x128xf32, #tpu.memory_space<vmem>>) dst(%dma_wait3A_956 : memref<10240x128xf32, #tpu.memory_space<vmem_shared>>)
      } else {
      }
      %add3A_620 = arith.constant 4 : i32
      %add3A_621 = arith.addi %mul3A_398, %add3A_620 : i32
      %dma_start3A_622 = arith.constant 0 : i32
      %dma_start3A_623 = tpu.memref_slice %arg7[%add3A_621, %dma_start3A_622] : memref<82x128xi32, #tpu.memory_space<vmem>> -> memref<1x64xi32, #tpu.memory_space<vmem>>
      %dma_start3A_624 = tpu.memref_squeeze %dma_start3A_623 : memref<1x64xi32, #tpu.memory_space<vmem>> -> memref<64xi32, #tpu.memory_space<vmem>>
      %dma_start3A_625 = arith.constant 0 : i32
      %dma_start3A_626 = arith.constant 0 : i32
      %dma_start3A_627 = tpu.memref_slice %arg2[%dma_start3A_625, %dma_start3A_626] : memref<10240x128xf32, #tpu.memory_space<hbm>> -> memref<10240x128xf32, #tpu.memory_space<hbm>>
      tpu.enqueue_indirect_dma source(%dma_start3A_627 : memref<10240x128xf32, #tpu.memory_space<hbm>>) target(%arg10 : memref<64x128xf32, #tpu.memory_space<vmem>>) offsets(%dma_start3A_624 : memref<64xi32, #tpu.memory_space<vmem>>) semaphore(%arg14 : memref<!tpu.dma_semaphore, #tpu.memory_space<semaphore_mem>>)
      %mul3A_628 = arith.constant 8 : i32
      %mul3A_629 = arith.muli %add3A_396, %mul3A_628 : i32
      %add3A_630 = arith.constant 7 : i32
      %add3A_631 = arith.addi %mul3A_629, %add3A_630 : i32
      %add3A_632 = arith.constant 3 : i32
      %add3A_633 = arith.addi %mul3A_398, %add3A_632 : i32
      %dma_wait3A_634 = arith.constant 64 : i32
      %dma_wait3A_635 = tpu.memref_slice %arg7[%add3A_633, %dma_wait3A_634] : memref<82x128xi32, #tpu.memory_space<vmem>> -> memref<1x64xi32, #tpu.memory_space<vmem>>
      %dma_wait3A_636 = tpu.memref_squeeze %dma_wait3A_635 : memref<1x64xi32, #tpu.memory_space<vmem>> -> memref<64xi32, #tpu.memory_space<vmem>>
      %dma_wait3A_637 = arith.constant 0 : i32
      %dma_wait3A_638 = arith.constant 0 : i32
      %dma_wait3A_639 = tpu.memref_slice %arg2[%dma_wait3A_637, %dma_wait3A_638] : memref<10240x128xf32, #tpu.memory_space<hbm>> -> memref<10240x128xf32, #tpu.memory_space<hbm>>
      tpu.wait_indirect_dma semaphore(%arg17 : memref<!tpu.dma_semaphore, #tpu.memory_space<semaphore_mem>>) src(%dma_wait3A_639 : memref<10240x128xf32, #tpu.memory_space<hbm>>) dst(%arg13 : memref<64x128xf32, #tpu.memory_space<vmem>>)
      %dma_start3A_640 = arith.constant 7 : i32
      %dma_start3A_641 = arith.constant 0 : i32
      %dma_start3A_642 = tpu.memref_slice %arg8[%dma_start3A_640, %dma_start3A_641] : memref<8x64xi32, #tpu.memory_space<vmem>> -> memref<1x64xi32, #tpu.memory_space<vmem>>
      %dma_start3A_643 = tpu.memref_squeeze %dma_start3A_642 : memref<1x64xi32, #tpu.memory_space<vmem>> -> memref<64xi32, #tpu.memory_space<vmem>>
      %dma_start3A_644 = arith.constant 0 : i32
      %dma_start3A_645 = arith.constant 0 : i32
      %dma_start3A_646 = tpu.memref_slice %arg6[%dma_start3A_644, %dma_start3A_645] : memref<10240x128xf32, #tpu.memory_space<vmem_shared>> -> memref<10240x128xf32, #tpu.memory_space<vmem_shared>>
      tpu.enqueue_indirect_dma source(%arg13 : memref<64x128xf32, #tpu.memory_space<vmem>>) target(%dma_start3A_646 : memref<10240x128xf32, #tpu.memory_space<vmem_shared>>) offsets(%dma_start3A_643 : memref<64xi32, #tpu.memory_space<vmem>>) semaphore(%arg21 : memref<!tpu.dma_semaphore, #tpu.memory_space<semaphore_mem>>) {add = true}
      %ge3A_647 = arith.constant 2 : i32
      %ge3A_648 = arith.cmpi sge, %add3A_631, %ge3A_647 : i32
      %convert_element_type3A_649 = arith.extui %ge3A_648 : i1 to i32
      %cond3A_650 = arith.constant 0 : i32
      %cond3A_651 = arith.cmpi ne, %convert_element_type3A_649, %cond3A_650 : i32
      scf.if %cond3A_651 {
        %dma_wait3A_950 = arith.constant 0 : i32
        %dma_wait3A_951 = arith.constant 0 : i32
        %dma_wait3A_952 = tpu.memref_slice %arg8[%dma_wait3A_950, %dma_wait3A_951] : memref<8x64xi32, #tpu.memory_space<vmem>> -> memref<1x64xi32, #tpu.memory_space<vmem>>
        %dma_wait3A_953 = tpu.memref_squeeze %dma_wait3A_952 : memref<1x64xi32, #tpu.memory_space<vmem>> -> memref<64xi32, #tpu.memory_space<vmem>>
        %dma_wait3A_954 = arith.constant 0 : i32
        %dma_wait3A_955 = arith.constant 0 : i32
        %dma_wait3A_956 = tpu.memref_slice %arg6[%dma_wait3A_954, %dma_wait3A_955] : memref<10240x128xf32, #tpu.memory_space<vmem_shared>> -> memref<10240x128xf32, #tpu.memory_space<vmem_shared>>
        tpu.wait_indirect_dma semaphore(%arg19 : memref<!tpu.dma_semaphore, #tpu.memory_space<semaphore_mem>>) src(%arg11 : memref<64x128xf32, #tpu.memory_space<vmem>>) dst(%dma_wait3A_956 : memref<10240x128xf32, #tpu.memory_space<vmem_shared>>)
      } else {
      }
      %add3A_652 = arith.constant 4 : i32
      %add3A_653 = arith.addi %mul3A_398, %add3A_652 : i32
      %dma_start3A_654 = arith.constant 64 : i32
      %dma_start3A_655 = tpu.memref_slice %arg7[%add3A_653, %dma_start3A_654] : memref<82x128xi32, #tpu.memory_space<vmem>> -> memref<1x64xi32, #tpu.memory_space<vmem>>
      %dma_start3A_656 = tpu.memref_squeeze %dma_start3A_655 : memref<1x64xi32, #tpu.memory_space<vmem>> -> memref<64xi32, #tpu.memory_space<vmem>>
      %dma_start3A_657 = arith.constant 0 : i32
      %dma_start3A_658 = arith.constant 0 : i32
      %dma_start3A_659 = tpu.memref_slice %arg2[%dma_start3A_657, %dma_start3A_658] : memref<10240x128xf32, #tpu.memory_space<hbm>> -> memref<10240x128xf32, #tpu.memory_space<hbm>>
      tpu.enqueue_indirect_dma source(%dma_start3A_659 : memref<10240x128xf32, #tpu.memory_space<hbm>>) target(%arg11 : memref<64x128xf32, #tpu.memory_space<vmem>>) offsets(%dma_start3A_656 : memref<64xi32, #tpu.memory_space<vmem>>) semaphore(%arg15 : memref<!tpu.dma_semaphore, #tpu.memory_space<semaphore_mem>>)
      %add3A_660 = arith.constant 2 : i32
      %add3A_661 = arith.addi %add3A_396, %add3A_660 : i32
      %dma_start3A_662 = arith.constant 0 : i32
      %dma_start3A_663 = arith.constant 0 : i32
      %dma_start3A_664 = tpu.memref_slice %arg4[%add3A, %add3A_661, %dma_start3A_662, %dma_start3A_663] : memref<32x22x8x64xi32, #tpu.memory_space<hbm>> -> memref<1x1x8x64xi32, #tpu.memory_space<hbm>>
      %dma_start3A_665 = tpu.memref_squeeze %dma_start3A_664 : memref<1x1x8x64xi32, #tpu.memory_space<hbm>> -> memref<8x64xi32, #tpu.memory_space<hbm>>
      %dma_start3A_666 = arith.constant 0 : i32
      %dma_start3A_667 = arith.constant 0 : i32
      %dma_start3A_668 = tpu.memref_slice %arg4[%add3A, %add3A_661, %dma_start3A_666, %dma_start3A_667] : memref<32x22x8x64xi32, #tpu.memory_space<hbm>> -> memref<1x1x8x64xi32, #tpu.memory_space<hbm>>
      %dma_start3A_669 = tpu.memref_squeeze %dma_start3A_668 : memref<1x1x8x64xi32, #tpu.memory_space<hbm>> -> memref<8x64xi32, #tpu.memory_space<hbm>>
      tpu.enqueue_dma source(%dma_start3A_669 : memref<8x64xi32, #tpu.memory_space<hbm>>) target(%arg8 : memref<8x64xi32, #tpu.memory_space<vmem>>) target_semaphore(%arg22 : memref<!tpu.dma_semaphore, #tpu.memory_space<semaphore_mem>>)
      %mul3A_670 = arith.constant 2 : i32
      %mul3A_671 = arith.muli %scan3A_392, %mul3A_670 : i32
      %add3A_672 = arith.constant 1 : i32
      %add3A_673 = arith.addi %mul3A_671, %add3A_672 : i32
      %mul3A_674 = arith.constant 4 : i32
      %mul3A_675 = arith.muli %add3A_673, %mul3A_674 : i32
      %dma_wait3A_676 = arith.constant 0 : i32
      %dma_wait3A_677 = arith.constant 0 : i32
      %dma_wait3A_678 = tpu.memref_slice %arg4[%add3A, %add3A_673, %dma_wait3A_676, %dma_wait3A_677] : memref<32x22x8x64xi32, #tpu.memory_space<hbm>> -> memref<1x1x8x64xi32, #tpu.memory_space<hbm>>
      %dma_wait3A_679 = tpu.memref_squeeze %dma_wait3A_678 : memref<1x1x8x64xi32, #tpu.memory_space<hbm>> -> memref<8x64xi32, #tpu.memory_space<hbm>>
      %dma_wait3A_680 = arith.constant 0 : i32
      %dma_wait3A_681 = arith.constant 0 : i32
      %dma_wait3A_682 = tpu.memref_slice %arg4[%add3A, %add3A_673, %dma_wait3A_680, %dma_wait3A_681] : memref<32x22x8x64xi32, #tpu.memory_space<hbm>> -> memref<1x1x8x64xi32, #tpu.memory_space<hbm>>
      %dma_wait3A_683 = tpu.memref_squeeze %dma_wait3A_682 : memref<1x1x8x64xi32, #tpu.memory_space<hbm>> -> memref<8x64xi32, #tpu.memory_space<hbm>>
      tpu.wait_dma2 semaphore(%arg23 : memref<!tpu.dma_semaphore, #tpu.memory_space<semaphore_mem>>) src(%dma_wait3A_683 : memref<8x64xi32, #tpu.memory_space<hbm>>) dst(%arg9 : memref<8x64xi32, #tpu.memory_space<vmem>>)
      %mul3A_684 = arith.constant 8 : i32
      %mul3A_685 = arith.muli %add3A_673, %mul3A_684 : i32
      %add3A_686 = arith.constant 0 : i32
      %add3A_687 = arith.addi %mul3A_685, %add3A_686 : i32
      %add3A_688 = arith.constant 0 : i32
      %add3A_689 = arith.addi %mul3A_675, %add3A_688 : i32
      %dma_wait3A_690 = arith.constant 0 : i32
      %dma_wait3A_691 = tpu.memref_slice %arg7[%add3A_689, %dma_wait3A_690] : memref<82x128xi32, #tpu.memory_space<vmem>> -> memref<1x64xi32, #tpu.memory_space<vmem>>
      %dma_wait3A_692 = tpu.memref_squeeze %dma_wait3A_691 : memref<1x64xi32, #tpu.memory_space<vmem>> -> memref<64xi32, #tpu.memory_space<vmem>>
      %dma_wait3A_693 = arith.constant 0 : i32
      %dma_wait3A_694 = arith.constant 0 : i32
      %dma_wait3A_695 = tpu.memref_slice %arg2[%dma_wait3A_693, %dma_wait3A_694] : memref<10240x128xf32, #tpu.memory_space<hbm>> -> memref<10240x128xf32, #tpu.memory_space<hbm>>
      tpu.wait_indirect_dma semaphore(%arg14 : memref<!tpu.dma_semaphore, #tpu.memory_space<semaphore_mem>>) src(%dma_wait3A_695 : memref<10240x128xf32, #tpu.memory_space<hbm>>) dst(%arg10 : memref<64x128xf32, #tpu.memory_space<vmem>>)
      %dma_start3A_696 = arith.constant 0 : i32
      %dma_start3A_697 = arith.constant 0 : i32
      %dma_start3A_698 = tpu.memref_slice %arg9[%dma_start3A_696, %dma_start3A_697] : memref<8x64xi32, #tpu.memory_space<vmem>> -> memref<1x64xi32, #tpu.memory_space<vmem>>
      %dma_start3A_699 = tpu.memref_squeeze %dma_start3A_698 : memref<1x64xi32, #tpu.memory_space<vmem>> -> memref<64xi32, #tpu.memory_space<vmem>>
      %dma_start3A_700 = arith.constant 0 : i32
      %dma_start3A_701 = arith.constant 0 : i32
      %dma_start3A_702 = tpu.memref_slice %arg6[%dma_start3A_700, %dma_start3A_701] : memref<10240x128xf32, #tpu.memory_space<vmem_shared>> -> memref<10240x128xf32, #tpu.memory_space<vmem_shared>>
      tpu.enqueue_indirect_dma source(%arg10 : memref<64x128xf32, #tpu.memory_space<vmem>>) target(%dma_start3A_702 : memref<10240x128xf32, #tpu.memory_space<vmem_shared>>) offsets(%dma_start3A_699 : memref<64xi32, #tpu.memory_space<vmem>>) semaphore(%arg18 : memref<!tpu.dma_semaphore, #tpu.memory_space<semaphore_mem>>) {add = true}
      %ge3A_703 = arith.constant 2 : i32
      %ge3A_704 = arith.cmpi sge, %add3A_687, %ge3A_703 : i32
      %convert_element_type3A_705 = arith.extui %ge3A_704 : i1 to i32
      %cond3A_706 = arith.constant 0 : i32
      %cond3A_707 = arith.cmpi ne, %convert_element_type3A_705, %cond3A_706 : i32
      scf.if %cond3A_707 {
        %dma_wait3A_950 = arith.constant 0 : i32
        %dma_wait3A_951 = arith.constant 0 : i32
        %dma_wait3A_952 = tpu.memref_slice %arg9[%dma_wait3A_950, %dma_wait3A_951] : memref<8x64xi32, #tpu.memory_space<vmem>> -> memref<1x64xi32, #tpu.memory_space<vmem>>
        %dma_wait3A_953 = tpu.memref_squeeze %dma_wait3A_952 : memref<1x64xi32, #tpu.memory_space<vmem>> -> memref<64xi32, #tpu.memory_space<vmem>>
        %dma_wait3A_954 = arith.constant 0 : i32
        %dma_wait3A_955 = arith.constant 0 : i32
        %dma_wait3A_956 = tpu.memref_slice %arg6[%dma_wait3A_954, %dma_wait3A_955] : memref<10240x128xf32, #tpu.memory_space<vmem_shared>> -> memref<10240x128xf32, #tpu.memory_space<vmem_shared>>
        tpu.wait_indirect_dma semaphore(%arg20 : memref<!tpu.dma_semaphore, #tpu.memory_space<semaphore_mem>>) src(%arg12 : memref<64x128xf32, #tpu.memory_space<vmem>>) dst(%dma_wait3A_956 : memref<10240x128xf32, #tpu.memory_space<vmem_shared>>)
      } else {
      }
      %add3A_708 = arith.constant 1 : i32
      %add3A_709 = arith.addi %mul3A_675, %add3A_708 : i32
      %dma_start3A_710 = arith.constant 0 : i32
      %dma_start3A_711 = tpu.memref_slice %arg7[%add3A_709, %dma_start3A_710] : memref<82x128xi32, #tpu.memory_space<vmem>> -> memref<1x64xi32, #tpu.memory_space<vmem>>
      %dma_start3A_712 = tpu.memref_squeeze %dma_start3A_711 : memref<1x64xi32, #tpu.memory_space<vmem>> -> memref<64xi32, #tpu.memory_space<vmem>>
      %dma_start3A_713 = arith.constant 0 : i32
      %dma_start3A_714 = arith.constant 0 : i32
      %dma_start3A_715 = tpu.memref_slice %arg2[%dma_start3A_713, %dma_start3A_714] : memref<10240x128xf32, #tpu.memory_space<hbm>> -> memref<10240x128xf32, #tpu.memory_space<hbm>>
      tpu.enqueue_indirect_dma source(%dma_start3A_715 : memref<10240x128xf32, #tpu.memory_space<hbm>>) target(%arg12 : memref<64x128xf32, #tpu.memory_space<vmem>>) offsets(%dma_start3A_712 : memref<64xi32, #tpu.memory_space<vmem>>) semaphore(%arg16 : memref<!tpu.dma_semaphore, #tpu.memory_space<semaphore_mem>>)
      %mul3A_716 = arith.constant 8 : i32
      %mul3A_717 = arith.muli %add3A_673, %mul3A_716 : i32
      %add3A_718 = arith.constant 1 : i32
      %add3A_719 = arith.addi %mul3A_717, %add3A_718 : i32
      %add3A_720 = arith.constant 0 : i32
      %add3A_721 = arith.addi %mul3A_675, %add3A_720 : i32
      %dma_wait3A_722 = arith.constant 64 : i32
      %dma_wait3A_723 = tpu.memref_slice %arg7[%add3A_721, %dma_wait3A_722] : memref<82x128xi32, #tpu.memory_space<vmem>> -> memref<1x64xi32, #tpu.memory_space<vmem>>
      %dma_wait3A_724 = tpu.memref_squeeze %dma_wait3A_723 : memref<1x64xi32, #tpu.memory_space<vmem>> -> memref<64xi32, #tpu.memory_space<vmem>>
      %dma_wait3A_725 = arith.constant 0 : i32
      %dma_wait3A_726 = arith.constant 0 : i32
      %dma_wait3A_727 = tpu.memref_slice %arg2[%dma_wait3A_725, %dma_wait3A_726] : memref<10240x128xf32, #tpu.memory_space<hbm>> -> memref<10240x128xf32, #tpu.memory_space<hbm>>
      tpu.wait_indirect_dma semaphore(%arg15 : memref<!tpu.dma_semaphore, #tpu.memory_space<semaphore_mem>>) src(%dma_wait3A_727 : memref<10240x128xf32, #tpu.memory_space<hbm>>) dst(%arg11 : memref<64x128xf32, #tpu.memory_space<vmem>>)
      %dma_start3A_728 = arith.constant 1 : i32
      %dma_start3A_729 = arith.constant 0 : i32
      %dma_start3A_730 = tpu.memref_slice %arg9[%dma_start3A_728, %dma_start3A_729] : memref<8x64xi32, #tpu.memory_space<vmem>> -> memref<1x64xi32, #tpu.memory_space<vmem>>
      %dma_start3A_731 = tpu.memref_squeeze %dma_start3A_730 : memref<1x64xi32, #tpu.memory_space<vmem>> -> memref<64xi32, #tpu.memory_space<vmem>>
      %dma_start3A_732 = arith.constant 0 : i32
      %dma_start3A_733 = arith.constant 0 : i32
      %dma_start3A_734 = tpu.memref_slice %arg6[%dma_start3A_732, %dma_start3A_733] : memref<10240x128xf32, #tpu.memory_space<vmem_shared>> -> memref<10240x128xf32, #tpu.memory_space<vmem_shared>>
      tpu.enqueue_indirect_dma source(%arg11 : memref<64x128xf32, #tpu.memory_space<vmem>>) target(%dma_start3A_734 : memref<10240x128xf32, #tpu.memory_space<vmem_shared>>) offsets(%dma_start3A_731 : memref<64xi32, #tpu.memory_space<vmem>>) semaphore(%arg19 : memref<!tpu.dma_semaphore, #tpu.memory_space<semaphore_mem>>) {add = true}
      %ge3A_735 = arith.constant 2 : i32
      %ge3A_736 = arith.cmpi sge, %add3A_719, %ge3A_735 : i32
      %convert_element_type3A_737 = arith.extui %ge3A_736 : i1 to i32
      %cond3A_738 = arith.constant 0 : i32
      %cond3A_739 = arith.cmpi ne, %convert_element_type3A_737, %cond3A_738 : i32
      scf.if %cond3A_739 {
        %dma_wait3A_950 = arith.constant 0 : i32
        %dma_wait3A_951 = arith.constant 0 : i32
        %dma_wait3A_952 = tpu.memref_slice %arg9[%dma_wait3A_950, %dma_wait3A_951] : memref<8x64xi32, #tpu.memory_space<vmem>> -> memref<1x64xi32, #tpu.memory_space<vmem>>
        %dma_wait3A_953 = tpu.memref_squeeze %dma_wait3A_952 : memref<1x64xi32, #tpu.memory_space<vmem>> -> memref<64xi32, #tpu.memory_space<vmem>>
        %dma_wait3A_954 = arith.constant 0 : i32
        %dma_wait3A_955 = arith.constant 0 : i32
        %dma_wait3A_956 = tpu.memref_slice %arg6[%dma_wait3A_954, %dma_wait3A_955] : memref<10240x128xf32, #tpu.memory_space<vmem_shared>> -> memref<10240x128xf32, #tpu.memory_space<vmem_shared>>
        tpu.wait_indirect_dma semaphore(%arg21 : memref<!tpu.dma_semaphore, #tpu.memory_space<semaphore_mem>>) src(%arg13 : memref<64x128xf32, #tpu.memory_space<vmem>>) dst(%dma_wait3A_956 : memref<10240x128xf32, #tpu.memory_space<vmem_shared>>)
      } else {
      }
      %add3A_740 = arith.constant 1 : i32
      %add3A_741 = arith.addi %mul3A_675, %add3A_740 : i32
      %dma_start3A_742 = arith.constant 64 : i32
      %dma_start3A_743 = tpu.memref_slice %arg7[%add3A_741, %dma_start3A_742] : memref<82x128xi32, #tpu.memory_space<vmem>> -> memref<1x64xi32, #tpu.memory_space<vmem>>
      %dma_start3A_744 = tpu.memref_squeeze %dma_start3A_743 : memref<1x64xi32, #tpu.memory_space<vmem>> -> memref<64xi32, #tpu.memory_space<vmem>>
      %dma_start3A_745 = arith.constant 0 : i32
      %dma_start3A_746 = arith.constant 0 : i32
      %dma_start3A_747 = tpu.memref_slice %arg2[%dma_start3A_745, %dma_start3A_746] : memref<10240x128xf32, #tpu.memory_space<hbm>> -> memref<10240x128xf32, #tpu.memory_space<hbm>>
      tpu.enqueue_indirect_dma source(%dma_start3A_747 : memref<10240x128xf32, #tpu.memory_space<hbm>>) target(%arg13 : memref<64x128xf32, #tpu.memory_space<vmem>>) offsets(%dma_start3A_744 : memref<64xi32, #tpu.memory_space<vmem>>) semaphore(%arg17 : memref<!tpu.dma_semaphore, #tpu.memory_space<semaphore_mem>>)
      %mul3A_748 = arith.constant 8 : i32
      %mul3A_749 = arith.muli %add3A_673, %mul3A_748 : i32
      %add3A_750 = arith.constant 2 : i32
      %add3A_751 = arith.addi %mul3A_749, %add3A_750 : i32
      %add3A_752 = arith.constant 1 : i32
      %add3A_753 = arith.addi %mul3A_675, %add3A_752 : i32
      %dma_wait3A_754 = arith.constant 0 : i32
      %dma_wait3A_755 = tpu.memref_slice %arg7[%add3A_753, %dma_wait3A_754] : memref<82x128xi32, #tpu.memory_space<vmem>> -> memref<1x64xi32, #tpu.memory_space<vmem>>
      %dma_wait3A_756 = tpu.memref_squeeze %dma_wait3A_755 : memref<1x64xi32, #tpu.memory_space<vmem>> -> memref<64xi32, #tpu.memory_space<vmem>>
      %dma_wait3A_757 = arith.constant 0 : i32
      %dma_wait3A_758 = arith.constant 0 : i32
      %dma_wait3A_759 = tpu.memref_slice %arg2[%dma_wait3A_757, %dma_wait3A_758] : memref<10240x128xf32, #tpu.memory_space<hbm>> -> memref<10240x128xf32, #tpu.memory_space<hbm>>
      tpu.wait_indirect_dma semaphore(%arg16 : memref<!tpu.dma_semaphore, #tpu.memory_space<semaphore_mem>>) src(%dma_wait3A_759 : memref<10240x128xf32, #tpu.memory_space<hbm>>) dst(%arg12 : memref<64x128xf32, #tpu.memory_space<vmem>>)
      %dma_start3A_760 = arith.constant 2 : i32
      %dma_start3A_761 = arith.constant 0 : i32
      %dma_start3A_762 = tpu.memref_slice %arg9[%dma_start3A_760, %dma_start3A_761] : memref<8x64xi32, #tpu.memory_space<vmem>> -> memref<1x64xi32, #tpu.memory_space<vmem>>
      %dma_start3A_763 = tpu.memref_squeeze %dma_start3A_762 : memref<1x64xi32, #tpu.memory_space<vmem>> -> memref<64xi32, #tpu.memory_space<vmem>>
      %dma_start3A_764 = arith.constant 0 : i32
      %dma_start3A_765 = arith.constant 0 : i32
      %dma_start3A_766 = tpu.memref_slice %arg6[%dma_start3A_764, %dma_start3A_765] : memref<10240x128xf32, #tpu.memory_space<vmem_shared>> -> memref<10240x128xf32, #tpu.memory_space<vmem_shared>>
      tpu.enqueue_indirect_dma source(%arg12 : memref<64x128xf32, #tpu.memory_space<vmem>>) target(%dma_start3A_766 : memref<10240x128xf32, #tpu.memory_space<vmem_shared>>) offsets(%dma_start3A_763 : memref<64xi32, #tpu.memory_space<vmem>>) semaphore(%arg20 : memref<!tpu.dma_semaphore, #tpu.memory_space<semaphore_mem>>) {add = true}
      %ge3A_767 = arith.constant 2 : i32
      %ge3A_768 = arith.cmpi sge, %add3A_751, %ge3A_767 : i32
      %convert_element_type3A_769 = arith.extui %ge3A_768 : i1 to i32
      %cond3A_770 = arith.constant 0 : i32
      %cond3A_771 = arith.cmpi ne, %convert_element_type3A_769, %cond3A_770 : i32
      scf.if %cond3A_771 {
        %dma_wait3A_950 = arith.constant 0 : i32
        %dma_wait3A_951 = arith.constant 0 : i32
        %dma_wait3A_952 = tpu.memref_slice %arg9[%dma_wait3A_950, %dma_wait3A_951] : memref<8x64xi32, #tpu.memory_space<vmem>> -> memref<1x64xi32, #tpu.memory_space<vmem>>
        %dma_wait3A_953 = tpu.memref_squeeze %dma_wait3A_952 : memref<1x64xi32, #tpu.memory_space<vmem>> -> memref<64xi32, #tpu.memory_space<vmem>>
        %dma_wait3A_954 = arith.constant 0 : i32
        %dma_wait3A_955 = arith.constant 0 : i32
        %dma_wait3A_956 = tpu.memref_slice %arg6[%dma_wait3A_954, %dma_wait3A_955] : memref<10240x128xf32, #tpu.memory_space<vmem_shared>> -> memref<10240x128xf32, #tpu.memory_space<vmem_shared>>
        tpu.wait_indirect_dma semaphore(%arg18 : memref<!tpu.dma_semaphore, #tpu.memory_space<semaphore_mem>>) src(%arg10 : memref<64x128xf32, #tpu.memory_space<vmem>>) dst(%dma_wait3A_956 : memref<10240x128xf32, #tpu.memory_space<vmem_shared>>)
      } else {
      }
      %add3A_772 = arith.constant 2 : i32
      %add3A_773 = arith.addi %mul3A_675, %add3A_772 : i32
      %dma_start3A_774 = arith.constant 0 : i32
      %dma_start3A_775 = tpu.memref_slice %arg7[%add3A_773, %dma_start3A_774] : memref<82x128xi32, #tpu.memory_space<vmem>> -> memref<1x64xi32, #tpu.memory_space<vmem>>
      %dma_start3A_776 = tpu.memref_squeeze %dma_start3A_775 : memref<1x64xi32, #tpu.memory_space<vmem>> -> memref<64xi32, #tpu.memory_space<vmem>>
      %dma_start3A_777 = arith.constant 0 : i32
      %dma_start3A_778 = arith.constant 0 : i32
      %dma_start3A_779 = tpu.memref_slice %arg2[%dma_start3A_777, %dma_start3A_778] : memref<10240x128xf32, #tpu.memory_space<hbm>> -> memref<10240x128xf32, #tpu.memory_space<hbm>>
      tpu.enqueue_indirect_dma source(%dma_start3A_779 : memref<10240x128xf32, #tpu.memory_space<hbm>>) target(%arg10 : memref<64x128xf32, #tpu.memory_space<vmem>>) offsets(%dma_start3A_776 : memref<64xi32, #tpu.memory_space<vmem>>) semaphore(%arg14 : memref<!tpu.dma_semaphore, #tpu.memory_space<semaphore_mem>>)
      %mul3A_780 = arith.constant 8 : i32
      %mul3A_781 = arith.muli %add3A_673, %mul3A_780 : i32
      %add3A_782 = arith.constant 3 : i32
      %add3A_783 = arith.addi %mul3A_781, %add3A_782 : i32
      %add3A_784 = arith.constant 1 : i32
      %add3A_785 = arith.addi %mul3A_675, %add3A_784 : i32
      %dma_wait3A_786 = arith.constant 64 : i32
      %dma_wait3A_787 = tpu.memref_slice %arg7[%add3A_785, %dma_wait3A_786] : memref<82x128xi32, #tpu.memory_space<vmem>> -> memref<1x64xi32, #tpu.memory_space<vmem>>
      %dma_wait3A_788 = tpu.memref_squeeze %dma_wait3A_787 : memref<1x64xi32, #tpu.memory_space<vmem>> -> memref<64xi32, #tpu.memory_space<vmem>>
      %dma_wait3A_789 = arith.constant 0 : i32
      %dma_wait3A_790 = arith.constant 0 : i32
      %dma_wait3A_791 = tpu.memref_slice %arg2[%dma_wait3A_789, %dma_wait3A_790] : memref<10240x128xf32, #tpu.memory_space<hbm>> -> memref<10240x128xf32, #tpu.memory_space<hbm>>
      tpu.wait_indirect_dma semaphore(%arg17 : memref<!tpu.dma_semaphore, #tpu.memory_space<semaphore_mem>>) src(%dma_wait3A_791 : memref<10240x128xf32, #tpu.memory_space<hbm>>) dst(%arg13 : memref<64x128xf32, #tpu.memory_space<vmem>>)
      %dma_start3A_792 = arith.constant 3 : i32
      %dma_start3A_793 = arith.constant 0 : i32
      %dma_start3A_794 = tpu.memref_slice %arg9[%dma_start3A_792, %dma_start3A_793] : memref<8x64xi32, #tpu.memory_space<vmem>> -> memref<1x64xi32, #tpu.memory_space<vmem>>
      %dma_start3A_795 = tpu.memref_squeeze %dma_start3A_794 : memref<1x64xi32, #tpu.memory_space<vmem>> -> memref<64xi32, #tpu.memory_space<vmem>>
      %dma_start3A_796 = arith.constant 0 : i32
      %dma_start3A_797 = arith.constant 0 : i32
      %dma_start3A_798 = tpu.memref_slice %arg6[%dma_start3A_796, %dma_start3A_797] : memref<10240x128xf32, #tpu.memory_space<vmem_shared>> -> memref<10240x128xf32, #tpu.memory_space<vmem_shared>>
      tpu.enqueue_indirect_dma source(%arg13 : memref<64x128xf32, #tpu.memory_space<vmem>>) target(%dma_start3A_798 : memref<10240x128xf32, #tpu.memory_space<vmem_shared>>) offsets(%dma_start3A_795 : memref<64xi32, #tpu.memory_space<vmem>>) semaphore(%arg21 : memref<!tpu.dma_semaphore, #tpu.memory_space<semaphore_mem>>) {add = true}
      %ge3A_799 = arith.constant 2 : i32
      %ge3A_800 = arith.cmpi sge, %add3A_783, %ge3A_799 : i32
      %convert_element_type3A_801 = arith.extui %ge3A_800 : i1 to i32
      %cond3A_802 = arith.constant 0 : i32
      %cond3A_803 = arith.cmpi ne, %convert_element_type3A_801, %cond3A_802 : i32
      scf.if %cond3A_803 {
        %dma_wait3A_950 = arith.constant 0 : i32
        %dma_wait3A_951 = arith.constant 0 : i32
        %dma_wait3A_952 = tpu.memref_slice %arg9[%dma_wait3A_950, %dma_wait3A_951] : memref<8x64xi32, #tpu.memory_space<vmem>> -> memref<1x64xi32, #tpu.memory_space<vmem>>
        %dma_wait3A_953 = tpu.memref_squeeze %dma_wait3A_952 : memref<1x64xi32, #tpu.memory_space<vmem>> -> memref<64xi32, #tpu.memory_space<vmem>>
        %dma_wait3A_954 = arith.constant 0 : i32
        %dma_wait3A_955 = arith.constant 0 : i32
        %dma_wait3A_956 = tpu.memref_slice %arg6[%dma_wait3A_954, %dma_wait3A_955] : memref<10240x128xf32, #tpu.memory_space<vmem_shared>> -> memref<10240x128xf32, #tpu.memory_space<vmem_shared>>
        tpu.wait_indirect_dma semaphore(%arg19 : memref<!tpu.dma_semaphore, #tpu.memory_space<semaphore_mem>>) src(%arg11 : memref<64x128xf32, #tpu.memory_space<vmem>>) dst(%dma_wait3A_956 : memref<10240x128xf32, #tpu.memory_space<vmem_shared>>)
      } else {
      }
      %add3A_804 = arith.constant 2 : i32
      %add3A_805 = arith.addi %mul3A_675, %add3A_804 : i32
      %dma_start3A_806 = arith.constant 64 : i32
      %dma_start3A_807 = tpu.memref_slice %arg7[%add3A_805, %dma_start3A_806] : memref<82x128xi32, #tpu.memory_space<vmem>> -> memref<1x64xi32, #tpu.memory_space<vmem>>
      %dma_start3A_808 = tpu.memref_squeeze %dma_start3A_807 : memref<1x64xi32, #tpu.memory_space<vmem>> -> memref<64xi32, #tpu.memory_space<vmem>>
      %dma_start3A_809 = arith.constant 0 : i32
      %dma_start3A_810 = arith.constant 0 : i32
      %dma_start3A_811 = tpu.memref_slice %arg2[%dma_start3A_809, %dma_start3A_810] : memref<10240x128xf32, #tpu.memory_space<hbm>> -> memref<10240x128xf32, #tpu.memory_space<hbm>>
      tpu.enqueue_indirect_dma source(%dma_start3A_811 : memref<10240x128xf32, #tpu.memory_space<hbm>>) target(%arg11 : memref<64x128xf32, #tpu.memory_space<vmem>>) offsets(%dma_start3A_808 : memref<64xi32, #tpu.memory_space<vmem>>) semaphore(%arg15 : memref<!tpu.dma_semaphore, #tpu.memory_space<semaphore_mem>>)
      %mul3A_812 = arith.constant 8 : i32
      %mul3A_813 = arith.muli %add3A_673, %mul3A_812 : i32
      %add3A_814 = arith.constant 4 : i32
      %add3A_815 = arith.addi %mul3A_813, %add3A_814 : i32
      %add3A_816 = arith.constant 2 : i32
      %add3A_817 = arith.addi %mul3A_675, %add3A_816 : i32
      %dma_wait3A_818 = arith.constant 0 : i32
      %dma_wait3A_819 = tpu.memref_slice %arg7[%add3A_817, %dma_wait3A_818] : memref<82x128xi32, #tpu.memory_space<vmem>> -> memref<1x64xi32, #tpu.memory_space<vmem>>
      %dma_wait3A_820 = tpu.memref_squeeze %dma_wait3A_819 : memref<1x64xi32, #tpu.memory_space<vmem>> -> memref<64xi32, #tpu.memory_space<vmem>>
      %dma_wait3A_821 = arith.constant 0 : i32
      %dma_wait3A_822 = arith.constant 0 : i32
      %dma_wait3A_823 = tpu.memref_slice %arg2[%dma_wait3A_821, %dma_wait3A_822] : memref<10240x128xf32, #tpu.memory_space<hbm>> -> memref<10240x128xf32, #tpu.memory_space<hbm>>
      tpu.wait_indirect_dma semaphore(%arg14 : memref<!tpu.dma_semaphore, #tpu.memory_space<semaphore_mem>>) src(%dma_wait3A_823 : memref<10240x128xf32, #tpu.memory_space<hbm>>) dst(%arg10 : memref<64x128xf32, #tpu.memory_space<vmem>>)
      %dma_start3A_824 = arith.constant 4 : i32
      %dma_start3A_825 = arith.constant 0 : i32
      %dma_start3A_826 = tpu.memref_slice %arg9[%dma_start3A_824, %dma_start3A_825] : memref<8x64xi32, #tpu.memory_space<vmem>> -> memref<1x64xi32, #tpu.memory_space<vmem>>
      %dma_start3A_827 = tpu.memref_squeeze %dma_start3A_826 : memref<1x64xi32, #tpu.memory_space<vmem>> -> memref<64xi32, #tpu.memory_space<vmem>>
      %dma_start3A_828 = arith.constant 0 : i32
      %dma_start3A_829 = arith.constant 0 : i32
      %dma_start3A_830 = tpu.memref_slice %arg6[%dma_start3A_828, %dma_start3A_829] : memref<10240x128xf32, #tpu.memory_space<vmem_shared>> -> memref<10240x128xf32, #tpu.memory_space<vmem_shared>>
      tpu.enqueue_indirect_dma source(%arg10 : memref<64x128xf32, #tpu.memory_space<vmem>>) target(%dma_start3A_830 : memref<10240x128xf32, #tpu.memory_space<vmem_shared>>) offsets(%dma_start3A_827 : memref<64xi32, #tpu.memory_space<vmem>>) semaphore(%arg18 : memref<!tpu.dma_semaphore, #tpu.memory_space<semaphore_mem>>) {add = true}
      %ge3A_831 = arith.constant 2 : i32
      %ge3A_832 = arith.cmpi sge, %add3A_815, %ge3A_831 : i32
      %convert_element_type3A_833 = arith.extui %ge3A_832 : i1 to i32
      %cond3A_834 = arith.constant 0 : i32
      %cond3A_835 = arith.cmpi ne, %convert_element_type3A_833, %cond3A_834 : i32
      scf.if %cond3A_835 {
        %dma_wait3A_950 = arith.constant 0 : i32
        %dma_wait3A_951 = arith.constant 0 : i32
        %dma_wait3A_952 = tpu.memref_slice %arg9[%dma_wait3A_950, %dma_wait3A_951] : memref<8x64xi32, #tpu.memory_space<vmem>> -> memref<1x64xi32, #tpu.memory_space<vmem>>
        %dma_wait3A_953 = tpu.memref_squeeze %dma_wait3A_952 : memref<1x64xi32, #tpu.memory_space<vmem>> -> memref<64xi32, #tpu.memory_space<vmem>>
        %dma_wait3A_954 = arith.constant 0 : i32
        %dma_wait3A_955 = arith.constant 0 : i32
        %dma_wait3A_956 = tpu.memref_slice %arg6[%dma_wait3A_954, %dma_wait3A_955] : memref<10240x128xf32, #tpu.memory_space<vmem_shared>> -> memref<10240x128xf32, #tpu.memory_space<vmem_shared>>
        tpu.wait_indirect_dma semaphore(%arg20 : memref<!tpu.dma_semaphore, #tpu.memory_space<semaphore_mem>>) src(%arg12 : memref<64x128xf32, #tpu.memory_space<vmem>>) dst(%dma_wait3A_956 : memref<10240x128xf32, #tpu.memory_space<vmem_shared>>)
      } else {
      }
      %add3A_836 = arith.constant 3 : i32
      %add3A_837 = arith.addi %mul3A_675, %add3A_836 : i32
      %dma_start3A_838 = arith.constant 0 : i32
      %dma_start3A_839 = tpu.memref_slice %arg7[%add3A_837, %dma_start3A_838] : memref<82x128xi32, #tpu.memory_space<vmem>> -> memref<1x64xi32, #tpu.memory_space<vmem>>
      %dma_start3A_840 = tpu.memref_squeeze %dma_start3A_839 : memref<1x64xi32, #tpu.memory_space<vmem>> -> memref<64xi32, #tpu.memory_space<vmem>>
      %dma_start3A_841 = arith.constant 0 : i32
      %dma_start3A_842 = arith.constant 0 : i32
      %dma_start3A_843 = tpu.memref_slice %arg2[%dma_start3A_841, %dma_start3A_842] : memref<10240x128xf32, #tpu.memory_space<hbm>> -> memref<10240x128xf32, #tpu.memory_space<hbm>>
      tpu.enqueue_indirect_dma source(%dma_start3A_843 : memref<10240x128xf32, #tpu.memory_space<hbm>>) target(%arg12 : memref<64x128xf32, #tpu.memory_space<vmem>>) offsets(%dma_start3A_840 : memref<64xi32, #tpu.memory_space<vmem>>) semaphore(%arg16 : memref<!tpu.dma_semaphore, #tpu.memory_space<semaphore_mem>>)
      %mul3A_844 = arith.constant 8 : i32
      %mul3A_845 = arith.muli %add3A_673, %mul3A_844 : i32
      %add3A_846 = arith.constant 5 : i32
      %add3A_847 = arith.addi %mul3A_845, %add3A_846 : i32
      %add3A_848 = arith.constant 2 : i32
      %add3A_849 = arith.addi %mul3A_675, %add3A_848 : i32
      %dma_wait3A_850 = arith.constant 64 : i32
      %dma_wait3A_851 = tpu.memref_slice %arg7[%add3A_849, %dma_wait3A_850] : memref<82x128xi32, #tpu.memory_space<vmem>> -> memref<1x64xi32, #tpu.memory_space<vmem>>
      %dma_wait3A_852 = tpu.memref_squeeze %dma_wait3A_851 : memref<1x64xi32, #tpu.memory_space<vmem>> -> memref<64xi32, #tpu.memory_space<vmem>>
      %dma_wait3A_853 = arith.constant 0 : i32
      %dma_wait3A_854 = arith.constant 0 : i32
      %dma_wait3A_855 = tpu.memref_slice %arg2[%dma_wait3A_853, %dma_wait3A_854] : memref<10240x128xf32, #tpu.memory_space<hbm>> -> memref<10240x128xf32, #tpu.memory_space<hbm>>
      tpu.wait_indirect_dma semaphore(%arg15 : memref<!tpu.dma_semaphore, #tpu.memory_space<semaphore_mem>>) src(%dma_wait3A_855 : memref<10240x128xf32, #tpu.memory_space<hbm>>) dst(%arg11 : memref<64x128xf32, #tpu.memory_space<vmem>>)
      %dma_start3A_856 = arith.constant 5 : i32
      %dma_start3A_857 = arith.constant 0 : i32
      %dma_start3A_858 = tpu.memref_slice %arg9[%dma_start3A_856, %dma_start3A_857] : memref<8x64xi32, #tpu.memory_space<vmem>> -> memref<1x64xi32, #tpu.memory_space<vmem>>
      %dma_start3A_859 = tpu.memref_squeeze %dma_start3A_858 : memref<1x64xi32, #tpu.memory_space<vmem>> -> memref<64xi32, #tpu.memory_space<vmem>>
      %dma_start3A_860 = arith.constant 0 : i32
      %dma_start3A_861 = arith.constant 0 : i32
      %dma_start3A_862 = tpu.memref_slice %arg6[%dma_start3A_860, %dma_start3A_861] : memref<10240x128xf32, #tpu.memory_space<vmem_shared>> -> memref<10240x128xf32, #tpu.memory_space<vmem_shared>>
      tpu.enqueue_indirect_dma source(%arg11 : memref<64x128xf32, #tpu.memory_space<vmem>>) target(%dma_start3A_862 : memref<10240x128xf32, #tpu.memory_space<vmem_shared>>) offsets(%dma_start3A_859 : memref<64xi32, #tpu.memory_space<vmem>>) semaphore(%arg19 : memref<!tpu.dma_semaphore, #tpu.memory_space<semaphore_mem>>) {add = true}
      %ge3A_863 = arith.constant 2 : i32
      %ge3A_864 = arith.cmpi sge, %add3A_847, %ge3A_863 : i32
      %convert_element_type3A_865 = arith.extui %ge3A_864 : i1 to i32
      %cond3A_866 = arith.constant 0 : i32
      %cond3A_867 = arith.cmpi ne, %convert_element_type3A_865, %cond3A_866 : i32
      scf.if %cond3A_867 {
        %dma_wait3A_950 = arith.constant 0 : i32
        %dma_wait3A_951 = arith.constant 0 : i32
        %dma_wait3A_952 = tpu.memref_slice %arg9[%dma_wait3A_950, %dma_wait3A_951] : memref<8x64xi32, #tpu.memory_space<vmem>> -> memref<1x64xi32, #tpu.memory_space<vmem>>
        %dma_wait3A_953 = tpu.memref_squeeze %dma_wait3A_952 : memref<1x64xi32, #tpu.memory_space<vmem>> -> memref<64xi32, #tpu.memory_space<vmem>>
        %dma_wait3A_954 = arith.constant 0 : i32
        %dma_wait3A_955 = arith.constant 0 : i32
        %dma_wait3A_956 = tpu.memref_slice %arg6[%dma_wait3A_954, %dma_wait3A_955] : memref<10240x128xf32, #tpu.memory_space<vmem_shared>> -> memref<10240x128xf32, #tpu.memory_space<vmem_shared>>
        tpu.wait_indirect_dma semaphore(%arg21 : memref<!tpu.dma_semaphore, #tpu.memory_space<semaphore_mem>>) src(%arg13 : memref<64x128xf32, #tpu.memory_space<vmem>>) dst(%dma_wait3A_956 : memref<10240x128xf32, #tpu.memory_space<vmem_shared>>)
      } else {
      }
      %add3A_868 = arith.constant 3 : i32
      %add3A_869 = arith.addi %mul3A_675, %add3A_868 : i32
      %dma_start3A_870 = arith.constant 64 : i32
      %dma_start3A_871 = tpu.memref_slice %arg7[%add3A_869, %dma_start3A_870] : memref<82x128xi32, #tpu.memory_space<vmem>> -> memref<1x64xi32, #tpu.memory_space<vmem>>
      %dma_start3A_872 = tpu.memref_squeeze %dma_start3A_871 : memref<1x64xi32, #tpu.memory_space<vmem>> -> memref<64xi32, #tpu.memory_space<vmem>>
      %dma_start3A_873 = arith.constant 0 : i32
      %dma_start3A_874 = arith.constant 0 : i32
      %dma_start3A_875 = tpu.memref_slice %arg2[%dma_start3A_873, %dma_start3A_874] : memref<10240x128xf32, #tpu.memory_space<hbm>> -> memref<10240x128xf32, #tpu.memory_space<hbm>>
      tpu.enqueue_indirect_dma source(%dma_start3A_875 : memref<10240x128xf32, #tpu.memory_space<hbm>>) target(%arg13 : memref<64x128xf32, #tpu.memory_space<vmem>>) offsets(%dma_start3A_872 : memref<64xi32, #tpu.memory_space<vmem>>) semaphore(%arg17 : memref<!tpu.dma_semaphore, #tpu.memory_space<semaphore_mem>>)
      %mul3A_876 = arith.constant 8 : i32
      %mul3A_877 = arith.muli %add3A_673, %mul3A_876 : i32
      %add3A_878 = arith.constant 6 : i32
      %add3A_879 = arith.addi %mul3A_877, %add3A_878 : i32
      %add3A_880 = arith.constant 3 : i32
      %add3A_881 = arith.addi %mul3A_675, %add3A_880 : i32
      %dma_wait3A_882 = arith.constant 0 : i32
      %dma_wait3A_883 = tpu.memref_slice %arg7[%add3A_881, %dma_wait3A_882] : memref<82x128xi32, #tpu.memory_space<vmem>> -> memref<1x64xi32, #tpu.memory_space<vmem>>
      %dma_wait3A_884 = tpu.memref_squeeze %dma_wait3A_883 : memref<1x64xi32, #tpu.memory_space<vmem>> -> memref<64xi32, #tpu.memory_space<vmem>>
      %dma_wait3A_885 = arith.constant 0 : i32
      %dma_wait3A_886 = arith.constant 0 : i32
      %dma_wait3A_887 = tpu.memref_slice %arg2[%dma_wait3A_885, %dma_wait3A_886] : memref<10240x128xf32, #tpu.memory_space<hbm>> -> memref<10240x128xf32, #tpu.memory_space<hbm>>
      tpu.wait_indirect_dma semaphore(%arg16 : memref<!tpu.dma_semaphore, #tpu.memory_space<semaphore_mem>>) src(%dma_wait3A_887 : memref<10240x128xf32, #tpu.memory_space<hbm>>) dst(%arg12 : memref<64x128xf32, #tpu.memory_space<vmem>>)
      %dma_start3A_888 = arith.constant 6 : i32
      %dma_start3A_889 = arith.constant 0 : i32
      %dma_start3A_890 = tpu.memref_slice %arg9[%dma_start3A_888, %dma_start3A_889] : memref<8x64xi32, #tpu.memory_space<vmem>> -> memref<1x64xi32, #tpu.memory_space<vmem>>
      %dma_start3A_891 = tpu.memref_squeeze %dma_start3A_890 : memref<1x64xi32, #tpu.memory_space<vmem>> -> memref<64xi32, #tpu.memory_space<vmem>>
      %dma_start3A_892 = arith.constant 0 : i32
      %dma_start3A_893 = arith.constant 0 : i32
      %dma_start3A_894 = tpu.memref_slice %arg6[%dma_start3A_892, %dma_start3A_893] : memref<10240x128xf32, #tpu.memory_space<vmem_shared>> -> memref<10240x128xf32, #tpu.memory_space<vmem_shared>>
      tpu.enqueue_indirect_dma source(%arg12 : memref<64x128xf32, #tpu.memory_space<vmem>>) target(%dma_start3A_894 : memref<10240x128xf32, #tpu.memory_space<vmem_shared>>) offsets(%dma_start3A_891 : memref<64xi32, #tpu.memory_space<vmem>>) semaphore(%arg20 : memref<!tpu.dma_semaphore, #tpu.memory_space<semaphore_mem>>) {add = true}
      %ge3A_895 = arith.constant 2 : i32
      %ge3A_896 = arith.cmpi sge, %add3A_879, %ge3A_895 : i32
      %convert_element_type3A_897 = arith.extui %ge3A_896 : i1 to i32
      %cond3A_898 = arith.constant 0 : i32
      %cond3A_899 = arith.cmpi ne, %convert_element_type3A_897, %cond3A_898 : i32
      scf.if %cond3A_899 {
        %dma_wait3A_950 = arith.constant 0 : i32
        %dma_wait3A_951 = arith.constant 0 : i32
        %dma_wait3A_952 = tpu.memref_slice %arg9[%dma_wait3A_950, %dma_wait3A_951] : memref<8x64xi32, #tpu.memory_space<vmem>> -> memref<1x64xi32, #tpu.memory_space<vmem>>
        %dma_wait3A_953 = tpu.memref_squeeze %dma_wait3A_952 : memref<1x64xi32, #tpu.memory_space<vmem>> -> memref<64xi32, #tpu.memory_space<vmem>>
        %dma_wait3A_954 = arith.constant 0 : i32
        %dma_wait3A_955 = arith.constant 0 : i32
        %dma_wait3A_956 = tpu.memref_slice %arg6[%dma_wait3A_954, %dma_wait3A_955] : memref<10240x128xf32, #tpu.memory_space<vmem_shared>> -> memref<10240x128xf32, #tpu.memory_space<vmem_shared>>
        tpu.wait_indirect_dma semaphore(%arg18 : memref<!tpu.dma_semaphore, #tpu.memory_space<semaphore_mem>>) src(%arg10 : memref<64x128xf32, #tpu.memory_space<vmem>>) dst(%dma_wait3A_956 : memref<10240x128xf32, #tpu.memory_space<vmem_shared>>)
      } else {
      }
      %add3A_900 = arith.constant 4 : i32
      %add3A_901 = arith.addi %mul3A_675, %add3A_900 : i32
      %dma_start3A_902 = arith.constant 0 : i32
      %dma_start3A_903 = tpu.memref_slice %arg7[%add3A_901, %dma_start3A_902] : memref<82x128xi32, #tpu.memory_space<vmem>> -> memref<1x64xi32, #tpu.memory_space<vmem>>
      %dma_start3A_904 = tpu.memref_squeeze %dma_start3A_903 : memref<1x64xi32, #tpu.memory_space<vmem>> -> memref<64xi32, #tpu.memory_space<vmem>>
      %dma_start3A_905 = arith.constant 0 : i32
      %dma_start3A_906 = arith.constant 0 : i32
      %dma_start3A_907 = tpu.memref_slice %arg2[%dma_start3A_905, %dma_start3A_906] : memref<10240x128xf32, #tpu.memory_space<hbm>> -> memref<10240x128xf32, #tpu.memory_space<hbm>>
      tpu.enqueue_indirect_dma source(%dma_start3A_907 : memref<10240x128xf32, #tpu.memory_space<hbm>>) target(%arg10 : memref<64x128xf32, #tpu.memory_space<vmem>>) offsets(%dma_start3A_904 : memref<64xi32, #tpu.memory_space<vmem>>) semaphore(%arg14 : memref<!tpu.dma_semaphore, #tpu.memory_space<semaphore_mem>>)
      %mul3A_908 = arith.constant 8 : i32
      %mul3A_909 = arith.muli %add3A_673, %mul3A_908 : i32
      %add3A_910 = arith.constant 7 : i32
      %add3A_911 = arith.addi %mul3A_909, %add3A_910 : i32
      %add3A_912 = arith.constant 3 : i32
      %add3A_913 = arith.addi %mul3A_675, %add3A_912 : i32
      %dma_wait3A_914 = arith.constant 64 : i32
      %dma_wait3A_915 = tpu.memref_slice %arg7[%add3A_913, %dma_wait3A_914] : memref<82x128xi32, #tpu.memory_space<vmem>> -> memref<1x64xi32, #tpu.memory_space<vmem>>
      %dma_wait3A_916 = tpu.memref_squeeze %dma_wait3A_915 : memref<1x64xi32, #tpu.memory_space<vmem>> -> memref<64xi32, #tpu.memory_space<vmem>>
      %dma_wait3A_917 = arith.constant 0 : i32
      %dma_wait3A_918 = arith.constant 0 : i32
      %dma_wait3A_919 = tpu.memref_slice %arg2[%dma_wait3A_917, %dma_wait3A_918] : memref<10240x128xf32, #tpu.memory_space<hbm>> -> memref<10240x128xf32, #tpu.memory_space<hbm>>
      tpu.wait_indirect_dma semaphore(%arg17 : memref<!tpu.dma_semaphore, #tpu.memory_space<semaphore_mem>>) src(%dma_wait3A_919 : memref<10240x128xf32, #tpu.memory_space<hbm>>) dst(%arg13 : memref<64x128xf32, #tpu.memory_space<vmem>>)
      %dma_start3A_920 = arith.constant 7 : i32
      %dma_start3A_921 = arith.constant 0 : i32
      %dma_start3A_922 = tpu.memref_slice %arg9[%dma_start3A_920, %dma_start3A_921] : memref<8x64xi32, #tpu.memory_space<vmem>> -> memref<1x64xi32, #tpu.memory_space<vmem>>
      %dma_start3A_923 = tpu.memref_squeeze %dma_start3A_922 : memref<1x64xi32, #tpu.memory_space<vmem>> -> memref<64xi32, #tpu.memory_space<vmem>>
      %dma_start3A_924 = arith.constant 0 : i32
      %dma_start3A_925 = arith.constant 0 : i32
      %dma_start3A_926 = tpu.memref_slice %arg6[%dma_start3A_924, %dma_start3A_925] : memref<10240x128xf32, #tpu.memory_space<vmem_shared>> -> memref<10240x128xf32, #tpu.memory_space<vmem_shared>>
      tpu.enqueue_indirect_dma source(%arg13 : memref<64x128xf32, #tpu.memory_space<vmem>>) target(%dma_start3A_926 : memref<10240x128xf32, #tpu.memory_space<vmem_shared>>) offsets(%dma_start3A_923 : memref<64xi32, #tpu.memory_space<vmem>>) semaphore(%arg21 : memref<!tpu.dma_semaphore, #tpu.memory_space<semaphore_mem>>) {add = true}
      %ge3A_927 = arith.constant 2 : i32
      %ge3A_928 = arith.cmpi sge, %add3A_911, %ge3A_927 : i32
      %convert_element_type3A_929 = arith.extui %ge3A_928 : i1 to i32
      %cond3A_930 = arith.constant 0 : i32
      %cond3A_931 = arith.cmpi ne, %convert_element_type3A_929, %cond3A_930 : i32
      scf.if %cond3A_931 {
        %dma_wait3A_950 = arith.constant 0 : i32
        %dma_wait3A_951 = arith.constant 0 : i32
        %dma_wait3A_952 = tpu.memref_slice %arg9[%dma_wait3A_950, %dma_wait3A_951] : memref<8x64xi32, #tpu.memory_space<vmem>> -> memref<1x64xi32, #tpu.memory_space<vmem>>
        %dma_wait3A_953 = tpu.memref_squeeze %dma_wait3A_952 : memref<1x64xi32, #tpu.memory_space<vmem>> -> memref<64xi32, #tpu.memory_space<vmem>>
        %dma_wait3A_954 = arith.constant 0 : i32
        %dma_wait3A_955 = arith.constant 0 : i32
        %dma_wait3A_956 = tpu.memref_slice %arg6[%dma_wait3A_954, %dma_wait3A_955] : memref<10240x128xf32, #tpu.memory_space<vmem_shared>> -> memref<10240x128xf32, #tpu.memory_space<vmem_shared>>
        tpu.wait_indirect_dma semaphore(%arg19 : memref<!tpu.dma_semaphore, #tpu.memory_space<semaphore_mem>>) src(%arg11 : memref<64x128xf32, #tpu.memory_space<vmem>>) dst(%dma_wait3A_956 : memref<10240x128xf32, #tpu.memory_space<vmem_shared>>)
      } else {
      }
      %add3A_932 = arith.constant 4 : i32
      %add3A_933 = arith.addi %mul3A_675, %add3A_932 : i32
      %dma_start3A_934 = arith.constant 64 : i32
      %dma_start3A_935 = tpu.memref_slice %arg7[%add3A_933, %dma_start3A_934] : memref<82x128xi32, #tpu.memory_space<vmem>> -> memref<1x64xi32, #tpu.memory_space<vmem>>
      %dma_start3A_936 = tpu.memref_squeeze %dma_start3A_935 : memref<1x64xi32, #tpu.memory_space<vmem>> -> memref<64xi32, #tpu.memory_space<vmem>>
      %dma_start3A_937 = arith.constant 0 : i32
      %dma_start3A_938 = arith.constant 0 : i32
      %dma_start3A_939 = tpu.memref_slice %arg2[%dma_start3A_937, %dma_start3A_938] : memref<10240x128xf32, #tpu.memory_space<hbm>> -> memref<10240x128xf32, #tpu.memory_space<hbm>>
      tpu.enqueue_indirect_dma source(%dma_start3A_939 : memref<10240x128xf32, #tpu.memory_space<hbm>>) target(%arg11 : memref<64x128xf32, #tpu.memory_space<vmem>>) offsets(%dma_start3A_936 : memref<64xi32, #tpu.memory_space<vmem>>) semaphore(%arg15 : memref<!tpu.dma_semaphore, #tpu.memory_space<semaphore_mem>>)
      %add3A_940 = arith.constant 2 : i32
      %add3A_941 = arith.addi %add3A_673, %add3A_940 : i32
      %dma_start3A_942 = arith.constant 0 : i32
      %dma_start3A_943 = arith.constant 0 : i32
      %dma_start3A_944 = tpu.memref_slice %arg4[%add3A, %add3A_941, %dma_start3A_942, %dma_start3A_943] : memref<32x22x8x64xi32, #tpu.memory_space<hbm>> -> memref<1x1x8x64xi32, #tpu.memory_space<hbm>>
      %dma_start3A_945 = tpu.memref_squeeze %dma_start3A_944 : memref<1x1x8x64xi32, #tpu.memory_space<hbm>> -> memref<8x64xi32, #tpu.memory_space<hbm>>
      %dma_start3A_946 = arith.constant 0 : i32
      %dma_start3A_947 = arith.constant 0 : i32
      %dma_start3A_948 = tpu.memref_slice %arg4[%add3A, %add3A_941, %dma_start3A_946, %dma_start3A_947] : memref<32x22x8x64xi32, #tpu.memory_space<hbm>> -> memref<1x1x8x64xi32, #tpu.memory_space<hbm>>
      %dma_start3A_949 = tpu.memref_squeeze %dma_start3A_948 : memref<1x1x8x64xi32, #tpu.memory_space<hbm>> -> memref<8x64xi32, #tpu.memory_space<hbm>>
      tpu.enqueue_dma source(%dma_start3A_949 : memref<8x64xi32, #tpu.memory_space<hbm>>) target(%arg9 : memref<8x64xi32, #tpu.memory_space<vmem>>) target_semaphore(%arg23 : memref<!tpu.dma_semaphore, #tpu.memory_space<semaphore_mem>>)
    }
    %scan3A_65 = arith.constant 10 : i32
    %dma_wait3A = arith.constant 0 : i32
    %dma_wait3A_66 = arith.constant 0 : i32
    %dma_wait3A_67 = tpu.memref_slice %arg8[%dma_wait3A, %dma_wait3A_66] : memref<8x64xi32, #tpu.memory_space<vmem>> -> memref<1x64xi32, #tpu.memory_space<vmem>>
    %dma_wait3A_68 = tpu.memref_squeeze %dma_wait3A_67 : memref<1x64xi32, #tpu.memory_space<vmem>> -> memref<64xi32, #tpu.memory_space<vmem>>
    %dma_wait3A_69 = arith.constant 0 : i32
    %dma_wait3A_70 = arith.constant 0 : i32
    %dma_wait3A_71 = tpu.memref_slice %arg6[%dma_wait3A_69, %dma_wait3A_70] : memref<10240x128xf32, #tpu.memory_space<vmem_shared>> -> memref<10240x128xf32, #tpu.memory_space<vmem_shared>>
    tpu.wait_indirect_dma semaphore(%arg20 : memref<!tpu.dma_semaphore, #tpu.memory_space<semaphore_mem>>) src(%arg12 : memref<64x128xf32, #tpu.memory_space<vmem>>) dst(%dma_wait3A_71 : memref<10240x128xf32, #tpu.memory_space<vmem_shared>>)
    %dma_wait3A_72 = arith.constant 0 : i32
    %dma_wait3A_73 = arith.constant 0 : i32
    %dma_wait3A_74 = tpu.memref_slice %arg8[%dma_wait3A_72, %dma_wait3A_73] : memref<8x64xi32, #tpu.memory_space<vmem>> -> memref<1x64xi32, #tpu.memory_space<vmem>>
    %dma_wait3A_75 = tpu.memref_squeeze %dma_wait3A_74 : memref<1x64xi32, #tpu.memory_space<vmem>> -> memref<64xi32, #tpu.memory_space<vmem>>
    %dma_wait3A_76 = arith.constant 0 : i32
    %dma_wait3A_77 = arith.constant 0 : i32
    %dma_wait3A_78 = tpu.memref_slice %arg6[%dma_wait3A_76, %dma_wait3A_77] : memref<10240x128xf32, #tpu.memory_space<vmem_shared>> -> memref<10240x128xf32, #tpu.memory_space<vmem_shared>>
    tpu.wait_indirect_dma semaphore(%arg21 : memref<!tpu.dma_semaphore, #tpu.memory_space<semaphore_mem>>) src(%arg13 : memref<64x128xf32, #tpu.memory_space<vmem>>) dst(%dma_wait3A_78 : memref<10240x128xf32, #tpu.memory_space<vmem_shared>>)
    %dma_wait3A_79 = arith.constant 80 : i32
    %dma_wait3A_80 = arith.constant 0 : i32
    %dma_wait3A_81 = tpu.memref_slice %arg7[%dma_wait3A_79, %dma_wait3A_80] : memref<82x128xi32, #tpu.memory_space<vmem>> -> memref<1x64xi32, #tpu.memory_space<vmem>>
    %dma_wait3A_82 = tpu.memref_squeeze %dma_wait3A_81 : memref<1x64xi32, #tpu.memory_space<vmem>> -> memref<64xi32, #tpu.memory_space<vmem>>
    %dma_wait3A_83 = arith.constant 0 : i32
    %dma_wait3A_84 = arith.constant 0 : i32
    %dma_wait3A_85 = tpu.memref_slice %arg2[%dma_wait3A_83, %dma_wait3A_84] : memref<10240x128xf32, #tpu.memory_space<hbm>> -> memref<10240x128xf32, #tpu.memory_space<hbm>>
    tpu.wait_indirect_dma semaphore(%arg14 : memref<!tpu.dma_semaphore, #tpu.memory_space<semaphore_mem>>) src(%dma_wait3A_85 : memref<10240x128xf32, #tpu.memory_space<hbm>>) dst(%arg10 : memref<64x128xf32, #tpu.memory_space<vmem>>)
    %dma_wait3A_86 = arith.constant 80 : i32
    %dma_wait3A_87 = arith.constant 64 : i32
    %dma_wait3A_88 = tpu.memref_slice %arg7[%dma_wait3A_86, %dma_wait3A_87] : memref<82x128xi32, #tpu.memory_space<vmem>> -> memref<1x64xi32, #tpu.memory_space<vmem>>
    %dma_wait3A_89 = tpu.memref_squeeze %dma_wait3A_88 : memref<1x64xi32, #tpu.memory_space<vmem>> -> memref<64xi32, #tpu.memory_space<vmem>>
    %dma_wait3A_90 = arith.constant 0 : i32
    %dma_wait3A_91 = arith.constant 0 : i32
    %dma_wait3A_92 = tpu.memref_slice %arg2[%dma_wait3A_90, %dma_wait3A_91] : memref<10240x128xf32, #tpu.memory_space<hbm>> -> memref<10240x128xf32, #tpu.memory_space<hbm>>
    tpu.wait_indirect_dma semaphore(%arg15 : memref<!tpu.dma_semaphore, #tpu.memory_space<semaphore_mem>>) src(%dma_wait3A_92 : memref<10240x128xf32, #tpu.memory_space<hbm>>) dst(%arg11 : memref<64x128xf32, #tpu.memory_space<vmem>>)
    %dma_wait3A_93 = arith.constant 20 : i32
    %dma_wait3A_94 = arith.constant 0 : i32
    %dma_wait3A_95 = arith.constant 0 : i32
    %dma_wait3A_96 = tpu.memref_slice %arg4[%add3A, %dma_wait3A_93, %dma_wait3A_94, %dma_wait3A_95] : memref<32x22x8x64xi32, #tpu.memory_space<hbm>> -> memref<1x1x8x64xi32, #tpu.memory_space<hbm>>
    %dma_wait3A_97 = tpu.memref_squeeze %dma_wait3A_96 : memref<1x1x8x64xi32, #tpu.memory_space<hbm>> -> memref<8x64xi32, #tpu.memory_space<hbm>>
    %dma_wait3A_98 = arith.constant 0 : i32
    %dma_wait3A_99 = arith.constant 0 : i32
    %dma_wait3A_100 = tpu.memref_slice %arg4[%add3A, %dma_wait3A_93, %dma_wait3A_98, %dma_wait3A_99] : memref<32x22x8x64xi32, #tpu.memory_space<hbm>> -> memref<1x1x8x64xi32, #tpu.memory_space<hbm>>
    %dma_wait3A_101 = tpu.memref_squeeze %dma_wait3A_100 : memref<1x1x8x64xi32, #tpu.memory_space<hbm>> -> memref<8x64xi32, #tpu.memory_space<hbm>>
    tpu.wait_dma2 semaphore(%arg22 : memref<!tpu.dma_semaphore, #tpu.memory_space<semaphore_mem>>) src(%dma_wait3A_101 : memref<8x64xi32, #tpu.memory_space<hbm>>) dst(%arg8 : memref<8x64xi32, #tpu.memory_space<vmem>>)
    %dma_wait3A_102 = arith.constant 21 : i32
    %dma_wait3A_103 = arith.constant 0 : i32
    %dma_wait3A_104 = arith.constant 0 : i32
    %dma_wait3A_105 = tpu.memref_slice %arg4[%add3A, %dma_wait3A_102, %dma_wait3A_103, %dma_wait3A_104] : memref<32x22x8x64xi32, #tpu.memory_space<hbm>> -> memref<1x1x8x64xi32, #tpu.memory_space<hbm>>
    %dma_wait3A_106 = tpu.memref_squeeze %dma_wait3A_105 : memref<1x1x8x64xi32, #tpu.memory_space<hbm>> -> memref<8x64xi32, #tpu.memory_space<hbm>>
    %dma_wait3A_107 = arith.constant 0 : i32
    %dma_wait3A_108 = arith.constant 0 : i32
    %dma_wait3A_109 = tpu.memref_slice %arg4[%add3A, %dma_wait3A_102, %dma_wait3A_107, %dma_wait3A_108] : memref<32x22x8x64xi32, #tpu.memory_space<hbm>> -> memref<1x1x8x64xi32, #tpu.memory_space<hbm>>
    %dma_wait3A_110 = tpu.memref_squeeze %dma_wait3A_109 : memref<1x1x8x64xi32, #tpu.memory_space<hbm>> -> memref<8x64xi32, #tpu.memory_space<hbm>>
    tpu.wait_dma2 semaphore(%arg23 : memref<!tpu.dma_semaphore, #tpu.memory_space<semaphore_mem>>) src(%dma_wait3A_110 : memref<8x64xi32, #tpu.memory_space<hbm>>) dst(%arg9 : memref<8x64xi32, #tpu.memory_space<vmem>>)
    %barrier3A_111 = arith.constant 0 : index
    tpu.barrier barrier_id(%barrier3A_111)
    %add3A_112 = arith.constant 0 : i32
    %add3A_113 = arith.addi %mul3A_8, %add3A_112 : i32
    %dma_start3A_114 = arith.constant 0 : i32
    %dma_start3A_115 = tpu.memref_slice %arg6[%add3A_113, %dma_start3A_114] : memref<10240x128xf32, #tpu.memory_space<vmem_shared>> -> memref<64x128xf32, #tpu.memory_space<vmem_shared>>
    %dma_start3A_116 = arith.constant 0 : i32
    %dma_start3A_117 = tpu.memref_slice %arg6[%add3A_113, %dma_start3A_116] : memref<10240x128xf32, #tpu.memory_space<vmem_shared>> -> memref<64x128xf32, #tpu.memory_space<vmem_shared>>
    tpu.enqueue_dma source(%dma_start3A_117 : memref<64x128xf32, #tpu.memory_space<vmem_shared>>) target(%arg10 : memref<64x128xf32, #tpu.memory_space<vmem>>) target_semaphore(%arg14 : memref<!tpu.dma_semaphore, #tpu.memory_space<semaphore_mem>>)
    %add3A_118 = arith.constant 64 : i32
    %add3A_119 = arith.addi %mul3A_8, %add3A_118 : i32
    %dma_start3A_120 = arith.constant 0 : i32
    %dma_start3A_121 = tpu.memref_slice %arg6[%add3A_119, %dma_start3A_120] : memref<10240x128xf32, #tpu.memory_space<vmem_shared>> -> memref<64x128xf32, #tpu.memory_space<vmem_shared>>
    %dma_start3A_122 = arith.constant 0 : i32
    %dma_start3A_123 = tpu.memref_slice %arg6[%add3A_119, %dma_start3A_122] : memref<10240x128xf32, #tpu.memory_space<vmem_shared>> -> memref<64x128xf32, #tpu.memory_space<vmem_shared>>
    tpu.enqueue_dma source(%dma_start3A_123 : memref<64x128xf32, #tpu.memory_space<vmem_shared>>) target(%arg11 : memref<64x128xf32, #tpu.memory_space<vmem>>) target_semaphore(%arg15 : memref<!tpu.dma_semaphore, #tpu.memory_space<semaphore_mem>>)
    %add3A_124 = arith.constant 128 : i32
    %add3A_125 = arith.addi %mul3A_8, %add3A_124 : i32
    %dma_start3A_126 = arith.constant 0 : i32
    %dma_start3A_127 = tpu.memref_slice %arg6[%add3A_125, %dma_start3A_126] : memref<10240x128xf32, #tpu.memory_space<vmem_shared>> -> memref<64x128xf32, #tpu.memory_space<vmem_shared>>
    %dma_start3A_128 = arith.constant 0 : i32
    %dma_start3A_129 = tpu.memref_slice %arg6[%add3A_125, %dma_start3A_128] : memref<10240x128xf32, #tpu.memory_space<vmem_shared>> -> memref<64x128xf32, #tpu.memory_space<vmem_shared>>
    tpu.enqueue_dma source(%dma_start3A_129 : memref<64x128xf32, #tpu.memory_space<vmem_shared>>) target(%arg12 : memref<64x128xf32, #tpu.memory_space<vmem>>) target_semaphore(%arg16 : memref<!tpu.dma_semaphore, #tpu.memory_space<semaphore_mem>>)
    %add3A_130 = arith.constant 192 : i32
    %add3A_131 = arith.addi %mul3A_8, %add3A_130 : i32
    %dma_start3A_132 = arith.constant 0 : i32
    %dma_start3A_133 = tpu.memref_slice %arg6[%add3A_131, %dma_start3A_132] : memref<10240x128xf32, #tpu.memory_space<vmem_shared>> -> memref<64x128xf32, #tpu.memory_space<vmem_shared>>
    %dma_start3A_134 = arith.constant 0 : i32
    %dma_start3A_135 = tpu.memref_slice %arg6[%add3A_131, %dma_start3A_134] : memref<10240x128xf32, #tpu.memory_space<vmem_shared>> -> memref<64x128xf32, #tpu.memory_space<vmem_shared>>
    tpu.enqueue_dma source(%dma_start3A_135 : memref<64x128xf32, #tpu.memory_space<vmem_shared>>) target(%arg13 : memref<64x128xf32, #tpu.memory_space<vmem>>) target_semaphore(%arg17 : memref<!tpu.dma_semaphore, #tpu.memory_space<semaphore_mem>>)
    %add3A_136 = arith.constant 0 : i32
    %add3A_137 = arith.addi %mul3A_8, %add3A_136 : i32
    %dma_wait3A_138 = arith.constant 0 : i32
    %dma_wait3A_139 = tpu.memref_slice %arg6[%add3A_137, %dma_wait3A_138] : memref<10240x128xf32, #tpu.memory_space<vmem_shared>> -> memref<64x128xf32, #tpu.memory_space<vmem_shared>>
    %dma_wait3A_140 = arith.constant 0 : i32
    %dma_wait3A_141 = tpu.memref_slice %arg6[%add3A_137, %dma_wait3A_140] : memref<10240x128xf32, #tpu.memory_space<vmem_shared>> -> memref<64x128xf32, #tpu.memory_space<vmem_shared>>
    tpu.wait_dma2 semaphore(%arg14 : memref<!tpu.dma_semaphore, #tpu.memory_space<semaphore_mem>>) src(%dma_wait3A_141 : memref<64x128xf32, #tpu.memory_space<vmem_shared>>) dst(%arg10 : memref<64x128xf32, #tpu.memory_space<vmem>>)
    %add3A_142 = arith.constant 0 : i32
    %add3A_143 = arith.addi %mul3A_8, %add3A_142 : i32
    %dma_start3A_144 = arith.constant 0 : i32
    %dma_start3A_145 = tpu.memref_slice %arg5[%arg0, %add3A_143, %dma_start3A_144] : memref<2x10240x128xf32, #tpu.memory_space<hbm>> -> memref<1x64x128xf32, #tpu.memory_space<hbm>>
    %dma_start3A_146 = tpu.memref_squeeze %dma_start3A_145 : memref<1x64x128xf32, #tpu.memory_space<hbm>> -> memref<64x128xf32, #tpu.memory_space<hbm>>
    %dma_start3A_147 = arith.constant 0 : i32
    %dma_start3A_148 = tpu.memref_slice %arg5[%arg0, %add3A_143, %dma_start3A_147] : memref<2x10240x128xf32, #tpu.memory_space<hbm>> -> memref<1x64x128xf32, #tpu.memory_space<hbm>>
    %dma_start3A_149 = tpu.memref_squeeze %dma_start3A_148 : memref<1x64x128xf32, #tpu.memory_space<hbm>> -> memref<64x128xf32, #tpu.memory_space<hbm>>
    tpu.enqueue_dma source(%arg10 : memref<64x128xf32, #tpu.memory_space<vmem>>) target(%dma_start3A_149 : memref<64x128xf32, #tpu.memory_space<hbm>>) target_semaphore(%arg18 : memref<!tpu.dma_semaphore, #tpu.memory_space<semaphore_mem>>)
    %add3A_150 = arith.constant 0 : i32
    %add3A_151 = arith.addi %mul3A_8, %add3A_150 : i32
    %dma_wait3A_152 = arith.constant 0 : i32
    %dma_wait3A_153 = tpu.memref_slice %arg5[%arg0, %add3A_151, %dma_wait3A_152] : memref<2x10240x128xf32, #tpu.memory_space<hbm>> -> memref<1x64x128xf32, #tpu.memory_space<hbm>>
    %dma_wait3A_154 = tpu.memref_squeeze %dma_wait3A_153 : memref<1x64x128xf32, #tpu.memory_space<hbm>> -> memref<64x128xf32, #tpu.memory_space<hbm>>
    %dma_wait3A_155 = arith.constant 0 : i32
    %dma_wait3A_156 = tpu.memref_slice %arg5[%arg0, %add3A_151, %dma_wait3A_155] : memref<2x10240x128xf32, #tpu.memory_space<hbm>> -> memref<1x64x128xf32, #tpu.memory_space<hbm>>
    %dma_wait3A_157 = tpu.memref_squeeze %dma_wait3A_156 : memref<1x64x128xf32, #tpu.memory_space<hbm>> -> memref<64x128xf32, #tpu.memory_space<hbm>>
    tpu.wait_dma2 semaphore(%arg18 : memref<!tpu.dma_semaphore, #tpu.memory_space<semaphore_mem>>) src(%arg10 : memref<64x128xf32, #tpu.memory_space<vmem>>) dst(%dma_wait3A_157 : memref<64x128xf32, #tpu.memory_space<hbm>>)
    %add3A_158 = arith.constant 256 : i32
    %add3A_159 = arith.addi %mul3A_8, %add3A_158 : i32
    %dma_start3A_160 = arith.constant 0 : i32
    %dma_start3A_161 = tpu.memref_slice %arg6[%add3A_159, %dma_start3A_160] : memref<10240x128xf32, #tpu.memory_space<vmem_shared>> -> memref<64x128xf32, #tpu.memory_space<vmem_shared>>
    %dma_start3A_162 = arith.constant 0 : i32
    %dma_start3A_163 = tpu.memref_slice %arg6[%add3A_159, %dma_start3A_162] : memref<10240x128xf32, #tpu.memory_space<vmem_shared>> -> memref<64x128xf32, #tpu.memory_space<vmem_shared>>
    tpu.enqueue_dma source(%dma_start3A_163 : memref<64x128xf32, #tpu.memory_space<vmem_shared>>) target(%arg10 : memref<64x128xf32, #tpu.memory_space<vmem>>) target_semaphore(%arg14 : memref<!tpu.dma_semaphore, #tpu.memory_space<semaphore_mem>>)
    %add3A_164 = arith.constant 64 : i32
    %add3A_165 = arith.addi %mul3A_8, %add3A_164 : i32
    %dma_wait3A_166 = arith.constant 0 : i32
    %dma_wait3A_167 = tpu.memref_slice %arg6[%add3A_165, %dma_wait3A_166] : memref<10240x128xf32, #tpu.memory_space<vmem_shared>> -> memref<64x128xf32, #tpu.memory_space<vmem_shared>>
    %dma_wait3A_168 = arith.constant 0 : i32
    %dma_wait3A_169 = tpu.memref_slice %arg6[%add3A_165, %dma_wait3A_168] : memref<10240x128xf32, #tpu.memory_space<vmem_shared>> -> memref<64x128xf32, #tpu.memory_space<vmem_shared>>
    tpu.wait_dma2 semaphore(%arg15 : memref<!tpu.dma_semaphore, #tpu.memory_space<semaphore_mem>>) src(%dma_wait3A_169 : memref<64x128xf32, #tpu.memory_space<vmem_shared>>) dst(%arg11 : memref<64x128xf32, #tpu.memory_space<vmem>>)
    %add3A_170 = arith.constant 64 : i32
    %add3A_171 = arith.addi %mul3A_8, %add3A_170 : i32
    %dma_start3A_172 = arith.constant 0 : i32
    %dma_start3A_173 = tpu.memref_slice %arg5[%arg0, %add3A_171, %dma_start3A_172] : memref<2x10240x128xf32, #tpu.memory_space<hbm>> -> memref<1x64x128xf32, #tpu.memory_space<hbm>>
    %dma_start3A_174 = tpu.memref_squeeze %dma_start3A_173 : memref<1x64x128xf32, #tpu.memory_space<hbm>> -> memref<64x128xf32, #tpu.memory_space<hbm>>
    %dma_start3A_175 = arith.constant 0 : i32
    %dma_start3A_176 = tpu.memref_slice %arg5[%arg0, %add3A_171, %dma_start3A_175] : memref<2x10240x128xf32, #tpu.memory_space<hbm>> -> memref<1x64x128xf32, #tpu.memory_space<hbm>>
    %dma_start3A_177 = tpu.memref_squeeze %dma_start3A_176 : memref<1x64x128xf32, #tpu.memory_space<hbm>> -> memref<64x128xf32, #tpu.memory_space<hbm>>
    tpu.enqueue_dma source(%arg11 : memref<64x128xf32, #tpu.memory_space<vmem>>) target(%dma_start3A_177 : memref<64x128xf32, #tpu.memory_space<hbm>>) target_semaphore(%arg19 : memref<!tpu.dma_semaphore, #tpu.memory_space<semaphore_mem>>)
    %add3A_178 = arith.constant 64 : i32
    %add3A_179 = arith.addi %mul3A_8, %add3A_178 : i32
    %dma_wait3A_180 = arith.constant 0 : i32
    %dma_wait3A_181 = tpu.memref_slice %arg5[%arg0, %add3A_179, %dma_wait3A_180] : memref<2x10240x128xf32, #tpu.memory_space<hbm>> -> memref<1x64x128xf32, #tpu.memory_space<hbm>>
    %dma_wait3A_182 = tpu.memref_squeeze %dma_wait3A_181 : memref<1x64x128xf32, #tpu.memory_space<hbm>> -> memref<64x128xf32, #tpu.memory_space<hbm>>
    %dma_wait3A_183 = arith.constant 0 : i32
    %dma_wait3A_184 = tpu.memref_slice %arg5[%arg0, %add3A_179, %dma_wait3A_183] : memref<2x10240x128xf32, #tpu.memory_space<hbm>> -> memref<1x64x128xf32, #tpu.memory_space<hbm>>
    %dma_wait3A_185 = tpu.memref_squeeze %dma_wait3A_184 : memref<1x64x128xf32, #tpu.memory_space<hbm>> -> memref<64x128xf32, #tpu.memory_space<hbm>>
    tpu.wait_dma2 semaphore(%arg19 : memref<!tpu.dma_semaphore, #tpu.memory_space<semaphore_mem>>) src(%arg11 : memref<64x128xf32, #tpu.memory_space<vmem>>) dst(%dma_wait3A_185 : memref<64x128xf32, #tpu.memory_space<hbm>>)
    %add3A_186 = arith.constant 320 : i32
    %add3A_187 = arith.addi %mul3A_8, %add3A_186 : i32
    %dma_start3A_188 = arith.constant 0 : i32
    %dma_start3A_189 = tpu.memref_slice %arg6[%add3A_187, %dma_start3A_188] : memref<10240x128xf32, #tpu.memory_space<vmem_shared>> -> memref<64x128xf32, #tpu.memory_space<vmem_shared>>
    %dma_start3A_190 = arith.constant 0 : i32
    %dma_start3A_191 = tpu.memref_slice %arg6[%add3A_187, %dma_start3A_190] : memref<10240x128xf32, #tpu.memory_space<vmem_shared>> -> memref<64x128xf32, #tpu.memory_space<vmem_shared>>
    tpu.enqueue_dma source(%dma_start3A_191 : memref<64x128xf32, #tpu.memory_space<vmem_shared>>) target(%arg11 : memref<64x128xf32, #tpu.memory_space<vmem>>) target_semaphore(%arg15 : memref<!tpu.dma_semaphore, #tpu.memory_space<semaphore_mem>>)
    %add3A_192 = arith.constant 128 : i32
    %add3A_193 = arith.addi %mul3A_8, %add3A_192 : i32
    %dma_wait3A_194 = arith.constant 0 : i32
    %dma_wait3A_195 = tpu.memref_slice %arg6[%add3A_193, %dma_wait3A_194] : memref<10240x128xf32, #tpu.memory_space<vmem_shared>> -> memref<64x128xf32, #tpu.memory_space<vmem_shared>>
    %dma_wait3A_196 = arith.constant 0 : i32
    %dma_wait3A_197 = tpu.memref_slice %arg6[%add3A_193, %dma_wait3A_196] : memref<10240x128xf32, #tpu.memory_space<vmem_shared>> -> memref<64x128xf32, #tpu.memory_space<vmem_shared>>
    tpu.wait_dma2 semaphore(%arg16 : memref<!tpu.dma_semaphore, #tpu.memory_space<semaphore_mem>>) src(%dma_wait3A_197 : memref<64x128xf32, #tpu.memory_space<vmem_shared>>) dst(%arg12 : memref<64x128xf32, #tpu.memory_space<vmem>>)
    %add3A_198 = arith.constant 128 : i32
    %add3A_199 = arith.addi %mul3A_8, %add3A_198 : i32
    %dma_start3A_200 = arith.constant 0 : i32
    %dma_start3A_201 = tpu.memref_slice %arg5[%arg0, %add3A_199, %dma_start3A_200] : memref<2x10240x128xf32, #tpu.memory_space<hbm>> -> memref<1x64x128xf32, #tpu.memory_space<hbm>>
    %dma_start3A_202 = tpu.memref_squeeze %dma_start3A_201 : memref<1x64x128xf32, #tpu.memory_space<hbm>> -> memref<64x128xf32, #tpu.memory_space<hbm>>
    %dma_start3A_203 = arith.constant 0 : i32
    %dma_start3A_204 = tpu.memref_slice %arg5[%arg0, %add3A_199, %dma_start3A_203] : memref<2x10240x128xf32, #tpu.memory_space<hbm>> -> memref<1x64x128xf32, #tpu.memory_space<hbm>>
    %dma_start3A_205 = tpu.memref_squeeze %dma_start3A_204 : memref<1x64x128xf32, #tpu.memory_space<hbm>> -> memref<64x128xf32, #tpu.memory_space<hbm>>
    tpu.enqueue_dma source(%arg12 : memref<64x128xf32, #tpu.memory_space<vmem>>) target(%dma_start3A_205 : memref<64x128xf32, #tpu.memory_space<hbm>>) target_semaphore(%arg20 : memref<!tpu.dma_semaphore, #tpu.memory_space<semaphore_mem>>)
    %add3A_206 = arith.constant 128 : i32
    %add3A_207 = arith.addi %mul3A_8, %add3A_206 : i32
    %dma_wait3A_208 = arith.constant 0 : i32
    %dma_wait3A_209 = tpu.memref_slice %arg5[%arg0, %add3A_207, %dma_wait3A_208] : memref<2x10240x128xf32, #tpu.memory_space<hbm>> -> memref<1x64x128xf32, #tpu.memory_space<hbm>>
    %dma_wait3A_210 = tpu.memref_squeeze %dma_wait3A_209 : memref<1x64x128xf32, #tpu.memory_space<hbm>> -> memref<64x128xf32, #tpu.memory_space<hbm>>
    %dma_wait3A_211 = arith.constant 0 : i32
    %dma_wait3A_212 = tpu.memref_slice %arg5[%arg0, %add3A_207, %dma_wait3A_211] : memref<2x10240x128xf32, #tpu.memory_space<hbm>> -> memref<1x64x128xf32, #tpu.memory_space<hbm>>
    %dma_wait3A_213 = tpu.memref_squeeze %dma_wait3A_212 : memref<1x64x128xf32, #tpu.memory_space<hbm>> -> memref<64x128xf32, #tpu.memory_space<hbm>>
    tpu.wait_dma2 semaphore(%arg20 : memref<!tpu.dma_semaphore, #tpu.memory_space<semaphore_mem>>) src(%arg12 : memref<64x128xf32, #tpu.memory_space<vmem>>) dst(%dma_wait3A_213 : memref<64x128xf32, #tpu.memory_space<hbm>>)
    %add3A_214 = arith.constant 384 : i32
    %add3A_215 = arith.addi %mul3A_8, %add3A_214 : i32
    %dma_start3A_216 = arith.constant 0 : i32
    %dma_start3A_217 = tpu.memref_slice %arg6[%add3A_215, %dma_start3A_216] : memref<10240x128xf32, #tpu.memory_space<vmem_shared>> -> memref<64x128xf32, #tpu.memory_space<vmem_shared>>
    %dma_start3A_218 = arith.constant 0 : i32
    %dma_start3A_219 = tpu.memref_slice %arg6[%add3A_215, %dma_start3A_218] : memref<10240x128xf32, #tpu.memory_space<vmem_shared>> -> memref<64x128xf32, #tpu.memory_space<vmem_shared>>
    tpu.enqueue_dma source(%dma_start3A_219 : memref<64x128xf32, #tpu.memory_space<vmem_shared>>) target(%arg12 : memref<64x128xf32, #tpu.memory_space<vmem>>) target_semaphore(%arg16 : memref<!tpu.dma_semaphore, #tpu.memory_space<semaphore_mem>>)
    %add3A_220 = arith.constant 192 : i32
    %add3A_221 = arith.addi %mul3A_8, %add3A_220 : i32
    %dma_wait3A_222 = arith.constant 0 : i32
    %dma_wait3A_223 = tpu.memref_slice %arg6[%add3A_221, %dma_wait3A_222] : memref<10240x128xf32, #tpu.memory_space<vmem_shared>> -> memref<64x128xf32, #tpu.memory_space<vmem_shared>>
    %dma_wait3A_224 = arith.constant 0 : i32
    %dma_wait3A_225 = tpu.memref_slice %arg6[%add3A_221, %dma_wait3A_224] : memref<10240x128xf32, #tpu.memory_space<vmem_shared>> -> memref<64x128xf32, #tpu.memory_space<vmem_shared>>
    tpu.wait_dma2 semaphore(%arg17 : memref<!tpu.dma_semaphore, #tpu.memory_space<semaphore_mem>>) src(%dma_wait3A_225 : memref<64x128xf32, #tpu.memory_space<vmem_shared>>) dst(%arg13 : memref<64x128xf32, #tpu.memory_space<vmem>>)
    %add3A_226 = arith.constant 192 : i32
    %add3A_227 = arith.addi %mul3A_8, %add3A_226 : i32
    %dma_start3A_228 = arith.constant 0 : i32
    %dma_start3A_229 = tpu.memref_slice %arg5[%arg0, %add3A_227, %dma_start3A_228] : memref<2x10240x128xf32, #tpu.memory_space<hbm>> -> memref<1x64x128xf32, #tpu.memory_space<hbm>>
    %dma_start3A_230 = tpu.memref_squeeze %dma_start3A_229 : memref<1x64x128xf32, #tpu.memory_space<hbm>> -> memref<64x128xf32, #tpu.memory_space<hbm>>
    %dma_start3A_231 = arith.constant 0 : i32
    %dma_start3A_232 = tpu.memref_slice %arg5[%arg0, %add3A_227, %dma_start3A_231] : memref<2x10240x128xf32, #tpu.memory_space<hbm>> -> memref<1x64x128xf32, #tpu.memory_space<hbm>>
    %dma_start3A_233 = tpu.memref_squeeze %dma_start3A_232 : memref<1x64x128xf32, #tpu.memory_space<hbm>> -> memref<64x128xf32, #tpu.memory_space<hbm>>
    tpu.enqueue_dma source(%arg13 : memref<64x128xf32, #tpu.memory_space<vmem>>) target(%dma_start3A_233 : memref<64x128xf32, #tpu.memory_space<hbm>>) target_semaphore(%arg21 : memref<!tpu.dma_semaphore, #tpu.memory_space<semaphore_mem>>)
    %add3A_234 = arith.constant 192 : i32
    %add3A_235 = arith.addi %mul3A_8, %add3A_234 : i32
    %dma_wait3A_236 = arith.constant 0 : i32
    %dma_wait3A_237 = tpu.memref_slice %arg5[%arg0, %add3A_235, %dma_wait3A_236] : memref<2x10240x128xf32, #tpu.memory_space<hbm>> -> memref<1x64x128xf32, #tpu.memory_space<hbm>>
    %dma_wait3A_238 = tpu.memref_squeeze %dma_wait3A_237 : memref<1x64x128xf32, #tpu.memory_space<hbm>> -> memref<64x128xf32, #tpu.memory_space<hbm>>
    %dma_wait3A_239 = arith.constant 0 : i32
    %dma_wait3A_240 = tpu.memref_slice %arg5[%arg0, %add3A_235, %dma_wait3A_239] : memref<2x10240x128xf32, #tpu.memory_space<hbm>> -> memref<1x64x128xf32, #tpu.memory_space<hbm>>
    %dma_wait3A_241 = tpu.memref_squeeze %dma_wait3A_240 : memref<1x64x128xf32, #tpu.memory_space<hbm>> -> memref<64x128xf32, #tpu.memory_space<hbm>>
    tpu.wait_dma2 semaphore(%arg21 : memref<!tpu.dma_semaphore, #tpu.memory_space<semaphore_mem>>) src(%arg13 : memref<64x128xf32, #tpu.memory_space<vmem>>) dst(%dma_wait3A_241 : memref<64x128xf32, #tpu.memory_space<hbm>>)
    %add3A_242 = arith.constant 448 : i32
    %add3A_243 = arith.addi %mul3A_8, %add3A_242 : i32
    %dma_start3A_244 = arith.constant 0 : i32
    %dma_start3A_245 = tpu.memref_slice %arg6[%add3A_243, %dma_start3A_244] : memref<10240x128xf32, #tpu.memory_space<vmem_shared>> -> memref<64x128xf32, #tpu.memory_space<vmem_shared>>
    %dma_start3A_246 = arith.constant 0 : i32
    %dma_start3A_247 = tpu.memref_slice %arg6[%add3A_243, %dma_start3A_246] : memref<10240x128xf32, #tpu.memory_space<vmem_shared>> -> memref<64x128xf32, #tpu.memory_space<vmem_shared>>
    tpu.enqueue_dma source(%dma_start3A_247 : memref<64x128xf32, #tpu.memory_space<vmem_shared>>) target(%arg13 : memref<64x128xf32, #tpu.memory_space<vmem>>) target_semaphore(%arg17 : memref<!tpu.dma_semaphore, #tpu.memory_space<semaphore_mem>>)
    %add3A_248 = arith.constant 256 : i32
    %add3A_249 = arith.addi %mul3A_8, %add3A_248 : i32
    %dma_wait3A_250 = arith.constant 0 : i32
    %dma_wait3A_251 = tpu.memref_slice %arg6[%add3A_249, %dma_wait3A_250] : memref<10240x128xf32, #tpu.memory_space<vmem_shared>> -> memref<64x128xf32, #tpu.memory_space<vmem_shared>>
    %dma_wait3A_252 = arith.constant 0 : i32
    %dma_wait3A_253 = tpu.memref_slice %arg6[%add3A_249, %dma_wait3A_252] : memref<10240x128xf32, #tpu.memory_space<vmem_shared>> -> memref<64x128xf32, #tpu.memory_space<vmem_shared>>
    tpu.wait_dma2 semaphore(%arg14 : memref<!tpu.dma_semaphore, #tpu.memory_space<semaphore_mem>>) src(%dma_wait3A_253 : memref<64x128xf32, #tpu.memory_space<vmem_shared>>) dst(%arg10 : memref<64x128xf32, #tpu.memory_space<vmem>>)
    %add3A_254 = arith.constant 256 : i32
    %add3A_255 = arith.addi %mul3A_8, %add3A_254 : i32
    %dma_start3A_256 = arith.constant 0 : i32
    %dma_start3A_257 = tpu.memref_slice %arg5[%arg0, %add3A_255, %dma_start3A_256] : memref<2x10240x128xf32, #tpu.memory_space<hbm>> -> memref<1x64x128xf32, #tpu.memory_space<hbm>>
    %dma_start3A_258 = tpu.memref_squeeze %dma_start3A_257 : memref<1x64x128xf32, #tpu.memory_space<hbm>> -> memref<64x128xf32, #tpu.memory_space<hbm>>
    %dma_start3A_259 = arith.constant 0 : i32
    %dma_start3A_260 = tpu.memref_slice %arg5[%arg0, %add3A_255, %dma_start3A_259] : memref<2x10240x128xf32, #tpu.memory_space<hbm>> -> memref<1x64x128xf32, #tpu.memory_space<hbm>>
    %dma_start3A_261 = tpu.memref_squeeze %dma_start3A_260 : memref<1x64x128xf32, #tpu.memory_space<hbm>> -> memref<64x128xf32, #tpu.memory_space<hbm>>
    tpu.enqueue_dma source(%arg10 : memref<64x128xf32, #tpu.memory_space<vmem>>) target(%dma_start3A_261 : memref<64x128xf32, #tpu.memory_space<hbm>>) target_semaphore(%arg18 : memref<!tpu.dma_semaphore, #tpu.memory_space<semaphore_mem>>)
    %add3A_262 = arith.constant 256 : i32
    %add3A_263 = arith.addi %mul3A_8, %add3A_262 : i32
    %dma_wait3A_264 = arith.constant 0 : i32
    %dma_wait3A_265 = tpu.memref_slice %arg5[%arg0, %add3A_263, %dma_wait3A_264] : memref<2x10240x128xf32, #tpu.memory_space<hbm>> -> memref<1x64x128xf32, #tpu.memory_space<hbm>>
    %dma_wait3A_266 = tpu.memref_squeeze %dma_wait3A_265 : memref<1x64x128xf32, #tpu.memory_space<hbm>> -> memref<64x128xf32, #tpu.memory_space<hbm>>
    %dma_wait3A_267 = arith.constant 0 : i32
    %dma_wait3A_268 = tpu.memref_slice %arg5[%arg0, %add3A_263, %dma_wait3A_267] : memref<2x10240x128xf32, #tpu.memory_space<hbm>> -> memref<1x64x128xf32, #tpu.memory_space<hbm>>
    %dma_wait3A_269 = tpu.memref_squeeze %dma_wait3A_268 : memref<1x64x128xf32, #tpu.memory_space<hbm>> -> memref<64x128xf32, #tpu.memory_space<hbm>>
    tpu.wait_dma2 semaphore(%arg18 : memref<!tpu.dma_semaphore, #tpu.memory_space<semaphore_mem>>) src(%arg10 : memref<64x128xf32, #tpu.memory_space<vmem>>) dst(%dma_wait3A_269 : memref<64x128xf32, #tpu.memory_space<hbm>>)
    %add3A_270 = arith.constant 512 : i32
    %add3A_271 = arith.addi %mul3A_8, %add3A_270 : i32
    %dma_start3A_272 = arith.constant 0 : i32
    %dma_start3A_273 = tpu.memref_slice %arg6[%add3A_271, %dma_start3A_272] : memref<10240x128xf32, #tpu.memory_space<vmem_shared>> -> memref<64x128xf32, #tpu.memory_space<vmem_shared>>
    %dma_start3A_274 = arith.constant 0 : i32
    %dma_start3A_275 = tpu.memref_slice %arg6[%add3A_271, %dma_start3A_274] : memref<10240x128xf32, #tpu.memory_space<vmem_shared>> -> memref<64x128xf32, #tpu.memory_space<vmem_shared>>
    tpu.enqueue_dma source(%dma_start3A_275 : memref<64x128xf32, #tpu.memory_space<vmem_shared>>) target(%arg10 : memref<64x128xf32, #tpu.memory_space<vmem>>) target_semaphore(%arg14 : memref<!tpu.dma_semaphore, #tpu.memory_space<semaphore_mem>>)
    %add3A_276 = arith.constant 320 : i32
    %add3A_277 = arith.addi %mul3A_8, %add3A_276 : i32
    %dma_wait3A_278 = arith.constant 0 : i32
    %dma_wait3A_279 = tpu.memref_slice %arg6[%add3A_277, %dma_wait3A_278] : memref<10240x128xf32, #tpu.memory_space<vmem_shared>> -> memref<64x128xf32, #tpu.memory_space<vmem_shared>>
    %dma_wait3A_280 = arith.constant 0 : i32
    %dma_wait3A_281 = tpu.memref_slice %arg6[%add3A_277, %dma_wait3A_280] : memref<10240x128xf32, #tpu.memory_space<vmem_shared>> -> memref<64x128xf32, #tpu.memory_space<vmem_shared>>
    tpu.wait_dma2 semaphore(%arg15 : memref<!tpu.dma_semaphore, #tpu.memory_space<semaphore_mem>>) src(%dma_wait3A_281 : memref<64x128xf32, #tpu.memory_space<vmem_shared>>) dst(%arg11 : memref<64x128xf32, #tpu.memory_space<vmem>>)
    %add3A_282 = arith.constant 320 : i32
    %add3A_283 = arith.addi %mul3A_8, %add3A_282 : i32
    %dma_start3A_284 = arith.constant 0 : i32
    %dma_start3A_285 = tpu.memref_slice %arg5[%arg0, %add3A_283, %dma_start3A_284] : memref<2x10240x128xf32, #tpu.memory_space<hbm>> -> memref<1x64x128xf32, #tpu.memory_space<hbm>>
    %dma_start3A_286 = tpu.memref_squeeze %dma_start3A_285 : memref<1x64x128xf32, #tpu.memory_space<hbm>> -> memref<64x128xf32, #tpu.memory_space<hbm>>
    %dma_start3A_287 = arith.constant 0 : i32
    %dma_start3A_288 = tpu.memref_slice %arg5[%arg0, %add3A_283, %dma_start3A_287] : memref<2x10240x128xf32, #tpu.memory_space<hbm>> -> memref<1x64x128xf32, #tpu.memory_space<hbm>>
    %dma_start3A_289 = tpu.memref_squeeze %dma_start3A_288 : memref<1x64x128xf32, #tpu.memory_space<hbm>> -> memref<64x128xf32, #tpu.memory_space<hbm>>
    tpu.enqueue_dma source(%arg11 : memref<64x128xf32, #tpu.memory_space<vmem>>) target(%dma_start3A_289 : memref<64x128xf32, #tpu.memory_space<hbm>>) target_semaphore(%arg19 : memref<!tpu.dma_semaphore, #tpu.memory_space<semaphore_mem>>)
    %add3A_290 = arith.constant 320 : i32
    %add3A_291 = arith.addi %mul3A_8, %add3A_290 : i32
    %dma_wait3A_292 = arith.constant 0 : i32
    %dma_wait3A_293 = tpu.memref_slice %arg5[%arg0, %add3A_291, %dma_wait3A_292] : memref<2x10240x128xf32, #tpu.memory_space<hbm>> -> memref<1x64x128xf32, #tpu.memory_space<hbm>>
    %dma_wait3A_294 = tpu.memref_squeeze %dma_wait3A_293 : memref<1x64x128xf32, #tpu.memory_space<hbm>> -> memref<64x128xf32, #tpu.memory_space<hbm>>
    %dma_wait3A_295 = arith.constant 0 : i32
    %dma_wait3A_296 = tpu.memref_slice %arg5[%arg0, %add3A_291, %dma_wait3A_295] : memref<2x10240x128xf32, #tpu.memory_space<hbm>> -> memref<1x64x128xf32, #tpu.memory_space<hbm>>
    %dma_wait3A_297 = tpu.memref_squeeze %dma_wait3A_296 : memref<1x64x128xf32, #tpu.memory_space<hbm>> -> memref<64x128xf32, #tpu.memory_space<hbm>>
    tpu.wait_dma2 semaphore(%arg19 : memref<!tpu.dma_semaphore, #tpu.memory_space<semaphore_mem>>) src(%arg11 : memref<64x128xf32, #tpu.memory_space<vmem>>) dst(%dma_wait3A_297 : memref<64x128xf32, #tpu.memory_space<hbm>>)
    %add3A_298 = arith.constant 576 : i32
    %add3A_299 = arith.addi %mul3A_8, %add3A_298 : i32
    %dma_start3A_300 = arith.constant 0 : i32
    %dma_start3A_301 = tpu.memref_slice %arg6[%add3A_299, %dma_start3A_300] : memref<10240x128xf32, #tpu.memory_space<vmem_shared>> -> memref<64x128xf32, #tpu.memory_space<vmem_shared>>
    %dma_start3A_302 = arith.constant 0 : i32
    %dma_start3A_303 = tpu.memref_slice %arg6[%add3A_299, %dma_start3A_302] : memref<10240x128xf32, #tpu.memory_space<vmem_shared>> -> memref<64x128xf32, #tpu.memory_space<vmem_shared>>
    tpu.enqueue_dma source(%dma_start3A_303 : memref<64x128xf32, #tpu.memory_space<vmem_shared>>) target(%arg11 : memref<64x128xf32, #tpu.memory_space<vmem>>) target_semaphore(%arg15 : memref<!tpu.dma_semaphore, #tpu.memory_space<semaphore_mem>>)
    %add3A_304 = arith.constant 384 : i32
    %add3A_305 = arith.addi %mul3A_8, %add3A_304 : i32
    %dma_wait3A_306 = arith.constant 0 : i32
    %dma_wait3A_307 = tpu.memref_slice %arg6[%add3A_305, %dma_wait3A_306] : memref<10240x128xf32, #tpu.memory_space<vmem_shared>> -> memref<64x128xf32, #tpu.memory_space<vmem_shared>>
    %dma_wait3A_308 = arith.constant 0 : i32
    %dma_wait3A_309 = tpu.memref_slice %arg6[%add3A_305, %dma_wait3A_308] : memref<10240x128xf32, #tpu.memory_space<vmem_shared>> -> memref<64x128xf32, #tpu.memory_space<vmem_shared>>
    tpu.wait_dma2 semaphore(%arg16 : memref<!tpu.dma_semaphore, #tpu.memory_space<semaphore_mem>>) src(%dma_wait3A_309 : memref<64x128xf32, #tpu.memory_space<vmem_shared>>) dst(%arg12 : memref<64x128xf32, #tpu.memory_space<vmem>>)
    %add3A_310 = arith.constant 384 : i32
    %add3A_311 = arith.addi %mul3A_8, %add3A_310 : i32
    %dma_start3A_312 = arith.constant 0 : i32
    %dma_start3A_313 = tpu.memref_slice %arg5[%arg0, %add3A_311, %dma_start3A_312] : memref<2x10240x128xf32, #tpu.memory_space<hbm>> -> memref<1x64x128xf32, #tpu.memory_space<hbm>>
    %dma_start3A_314 = tpu.memref_squeeze %dma_start3A_313 : memref<1x64x128xf32, #tpu.memory_space<hbm>> -> memref<64x128xf32, #tpu.memory_space<hbm>>
    %dma_start3A_315 = arith.constant 0 : i32
    %dma_start3A_316 = tpu.memref_slice %arg5[%arg0, %add3A_311, %dma_start3A_315] : memref<2x10240x128xf32, #tpu.memory_space<hbm>> -> memref<1x64x128xf32, #tpu.memory_space<hbm>>
    %dma_start3A_317 = tpu.memref_squeeze %dma_start3A_316 : memref<1x64x128xf32, #tpu.memory_space<hbm>> -> memref<64x128xf32, #tpu.memory_space<hbm>>
    tpu.enqueue_dma source(%arg12 : memref<64x128xf32, #tpu.memory_space<vmem>>) target(%dma_start3A_317 : memref<64x128xf32, #tpu.memory_space<hbm>>) target_semaphore(%arg20 : memref<!tpu.dma_semaphore, #tpu.memory_space<semaphore_mem>>)
    %add3A_318 = arith.constant 448 : i32
    %add3A_319 = arith.addi %mul3A_8, %add3A_318 : i32
    %dma_wait3A_320 = arith.constant 0 : i32
    %dma_wait3A_321 = tpu.memref_slice %arg6[%add3A_319, %dma_wait3A_320] : memref<10240x128xf32, #tpu.memory_space<vmem_shared>> -> memref<64x128xf32, #tpu.memory_space<vmem_shared>>
    %dma_wait3A_322 = arith.constant 0 : i32
    %dma_wait3A_323 = tpu.memref_slice %arg6[%add3A_319, %dma_wait3A_322] : memref<10240x128xf32, #tpu.memory_space<vmem_shared>> -> memref<64x128xf32, #tpu.memory_space<vmem_shared>>
    tpu.wait_dma2 semaphore(%arg17 : memref<!tpu.dma_semaphore, #tpu.memory_space<semaphore_mem>>) src(%dma_wait3A_323 : memref<64x128xf32, #tpu.memory_space<vmem_shared>>) dst(%arg13 : memref<64x128xf32, #tpu.memory_space<vmem>>)
    %add3A_324 = arith.constant 448 : i32
    %add3A_325 = arith.addi %mul3A_8, %add3A_324 : i32
    %dma_start3A_326 = arith.constant 0 : i32
    %dma_start3A_327 = tpu.memref_slice %arg5[%arg0, %add3A_325, %dma_start3A_326] : memref<2x10240x128xf32, #tpu.memory_space<hbm>> -> memref<1x64x128xf32, #tpu.memory_space<hbm>>
    %dma_start3A_328 = tpu.memref_squeeze %dma_start3A_327 : memref<1x64x128xf32, #tpu.memory_space<hbm>> -> memref<64x128xf32, #tpu.memory_space<hbm>>
    %dma_start3A_329 = arith.constant 0 : i32
    %dma_start3A_330 = tpu.memref_slice %arg5[%arg0, %add3A_325, %dma_start3A_329] : memref<2x10240x128xf32, #tpu.memory_space<hbm>> -> memref<1x64x128xf32, #tpu.memory_space<hbm>>
    %dma_start3A_331 = tpu.memref_squeeze %dma_start3A_330 : memref<1x64x128xf32, #tpu.memory_space<hbm>> -> memref<64x128xf32, #tpu.memory_space<hbm>>
    tpu.enqueue_dma source(%arg13 : memref<64x128xf32, #tpu.memory_space<vmem>>) target(%dma_start3A_331 : memref<64x128xf32, #tpu.memory_space<hbm>>) target_semaphore(%arg21 : memref<!tpu.dma_semaphore, #tpu.memory_space<semaphore_mem>>)
    %add3A_332 = arith.constant 512 : i32
    %add3A_333 = arith.addi %mul3A_8, %add3A_332 : i32
    %dma_wait3A_334 = arith.constant 0 : i32
    %dma_wait3A_335 = tpu.memref_slice %arg6[%add3A_333, %dma_wait3A_334] : memref<10240x128xf32, #tpu.memory_space<vmem_shared>> -> memref<64x128xf32, #tpu.memory_space<vmem_shared>>
    %dma_wait3A_336 = arith.constant 0 : i32
    %dma_wait3A_337 = tpu.memref_slice %arg6[%add3A_333, %dma_wait3A_336] : memref<10240x128xf32, #tpu.memory_space<vmem_shared>> -> memref<64x128xf32, #tpu.memory_space<vmem_shared>>
    tpu.wait_dma2 semaphore(%arg14 : memref<!tpu.dma_semaphore, #tpu.memory_space<semaphore_mem>>) src(%dma_wait3A_337 : memref<64x128xf32, #tpu.memory_space<vmem_shared>>) dst(%arg10 : memref<64x128xf32, #tpu.memory_space<vmem>>)
    %add3A_338 = arith.constant 512 : i32
    %add3A_339 = arith.addi %mul3A_8, %add3A_338 : i32
    %dma_start3A_340 = arith.constant 0 : i32
    %dma_start3A_341 = tpu.memref_slice %arg5[%arg0, %add3A_339, %dma_start3A_340] : memref<2x10240x128xf32, #tpu.memory_space<hbm>> -> memref<1x64x128xf32, #tpu.memory_space<hbm>>
    %dma_start3A_342 = tpu.memref_squeeze %dma_start3A_341 : memref<1x64x128xf32, #tpu.memory_space<hbm>> -> memref<64x128xf32, #tpu.memory_space<hbm>>
    %dma_start3A_343 = arith.constant 0 : i32
    %dma_start3A_344 = tpu.memref_slice %arg5[%arg0, %add3A_339, %dma_start3A_343] : memref<2x10240x128xf32, #tpu.memory_space<hbm>> -> memref<1x64x128xf32, #tpu.memory_space<hbm>>
    %dma_start3A_345 = tpu.memref_squeeze %dma_start3A_344 : memref<1x64x128xf32, #tpu.memory_space<hbm>> -> memref<64x128xf32, #tpu.memory_space<hbm>>
    tpu.enqueue_dma source(%arg10 : memref<64x128xf32, #tpu.memory_space<vmem>>) target(%dma_start3A_345 : memref<64x128xf32, #tpu.memory_space<hbm>>) target_semaphore(%arg18 : memref<!tpu.dma_semaphore, #tpu.memory_space<semaphore_mem>>)
    %add3A_346 = arith.constant 576 : i32
    %add3A_347 = arith.addi %mul3A_8, %add3A_346 : i32
    %dma_wait3A_348 = arith.constant 0 : i32
    %dma_wait3A_349 = tpu.memref_slice %arg6[%add3A_347, %dma_wait3A_348] : memref<10240x128xf32, #tpu.memory_space<vmem_shared>> -> memref<64x128xf32, #tpu.memory_space<vmem_shared>>
    %dma_wait3A_350 = arith.constant 0 : i32
    %dma_wait3A_351 = tpu.memref_slice %arg6[%add3A_347, %dma_wait3A_350] : memref<10240x128xf32, #tpu.memory_space<vmem_shared>> -> memref<64x128xf32, #tpu.memory_space<vmem_shared>>
    tpu.wait_dma2 semaphore(%arg15 : memref<!tpu.dma_semaphore, #tpu.memory_space<semaphore_mem>>) src(%dma_wait3A_351 : memref<64x128xf32, #tpu.memory_space<vmem_shared>>) dst(%arg11 : memref<64x128xf32, #tpu.memory_space<vmem>>)
    %add3A_352 = arith.constant 576 : i32
    %add3A_353 = arith.addi %mul3A_8, %add3A_352 : i32
    %dma_start3A_354 = arith.constant 0 : i32
    %dma_start3A_355 = tpu.memref_slice %arg5[%arg0, %add3A_353, %dma_start3A_354] : memref<2x10240x128xf32, #tpu.memory_space<hbm>> -> memref<1x64x128xf32, #tpu.memory_space<hbm>>
    %dma_start3A_356 = tpu.memref_squeeze %dma_start3A_355 : memref<1x64x128xf32, #tpu.memory_space<hbm>> -> memref<64x128xf32, #tpu.memory_space<hbm>>
    %dma_start3A_357 = arith.constant 0 : i32
    %dma_start3A_358 = tpu.memref_slice %arg5[%arg0, %add3A_353, %dma_start3A_357] : memref<2x10240x128xf32, #tpu.memory_space<hbm>> -> memref<1x64x128xf32, #tpu.memory_space<hbm>>
    %dma_start3A_359 = tpu.memref_squeeze %dma_start3A_358 : memref<1x64x128xf32, #tpu.memory_space<hbm>> -> memref<64x128xf32, #tpu.memory_space<hbm>>
    tpu.enqueue_dma source(%arg11 : memref<64x128xf32, #tpu.memory_space<vmem>>) target(%dma_start3A_359 : memref<64x128xf32, #tpu.memory_space<hbm>>) target_semaphore(%arg19 : memref<!tpu.dma_semaphore, #tpu.memory_space<semaphore_mem>>)
    %add3A_360 = arith.constant 384 : i32
    %add3A_361 = arith.addi %mul3A_8, %add3A_360 : i32
    %dma_wait3A_362 = arith.constant 0 : i32
    %dma_wait3A_363 = tpu.memref_slice %arg5[%arg0, %add3A_361, %dma_wait3A_362] : memref<2x10240x128xf32, #tpu.memory_space<hbm>> -> memref<1x64x128xf32, #tpu.memory_space<hbm>>
    %dma_wait3A_364 = tpu.memref_squeeze %dma_wait3A_363 : memref<1x64x128xf32, #tpu.memory_space<hbm>> -> memref<64x128xf32, #tpu.memory_space<hbm>>
    %dma_wait3A_365 = arith.constant 0 : i32
    %dma_wait3A_366 = tpu.memref_slice %arg5[%arg0, %add3A_361, %dma_wait3A_365] : memref<2x10240x128xf32, #tpu.memory_space<hbm>> -> memref<1x64x128xf32, #tpu.memory_space<hbm>>
    %dma_wait3A_367 = tpu.memref_squeeze %dma_wait3A_366 : memref<1x64x128xf32, #tpu.memory_space<hbm>> -> memref<64x128xf32, #tpu.memory_space<hbm>>
    tpu.wait_dma2 semaphore(%arg20 : memref<!tpu.dma_semaphore, #tpu.memory_space<semaphore_mem>>) src(%arg12 : memref<64x128xf32, #tpu.memory_space<vmem>>) dst(%dma_wait3A_367 : memref<64x128xf32, #tpu.memory_space<hbm>>)
    %add3A_368 = arith.constant 448 : i32
    %add3A_369 = arith.addi %mul3A_8, %add3A_368 : i32
    %dma_wait3A_370 = arith.constant 0 : i32
    %dma_wait3A_371 = tpu.memref_slice %arg5[%arg0, %add3A_369, %dma_wait3A_370] : memref<2x10240x128xf32, #tpu.memory_space<hbm>> -> memref<1x64x128xf32, #tpu.memory_space<hbm>>
    %dma_wait3A_372 = tpu.memref_squeeze %dma_wait3A_371 : memref<1x64x128xf32, #tpu.memory_space<hbm>> -> memref<64x128xf32, #tpu.memory_space<hbm>>
    %dma_wait3A_373 = arith.constant 0 : i32
    %dma_wait3A_374 = tpu.memref_slice %arg5[%arg0, %add3A_369, %dma_wait3A_373] : memref<2x10240x128xf32, #tpu.memory_space<hbm>> -> memref<1x64x128xf32, #tpu.memory_space<hbm>>
    %dma_wait3A_375 = tpu.memref_squeeze %dma_wait3A_374 : memref<1x64x128xf32, #tpu.memory_space<hbm>> -> memref<64x128xf32, #tpu.memory_space<hbm>>
    tpu.wait_dma2 semaphore(%arg21 : memref<!tpu.dma_semaphore, #tpu.memory_space<semaphore_mem>>) src(%arg13 : memref<64x128xf32, #tpu.memory_space<vmem>>) dst(%dma_wait3A_375 : memref<64x128xf32, #tpu.memory_space<hbm>>)
    %add3A_376 = arith.constant 512 : i32
    %add3A_377 = arith.addi %mul3A_8, %add3A_376 : i32
    %dma_wait3A_378 = arith.constant 0 : i32
    %dma_wait3A_379 = tpu.memref_slice %arg5[%arg0, %add3A_377, %dma_wait3A_378] : memref<2x10240x128xf32, #tpu.memory_space<hbm>> -> memref<1x64x128xf32, #tpu.memory_space<hbm>>
    %dma_wait3A_380 = tpu.memref_squeeze %dma_wait3A_379 : memref<1x64x128xf32, #tpu.memory_space<hbm>> -> memref<64x128xf32, #tpu.memory_space<hbm>>
    %dma_wait3A_381 = arith.constant 0 : i32
    %dma_wait3A_382 = tpu.memref_slice %arg5[%arg0, %add3A_377, %dma_wait3A_381] : memref<2x10240x128xf32, #tpu.memory_space<hbm>> -> memref<1x64x128xf32, #tpu.memory_space<hbm>>
    %dma_wait3A_383 = tpu.memref_squeeze %dma_wait3A_382 : memref<1x64x128xf32, #tpu.memory_space<hbm>> -> memref<64x128xf32, #tpu.memory_space<hbm>>
    tpu.wait_dma2 semaphore(%arg18 : memref<!tpu.dma_semaphore, #tpu.memory_space<semaphore_mem>>) src(%arg10 : memref<64x128xf32, #tpu.memory_space<vmem>>) dst(%dma_wait3A_383 : memref<64x128xf32, #tpu.memory_space<hbm>>)
    %add3A_384 = arith.constant 576 : i32
    %add3A_385 = arith.addi %mul3A_8, %add3A_384 : i32
    %dma_wait3A_386 = arith.constant 0 : i32
    %dma_wait3A_387 = tpu.memref_slice %arg5[%arg0, %add3A_385, %dma_wait3A_386] : memref<2x10240x128xf32, #tpu.memory_space<hbm>> -> memref<1x64x128xf32, #tpu.memory_space<hbm>>
    %dma_wait3A_388 = tpu.memref_squeeze %dma_wait3A_387 : memref<1x64x128xf32, #tpu.memory_space<hbm>> -> memref<64x128xf32, #tpu.memory_space<hbm>>
    %dma_wait3A_389 = arith.constant 0 : i32
    %dma_wait3A_390 = tpu.memref_slice %arg5[%arg0, %add3A_385, %dma_wait3A_389] : memref<2x10240x128xf32, #tpu.memory_space<hbm>> -> memref<1x64x128xf32, #tpu.memory_space<hbm>>
    %dma_wait3A_391 = tpu.memref_squeeze %dma_wait3A_390 : memref<1x64x128xf32, #tpu.memory_space<hbm>> -> memref<64x128xf32, #tpu.memory_space<hbm>>
    tpu.wait_dma2 semaphore(%arg19 : memref<!tpu.dma_semaphore, #tpu.memory_space<semaphore_mem>>) src(%arg11 : memref<64x128xf32, #tpu.memory_space<vmem>>) dst(%dma_wait3A_391 : memref<64x128xf32, #tpu.memory_space<hbm>>)
    return
  }
}

module attributes {stable_mosaic.version = 14 : i64} {
  func.func @_mm_body(%arg0: i32, %arg1: memref<512x128xf32, #tpu.memory_space<vmem>>, %arg2: memref<128x128xf32, #tpu.memory_space<vmem>>, %arg3: memref<32x512xf32, #tpu.memory_space<vmem>>, %arg4: memref<512x128xf32, #tpu.memory_space<vmem>>, %arg5: memref<512x1xf32, #tpu.memory_space<vmem>>) attributes {dimension_semantics = [#tpu.dimension_semantics<arbitrary>], iteration_bounds = array<i64: 20>, scalar_prefetch = 0 : i64, scratch_operands = 0 : i64, tpu.core_type = #tpu.core_type<tc>, window_params = [{transform_indices = @transform_0, window_bounds = array<i64: 512, 128>}, {pipeline_mode = #tpu.pipeline_mode<synchronous>, transform_indices = @transform_1, window_bounds = array<i64: 128, 128>}, {transform_indices = @transform_2, window_bounds = array<i64: 32, 512>}, {transform_indices = @transform_3, window_bounds = array<i64: 512, 128>}, {transform_indices = @transform_4, window_bounds = array<i64: 512, 1>}]} {
    %get3A = arith.constant 0 : index
    %get3A_0 = arith.constant 0 : index
    %get3A_1 = vector.load %arg3[%get3A, %get3A_0] : memref<32x512xf32, #tpu.memory_space<vmem>>, vector<32x512xf32>
    %reduce_sum3A = arith.constant dense<0.000000e+00> : vector<512xf32>
    %reduce_sum3A_2 = vector.multi_reduction <add>, %get3A_1, %reduce_sum3A [0] : vector<32x512xf32> to vector<512xf32>
    %add3A = arith.constant 1.000000e+00 : f32
    %add3A_3 = vector.broadcast %add3A : f32 to vector<512xf32>
    %add3A_4 = arith.addf %reduce_sum3A_2, %add3A_3 : vector<512xf32>
    %rsqrt3A = math.rsqrt %add3A_4 : vector<512xf32>
    %get3A_5 = arith.constant 0 : index
    %get3A_6 = arith.constant 0 : index
    %get3A_7 = vector.load %arg1[%get3A_5, %get3A_6] : memref<512x128xf32, #tpu.memory_space<vmem>>, vector<512x128xf32>
    %get3A_8 = arith.constant 0 : index
    %get3A_9 = arith.constant 0 : index
    %get3A_10 = vector.load %arg2[%get3A_8, %get3A_9] : memref<128x128xf32, #tpu.memory_space<vmem>>, vector<128x128xf32>
    %dot_general3A = arith.constant dense<0.000000e+00> : vector<512x128xf32>
    %dot_general3A_11 = tpu.matmul %get3A_7, %get3A_10, %dot_general3A {dimension_numbers = #tpu.dot_dimension_numbers<[1], [0], [0], [1], [0, 0, 1, 1], [], []>, transpose_lhs_hint = false} : vector<512x128xf32>, vector<128x128xf32>, vector<512x128xf32> -> vector<512x128xf32>
    %broadcast_in_dim3A = vector.shape_cast %rsqrt3A : vector<512xf32> to vector<512x1xf32>
    %mul3A = vector.broadcast %broadcast_in_dim3A : vector<512x1xf32> to vector<512x128xf32>
    %mul3A_12 = arith.mulf %dot_general3A_11, %mul3A : vector<512x128xf32>
    %swap3A = arith.constant 0 : index
    %swap3A_13 = arith.constant 0 : index
    %swap3A_14 = vector.load %arg4[%swap3A, %swap3A_13] : memref<512x128xf32, #tpu.memory_space<vmem>>, vector<512x128xf32>
    tpu.vector_store %arg4[%swap3A, %swap3A_13], %mul3A_12 {strides = array<i32>} : memref<512x128xf32, #tpu.memory_space<vmem>>, vector<512x128xf32>,
    %broadcast_in_dim3A_15 = vector.shape_cast %rsqrt3A : vector<512xf32> to vector<512x1xf32>
    %swap3A_16 = arith.constant 0 : index
    %swap3A_17 = arith.constant 0 : index
    %swap3A_18 = vector.load %arg5[%swap3A_16, %swap3A_17] : memref<512x1xf32, #tpu.memory_space<vmem>>, vector<512x1xf32>
    tpu.vector_store %arg5[%swap3A_16, %swap3A_17], %broadcast_in_dim3A_15 {strides = array<i32>} : memref<512x1xf32, #tpu.memory_space<vmem>>, vector<512x1xf32>,
    return
  }
  func.func @transform_0(%arg0: i32) -> (i32, i32) {
    %c0_i32 = arith.constant 0 : i32
    %c0_i32_0 = arith.constant 0 : i32
    return %arg0, %c0_i32 : i32, i32
  }
  func.func @transform_1(%arg0: i32) -> (i32, i32) {
    %c0_i32 = arith.constant 0 : i32
    %c0_i32_0 = arith.constant 0 : i32
    %c0_i32_1 = arith.constant 0 : i32
    return %c0_i32, %c0_i32_0 : i32, i32
  }
  func.func @transform_2(%arg0: i32) -> (i32, i32) {
    %c0_i32 = arith.constant 0 : i32
    %c0_i32_0 = arith.constant 0 : i32
    return %c0_i32, %arg0 : i32, i32
  }
  func.func @transform_3(%arg0: i32) -> (i32, i32) {
    %c0_i32 = arith.constant 0 : i32
    %c0_i32_0 = arith.constant 0 : i32
    return %arg0, %c0_i32 : i32, i32
  }
  func.func @transform_4(%arg0: i32) -> (i32, i32) {
    %c0_i32 = arith.constant 0 : i32
    %c0_i32_0 = arith.constant 0 : i32
    return %arg0, %c0_i32 : i32, i32
  }
}

module attributes {stable_mosaic.version = 14 : i64} {
  func.func @_fin_body(%arg0: i32, %arg1: memref<2x400x128xf32, #tpu.memory_space<vmem>>, %arg2: memref<400x128xf32, #tpu.memory_space<vmem>>, %arg3: memref<400x1xf32, #tpu.memory_space<vmem>>, %arg4: memref<1x128xf32, #tpu.memory_space<vmem>>, %arg5: memref<400x128xf32, #tpu.memory_space<vmem>>) attributes {dimension_semantics = [#tpu.dimension_semantics<arbitrary>], iteration_bounds = array<i64: 25>, scalar_prefetch = 0 : i64, scratch_operands = 0 : i64, tpu.core_type = #tpu.core_type<tc>, window_params = [{transform_indices = @transform_0, window_bounds = array<i64: 2, 400, 128>}, {transform_indices = @transform_1, window_bounds = array<i64: 400, 128>}, {transform_indices = @transform_2, window_bounds = array<i64: 400, 1>}, {pipeline_mode = #tpu.pipeline_mode<synchronous>, transform_indices = @transform_3, window_bounds = array<i64: 1, 128>}, {transform_indices = @transform_4, window_bounds = array<i64: 400, 128>}]} {
    %get3A = arith.constant 0 : index
    %get3A_0 = arith.constant 0 : index
    %get3A_1 = arith.constant 0 : index
    %get3A_2 = vector.load %arg1[%get3A, %get3A_0, %get3A_1] : memref<2x400x128xf32, #tpu.memory_space<vmem>>, vector<1x400x128xf32>
    %get3A_3 = vector.shape_cast %get3A_2 : vector<1x400x128xf32> to vector<400x128xf32>
    %get3A_4 = arith.constant 1 : index
    %get3A_5 = arith.constant 0 : index
    %get3A_6 = arith.constant 0 : index
    %get3A_7 = vector.load %arg1[%get3A_4, %get3A_5, %get3A_6] : memref<2x400x128xf32, #tpu.memory_space<vmem>>, vector<1x400x128xf32>
    %get3A_8 = vector.shape_cast %get3A_7 : vector<1x400x128xf32> to vector<400x128xf32>
    %add3A = arith.addf %get3A_3, %get3A_8 : vector<400x128xf32>
    %get3A_9 = arith.constant 0 : index
    %get3A_10 = arith.constant 0 : index
    %get3A_11 = vector.load %arg2[%get3A_9, %get3A_10] : memref<400x128xf32, #tpu.memory_space<vmem>>, vector<400x128xf32>
    %add3A_12 = arith.addf %add3A, %get3A_11 : vector<400x128xf32>
    %get3A_13 = arith.constant 0 : index
    %get3A_14 = arith.constant 0 : index
    %get3A_15 = vector.load %arg3[%get3A_13, %get3A_14] : memref<400x1xf32, #tpu.memory_space<vmem>>, vector<400x1xf32>
    %mul3A = vector.broadcast %get3A_15 : vector<400x1xf32> to vector<400x128xf32>
    %mul3A_16 = arith.mulf %add3A_12, %mul3A : vector<400x128xf32>
    %get3A_17 = arith.constant 0 : index
    %get3A_18 = arith.constant 0 : index
    %get3A_19 = vector.load %arg4[%get3A_17, %get3A_18] : memref<1x128xf32, #tpu.memory_space<vmem>>, vector<1x128xf32>
    %add3A_20 = vector.broadcast %get3A_19 : vector<1x128xf32> to vector<400x128xf32>
    %add3A_21 = arith.addf %mul3A_16, %add3A_20 : vector<400x128xf32>
    %max3A = arith.constant 0.000000e+00 : f32
    %max3A_22 = vector.broadcast %max3A : f32 to vector<400x128xf32>
    %max3A_23 = arith.maximumf %add3A_21, %max3A_22 : vector<400x128xf32>
    %swap3A = arith.constant 0 : index
    %swap3A_24 = arith.constant 0 : index
    %swap3A_25 = vector.load %arg5[%swap3A, %swap3A_24] : memref<400x128xf32, #tpu.memory_space<vmem>>, vector<400x128xf32>
    tpu.vector_store %arg5[%swap3A, %swap3A_24], %max3A_23 {strides = array<i32>} : memref<400x128xf32, #tpu.memory_space<vmem>>, vector<400x128xf32>,
    return
  }
  func.func @transform_0(%arg0: i32) -> (i32, i32, i32) {
    %c0_i32 = arith.constant 0 : i32
    %c0_i32_0 = arith.constant 0 : i32
    %c0_i32_1 = arith.constant 0 : i32
    return %c0_i32, %arg0, %c0_i32_0 : i32, i32, i32
  }
  func.func @transform_1(%arg0: i32) -> (i32, i32) {
    %c0_i32 = arith.constant 0 : i32
    %c0_i32_0 = arith.constant 0 : i32
    return %arg0, %c0_i32 : i32, i32
  }
  func.func @transform_2(%arg0: i32) -> (i32, i32) {
    %c0_i32 = arith.constant 0 : i32
    %c0_i32_0 = arith.constant 0 : i32
    return %arg0, %c0_i32 : i32, i32
  }
  func.func @transform_3(%arg0: i32) -> (i32, i32) {
    %c0_i32 = arith.constant 0 : i32
    %c0_i32_0 = arith.constant 0 : i32
    %c0_i32_1 = arith.constant 0 : i32
    return %c0_i32, %c0_i32_0 : i32, i32
  }
  func.func @transform_4(%arg0: i32) -> (i32, i32) {
    %c0_i32 = arith.constant 0 : i32
    %c0_i32_0 = arith.constant 0 : i32
    return %arg0, %c0_i32 : i32, i32
  }
}

</mosaic_0001>

<sc_bundles>
// kernel: kernel.6.cloned.1.call-start
scs
__scs_entry_jumppad:
0x0: {  	(pc) =	sbr.rel $0x88, $3  }
0x1: {  	(tag) =	ssettag $0x0;
	lr =	simm.s32 $0x1  }
0x2: {  	[smem:$0x3F9D] =	sst lr;
	_ =	strace $0xD0000000  }
0x3: {  	_ = 	snop  }
0x4: {  	_ = 	snop  }
0x5: {  	_ = 	snop  }
0x6: {  	_ = 	snop  }
0x7: {  	_ = 	snop  }
__scs_overlays_trampoline_lowered:
0x8: {  	[smem:$0x3FAC] =	sst s0  }
0x9: {  	[smem:$0x3FAD] =	sst s1  }
0xa: {  	[smem:$0x3FAE] =	sst s2  }
0xb: {  	[smem:$0x3FAF] =	sst s3  }
0xc: {  	[smem:$0x3FB0] =	sst s4  }
0xd: {  	[smem:$0x3FB1] =	sst s5  }
0xe: {  	[smem:$0x3FB2] =	sst s6  }
0xf: {  	[smem:$0x3FB3] =	sst s7  }
0x10: {  	[smem:$0x3FB4] =	sst s8  }
0x11: {  	[smem:$0x3FB5] =	sst s9;
	s0 =	simm.s32 @!p0 $0x0  }
0x12: {  	s1 =	sld [smem:$0x3F9B];
	s0 =	simm.s32 @p0 $0x1  }
0x13: {  	[smem:$0x3FB6] =	sst s0;
	s0 =	simm.s32 @!p1 $0x0  }
0x14: {  	s2 =	sld [smem:$0x3F9A];
	s0 =	simm.s32 @p1 $0x1  }
0x15: {  	[smem:$0x3FB7] =	sst s0;
	s0 =	simm.s32 @!p2 $0x0  }
0x16: {  	s3 =	sld [smem:$0x3FDB];
	s0 =	simm.s32 @p2 $0x1  }
0x17: {  	s4 =	simm.s32 $0x1BF5;
	[smem:$0x3FB9] =	sst s0  }
0x18: {  	s0 =	sld [smem:$0x3F9C];
	_ =	swait.ge [sflag:s4], $0x0  }
0x19: {  	s7 =	sld [smem:$0x3F9D]  }
0x1a: {  	s8 =	sadd.s32 $0xFFFFE003, lr  }
0x1b: {  	s9 =	sadd.s32 $0xFFFFFEF7, lr;
	s5 =	simm.s32 $0xFFFFFFFF;
	p2 =	slt.u32 s8, $0xFFFFF086  }
0x1c: {  	p1 =	slt.u32 s9, $0xF7A;
	s5 =	simm.s32 @!p2 $0x0  }
0x1d: {  	s5 =	simm.s32 @p1 $0x1;
	p0 =	seq.s32 s7, s2  }
0x1e: {  	s7 =	smul.u32 @!p0 $0xF7A, s2;
	p2 =	seq.s32 @!p0 s5, $0x0  }
0x1f: {  	s9 =	smul.u32 $0xF7A, s1;
	s8 =	simm.s32 @!p0 $0x1BF5;
	p2 =	por !p2, p0  }
0x20: {  	[sflag:s8] =	ssyncset.s32 @!p0 $0xFFFFF086;
	s6 =	sadd.s32 @!p0 s3, s7;
	s7 =	simm.s32 @!p0 $0x108  }
0x21: {  	s3 =	sadd.s32 s3, s9;
	s6 =	sadd.s32 @!p0 $0x88, s6;
	s7 =	simm.s32 @p2 $0x1082  }
0x22: {  	[simem:s7], [sflag:s8] =	dma.local @!p0 [hbm:s6], $0xF7A  }
0x23: {  	s9 =	sor.u32 $0xD0000000, s2;
	s6 =	simm.s32 $0x108;
	_ =	swait.ge @!p0 [sflag:s8], $0x0  }
0x24: {  	s3 =	sadd.s32 $0x88, s3;
	s6 =	simm.s32 @!p1 $0x1082;
	[sflag:s4] =	ssyncset.s32 $0xFFFFF086  }
0x25: {  	[simem:s6], [sflag:s4] =	dma.local [hbm:s3], $0xF7A  }
0x26: {  	[smem:$0x3F9D] =	sst s1;
	(tag) =	ssettag s2;
	_ =	strace s9  }
0x27: {  	s1 =	sld [smem:$0x3FAD]  }
0x28: {  	s2 =	sld [smem:$0x3FAE]  }
0x29: {  	s4 =	sld [smem:$0x3FB0]  }
0x2a: {  	p0 =	seq.s32 s5, $0x0;
	s5 =	sld [smem:$0x3FB1]  }
0x2b: {  	s6 =	sld [smem:$0x3FB2]  }
0x2c: {  	s7 =	sld [smem:$0x3FB3]  }
0x2d: {  	s3 =	simm.s32 $0x108;
	s8 =	sld [smem:$0x3FB4]  }
0x2e: {  	s3 =	simm.s32 @!p0 $0x1082;
	s9 =	sld [smem:$0x3FB5]  }
0x2f: {  	lr =	sadd.s32 s0, s3;
	s0 =	sld [smem:$0x3FAC]  }
0x30: {  	s3 =	sld [smem:$0x3FAF]  }
0x31: {  	[smem:$0x3FB8] =	sst s10  }
0x32: {  	s10 =	sld [smem:$0x3FB6];
	_ =	sdelay $0x3  }
0x33: {  	p0 =	seq.s32 s10, $0x1;
	s10 =	sld [smem:$0x3FB8];
	_ =	sdelay $0x3  }
0x34: {  	[smem:$0x3FB8] =	sst s10  }
0x35: {  	s10 =	sld [smem:$0x3FB7];
	_ =	sdelay $0x3  }
0x36: {  	p1 =	seq.s32 s10, $0x1;
	s10 =	sld [smem:$0x3FB8];
	_ =	sdelay $0x3  }
0x37: {  	[smem:$0x3FB8] =	sst s10  }
0x38: {  	s10 =	sld [smem:$0x3FB9]  }
0x39: {  	_ = 	snop;
	(pc) =	sbr.ind lr, $3  }
0x3a: {  	_ = 	snop  }
0x3b: {  	_ = 	snop  }
0x3c: {  	p2 =	seq.s32 s10, $0x1;
	s10 =	sld [smem:$0x3FB8]  }
0x3d: {  	_ =	shalt  }
0x3e: {  	_ =	shalt  }
0x3f: {  	_ =	shalt  }
0x40: {  	_ =	shalt  }
0x41: {  	_ =	shalt  }
0x42: {  	_ =	shalt  }
0x43: {  	_ =	shalt  }
0x44: {  	_ =	shalt  }
0x45: {  	_ =	shalt  }
0x46: {  	_ =	shalt  }
0x47: {  	_ =	shalt  }
0x48: {  	_ =	shalt  }
0x49: {  	_ =	shalt  }
0x4a: {  	_ =	shalt  }
0x4b: {  	_ =	shalt  }
0x4c: {  	_ =	shalt  }
0x4d: {  	_ =	shalt  }
0x4e: {  	_ =	shalt  }
0x4f: {  	_ =	shalt  }
0x50: {  	_ =	shalt  }
0x51: {  	_ =	shalt  }
0x52: {  	_ =	shalt  }
0x53: {  	_ =	shalt  }
0x54: {  	_ =	shalt  }
0x55: {  	_ =	shalt  }
0x56: {  	_ =	shalt  }
0x57: {  	_ =	shalt  }
0x58: {  	_ =	shalt  }
0x59: {  	_ =	shalt  }
0x5a: {  	_ =	shalt  }
0x5b: {  	_ =	shalt  }
0x5c: {  	_ =	shalt  }
0x5d: {  	_ =	shalt  }
0x5e: {  	_ =	shalt  }
0x5f: {  	_ =	shalt  }
0x60: {  	_ =	shalt  }
0x61: {  	_ =	shalt  }
0x62: {  	_ =	shalt  }
0x63: {  	_ =	shalt  }
0x64: {  	_ =	shalt  }
0x65: {  	_ =	shalt  }
0x66: {  	_ =	shalt  }
0x67: {  	_ =	shalt  }
0x68: {  	_ =	shalt  }
0x69: {  	_ =	shalt  }
0x6a: {  	_ =	shalt  }
0x6b: {  	_ =	shalt  }
0x6c: {  	_ =	shalt  }
0x6d: {  	_ =	shalt  }
0x6e: {  	_ =	shalt  }
0x6f: {  	_ =	shalt  }
0x70: {  	_ =	shalt  }
0x71: {  	_ =	shalt  }
0x72: {  	_ =	shalt  }
0x73: {  	_ =	shalt  }
0x74: {  	_ =	shalt  }
0x75: {  	_ =	shalt  }
0x76: {  	_ =	shalt  }
0x77: {  	_ =	shalt  }
0x78: {  	_ =	shalt  }
0x79: {  	_ =	shalt  }
0x7a: {  	_ =	shalt  }
0x7b: {  	_ =	shalt  }
0x7c: {  	_ =	shalt  }
0x7d: {  	_ =	shalt  }
0x7e: {  	_ =	shalt  }
0x7f: {  	_ =	shalt  }
0x80: {  	_ =	shalt  }
0x81: {  	_ =	shalt  }
0x82: {  	_ =	shalt  }
0x83: {  	_ =	shalt  }
0x84: {  	_ =	shalt  }
0x85: {  	_ =	shalt  }
0x86: {  	_ =	shalt  }
0x87: {  	_ =	shalt  }
.Lfunc_end0:
.L_simem_size_0:
called_computation_lowered:
.L_overlay_start_0:
0x88: {  	s2 =	sld [smem:$0x3FD9]  }
0x89: {  	s3 =	sld [smem:$0x3FFE];
	_ =	sdelay $0x1  }
0x8a: {  	s1 =	srdreg.scid  }
0x8b: {  	s0 =	sand.u32 $0x1, s1  }
0x8c: {  	s16 =	sshll.u32 s0, $0xA;
	s2 =	sadd.s32 s3, s2  }
0x8d: {  	s2 =	sadd.s32 s2, s16  }
0x8e: {  	[smem:$0x3FC4] =	sst s2  }
0x8f: {  	_ = 	snop  }
0x90: {  	(tm) =	ssettm $0x1  }
0x91: {  	s17 =	sld [smem:$0x3FFB];
	_ =	sdelay $0x3  }
0x92: {  	_ =	strace s17  }
0x93: {  	s2 =	sld [smem:$0x3FFC];
	_ =	sdelay $0x3  }
0x94: {  	_ =	strace s2  }
0x95: {  	s2 =	sld [smem:$0x3FFD];
	_ =	sdelay $0x3  }
0x96: {  	_ =	strace s2  }
0x97: {  	_ =	strace $0x8FFFFFFF  }
0x98: {  	s18 =	sld [smem:$0x3FDB];
	_ =	sdelay $0x1  }
0x99: {  	s19 =	simm.s32 $_scs_section_size  }
0x9a: {  	s4 =	simm.s32 $_size__tile_overlayer_lowered;
	s5 =	simm.s32 $_tile_overlayer_lowered  }
0x9b: {  	s22 =	simm.s32 $0x1BFF;
	s21 =	sshll.u32 s5, $0x1;
	s2 =	sadd.s32 s19, s18  }
0x9c: {  	s6 =	simm.s32 $0x0;
	s20 =	sshll.u32 s4, $0x1;
	s4 =	sadd.s32 s21, s2  }
0x9d: {  	[timem:s6], [sflag:s22] =	dma.local [hbm:s4], s20  }
0x9e: {  	_ =	swait.ge [sflag:s22], s20  }
0x9f: {  	s3 =	ssub.s32 $0x0, s20;
	[sflag:s22] =	ssyncset.done $0x0  }
0xa0: {  	[sflag:s22] =	ssyncadd.s32 s3;
	_ =	sdelay $0x1  }
0xa1: {  	s23 =	simm.s32 $0x1B8B  }
0xa2: {  	_ =	swait.ge [sflag:s23], $0x1  }
0xa3: {  	[sflag:s23] =	ssyncset.done $0x0  }
0xa4: {  	s25 =	simm.s32 $0x1B8E;
	s24 =	sld [smem:$0x3FFE];
	[sflag:s23] =	ssyncadd.s32 $0xFFFFFFFF  }
0xa5: {  	s26 =	simm.s32 $execute0_lowered;
	[smem:$0x3FD2] =	sst s25  }
0xa6: {  	s4 =	sshll.u32 s26, $0x1;
	_ =	strace $0x80000046;
	[dreg:$0x1] =	wrdreg $0xFFFFFFFF  }
0xa7: {  	s28 =	simm.s32 $_size_execute0_lowered;
	s2 =	sadd.s32 s2, s4;
	[dreg:$0x0] =	wrdreg $0x0  }
0xa8: {  	s4 =	sshll.u32 s28, $0x1;
	[dreg:$0x2] =	wrdreg s2  }
0xa9: {  	[dreg:$0x3] =	wrdreg s4  }
0xaa: {  	[dreg:$0x4] =	wrdreg $0xC0  }
0xab: {  	_ =	task [dreg:s6], $0x5FFFF  }
0xac: {  	[dreg:$0x1] =	wrdreg $0xFFFFFFFF  }
0xad: {  	[dreg:$0x0] =	wrdreg $0x60  }
0xae: {  	[dreg:$0x2] =	wrdreg s24  }
0xaf: {  	[dreg:$0x3] =	wrdreg $0x9  }
0xb0: {  	_ =	task.clear_ibuf [dreg:s6], $0x4FFFF;
	_ =	strace $0x90000046  }
0xb1: {  	s29 =	simm.s32 $0x9;
	_ =	strace $0x80000048  }
0xb2: {  	_ =	swait.ge [sflag:s29], $0x1  }
0xb3: {  	[sflag:s29] =	ssyncadd.s32 $0xFFFFFFFF  }
0xb4: {  	_ =	strace $0x90000048  }
0xb5: {  	_ =	sfence  }
0xb6: {  	s30 =	sld [smem:$0x0];
	_ =	sdelay $0x2  }
0xb7: {  	s31 =	sshll.u32 s1, $0xD;
	s1 =	sshrl.u32 s1, $0x2  }
0xb8: {  	s3 =	sand.u32 $0x4000, s31;
	s1 =	sadd.s32 s1, s30  }
0xb9: {  	s0 =	sor.u32 s3, s0;
	s1 =	sshll.u32 s1, $0x11  }
0xba: {  	s0 =	sor.u32 s1, s0  }
0xbb: {  	s0 =	sadd.s32 $0x8F2B, s0  }
0xbc: {  	[sflag:s0] =	ssyncadd.remote.s32 $0x1  }
0xbd: {  	_ =	sfence.sel $0xFFFF  }
0xbe: {  	[dreg:$0x0] =	wrdreg $0xFFFFFFFF;
	(pc) =	sbr.abs _section_cstart, $3  }
0xbf: {  	[dreg:$0x1] =	wrdreg $0xFFFFFFFF  }
0xc0: {  	_ =	task.clear_ibuf [dreg:s6], $0x2FFFF;
	_ =	strace $0x9FFFFFFF  }
0xc1: {  	(tm) =	ssettm $0x7FFFFFFF  }
tec
execute0_lowered:
.L_overlay_start_1:
0x0: {  	(tag) =	ssettag $0x1  }
0x1: {  	s0 =	srdreg.scid  }
0x2: {  	s3 =	sand.u32 $0x1, s0  }
0x3: {  	s0 =	stileid.u32;
	s1 =	sshll.u32 s3, $0x4  }
0x4: {  	s5 =	rddreg [dreg:$0x0];
	s2 =	simm.s32 $0x0;
	s1 =	sor.u32 s0, s1  }
0x5: {  	s7 =	simm.s32 $0x400;
	s8 =	simm.s32 $0x1;
	s1 =	sshrl.u32 s1, $0x3  }
0x6: {  	s9 =	simm.s32 $0x2800;
	s30 =	sshll.u32 s0, $0x7;
	s4 =	smul.u32 $0x14000, s1  }
0x7: {  	s10 =	simm.s32 $0x0;
	s3 =	ssub.s32 $0x2, s3;
	s6 =	sand.u32 $0x380, s30  }
0x8: {  	[smem:$0x7FF] =	sst s2;
	s31 =	sshrl.u32 s3, $0x1;
	s4 =	sor.u32 s6, s4  }
0x9: {  	s1 =	rddreg [dreg:$0x1];
	_ =	strace $0x80000047;
	s4 =	sshrl.u32 s4, $0x3  }
0xa: {  	s6 =	simm.s32 $0x80;
	s4 =	sadd.s32 s4, s5;
	s5 =	ssub.s32 s3, s31  }
0xb: {  	v0 =	vimm.f32 $0.0e+00;
	v1 =	vimm.f32 $1.000000000e+00;
	s3 =	sadd.s32 $0x1C00, s4;
	s4 =	sadd.s32 $0xBC00, s4;
	s5 =	smax.u32 s5, $0x1  }
.LBB2_1:
0xc: {  	[tilespmem:s2], [sflag:$0x1] =	stream.strided.gather [hbm4b:s3+s6], $0x2800, s7, s6, $0x38;
	[tilespmem:$0x5000] =	vst v63  }
0xd: {  	_ =	swait.ge [sflag:s8], $0x2800  }
0xe: {  	[sflag:s8] =	ssyncset.done $0x0  }
0xf: {  	s11 =	simm.s32 $0x0;
	[sflag:s8] =	ssyncadd.s32 $0xFFFFD800  }
.LBB2_2:
0x10: {  	p0 =	sne.s32 s11, $0x9FC0  }
.Ltmp0:
0x11: {  	_ = 	snop;
	(pc) =	sbr.rel @p0 .LBB2_2-.Ltmp0, $3  }
0x12: {  	_ =	sdelay $0x1  }
0x13: {  	s12 =	sshra.s32 s11, $0x2  }
0x14: {  	s11 =	sadd.s32 $0x40, s11;
	[tilespmem:s12+$0x2800] =	vst v0  }
0x15: {  	s12 =	simm.s32 $0x0;
	s11 =	simm.s32 $0x40  }
.LBB2_4:
0x16: {  	p0 =	sne.s32 s11, $0x9FC0;
	v2 =	vld [tilespmem:s12+$0x0];
	_ =	sdelay $0x3  }
.Ltmp1:
0x17: {  	(pc) =	sbr.rel @p0 .LBB2_4-.Ltmp1, $2  }
0x18: {  	_ =	sdelay $0x2  }
0x19: {  	s12 =	sshra.s32 s11, $0x2;
	s11 =	sadd.s32 $0x40, s11;
	[tilespmem:v2+s9+$0x0] =	vst.idx.add.f32.msk $0xffff, v1  }
0x1a: {  	v2 =	vld [tilespmem:s12+$0x0];
	_ =	sdelay $0x5  }
0x1b: {  	s10 =	sadd.s32 $0x1, s10  }
0x1c: {  	p0 =	sne.s32 s10, s5  }
.Ltmp2:
0x1d: {  	[tilespmem:v2+s9+$0x0] =	vst.idx.add.f32.msk $0xffff, v1;
	(pc) =	sbr.rel @p0 .LBB2_1-.Ltmp2, $4  }
0x1e: {  	[hbm4b:s4+s6] =	stream.strided.scatter [tilespmem:s9], [sflag:$0x1], $0x2800, s7, s6, $0x38;
	[tilespmem:$0x5000] =	vst v63  }
0x1f: {  	_ =	swait.ge [sflag:s8], $0x2800  }
0x20: {  	[sflag:s8] =	ssyncset.done $0x0  }
0x21: {  	[sflag:s8] =	ssyncadd.s32 $0xFFFFD800  }
0x22: {  	_ =	sfence.sel $0x180000  }
0x23: {  	[bflag:$0x0] =	sbarrier.arrive $0xFFFF  }
0x24: {  	p0 =	sne.s32 s0, $0x0;
	_ =	strace $0x90000047  }
0x25: {  	s0 =	sadd.s32 @!p0 $0x100000, s1;
	[bflag:$0x2] =	sbarrier.arrive $0xFFFF  }
0x26: {  	[sflag:s0] =	ssyncadd.tile.s32 @!p0 $0x1;
	_ =	shalt  }
.Lfunc_end2:
_tile_overlayer_lowered:
.L_overlay_start_2:
0x27: {  	(tag) =	ssettag $0x2  }
0x28: {  	s0 =	rddreg [dreg:$0x0];
	s2 =	stileid.u32  }
0x29: {  	s1 =	rddreg [dreg:$0x1];
	p0 =	sne.s32 s2, $0x0  }
0x2a: {  	s3 =	rddreg [dreg:$0x2];
	[bflag:$0x3] =	sbarrier.arrive $0xFFFF;
	s2 =	simm.s32 @!p0 $0x1C01  }
0x2b: {  	[timem:s3], [sflag:s2] =	dma.local @!p0 [hbm:s0], s1  }
0x2c: {  	s0 =	simm.s32 @!p0 $0x1  }
0x2d: {  	_ =	swait.ge @!p0 [sflag:s0], s1  }
0x2e: {  	s1 =	ssub.s32 @!p0 $0x0, s1;
	[sflag:s0] =	ssyncset.done @!p0 $0x0  }
0x2f: {  	[sflag:s0] =	ssyncadd.s32 @!p0 s1  }
0x30: {  	[bflag:$0x3] =	sbarrier.arrive $0xFFFF  }
0x31: {  	_ =	shalt  }

// kernel: kernel.9.cloned.1.call-start
scs
__scs_entry_jumppad:
0x0: {  	(pc) =	sbr.rel $0x88, $3  }
0x1: {  	(tag) =	ssettag $0x0;
	lr =	simm.s32 $0x1  }
0x2: {  	[smem:$0x3F9D] =	sst lr;
	_ =	strace $0xD0000000  }
0x3: {  	_ = 	snop  }
0x4: {  	_ = 	snop  }
0x5: {  	_ = 	snop  }
0x6: {  	_ = 	snop  }
0x7: {  	_ = 	snop  }
__scs_overlays_trampoline_lowered:
0x8: {  	[smem:$0x3FAC] =	sst s0  }
0x9: {  	[smem:$0x3FAD] =	sst s1  }
0xa: {  	[smem:$0x3FAE] =	sst s2  }
0xb: {  	[smem:$0x3FAF] =	sst s3  }
0xc: {  	[smem:$0x3FB0] =	sst s4  }
0xd: {  	[smem:$0x3FB1] =	sst s5  }
0xe: {  	[smem:$0x3FB2] =	sst s6  }
0xf: {  	[smem:$0x3FB3] =	sst s7  }
0x10: {  	[smem:$0x3FB4] =	sst s8  }
0x11: {  	[smem:$0x3FB5] =	sst s9;
	s0 =	simm.s32 @!p0 $0x0  }
0x12: {  	s1 =	sld [smem:$0x3F9B];
	s0 =	simm.s32 @p0 $0x1  }
0x13: {  	[smem:$0x3FB6] =	sst s0;
	s0 =	simm.s32 @!p1 $0x0  }
0x14: {  	s2 =	sld [smem:$0x3F9A];
	s0 =	simm.s32 @p1 $0x1  }
0x15: {  	[smem:$0x3FB7] =	sst s0;
	s0 =	simm.s32 @!p2 $0x0  }
0x16: {  	s3 =	sld [smem:$0x3FDB];
	s0 =	simm.s32 @p2 $0x1  }
0x17: {  	s4 =	simm.s32 $0x1BF5;
	[smem:$0x3FB9] =	sst s0  }
0x18: {  	s0 =	sld [smem:$0x3F9C];
	_ =	swait.ge [sflag:s4], $0x0  }
0x19: {  	s7 =	sld [smem:$0x3F9D]  }
0x1a: {  	s8 =	sadd.s32 $0xFFFFE003, lr  }
0x1b: {  	s9 =	sadd.s32 $0xFFFFFEF7, lr;
	s5 =	simm.s32 $0xFFFFFFFF;
	p2 =	slt.u32 s8, $0xFFFFF086  }
0x1c: {  	p1 =	slt.u32 s9, $0xF7A;
	s5 =	simm.s32 @!p2 $0x0  }
0x1d: {  	s5 =	simm.s32 @p1 $0x1;
	p0 =	seq.s32 s7, s2  }
0x1e: {  	s7 =	smul.u32 @!p0 $0xF7A, s2;
	p2 =	seq.s32 @!p0 s5, $0x0  }
0x1f: {  	s9 =	smul.u32 $0xF7A, s1;
	s8 =	simm.s32 @!p0 $0x1BF5;
	p2 =	por !p2, p0  }
0x20: {  	[sflag:s8] =	ssyncset.s32 @!p0 $0xFFFFF086;
	s6 =	sadd.s32 @!p0 s3, s7;
	s7 =	simm.s32 @!p0 $0x108  }
0x21: {  	s3 =	sadd.s32 s3, s9;
	s6 =	sadd.s32 @!p0 $0x88, s6;
	s7 =	simm.s32 @p2 $0x1082  }
0x22: {  	[simem:s7], [sflag:s8] =	dma.local @!p0 [hbm:s6], $0xF7A  }
0x23: {  	s9 =	sor.u32 $0xD0000000, s2;
	s6 =	simm.s32 $0x108;
	_ =	swait.ge @!p0 [sflag:s8], $0x0  }
0x24: {  	s3 =	sadd.s32 $0x88, s3;
	s6 =	simm.s32 @!p1 $0x1082;
	[sflag:s4] =	ssyncset.s32 $0xFFFFF086  }
0x25: {  	[simem:s6], [sflag:s4] =	dma.local [hbm:s3], $0xF7A  }
0x26: {  	[smem:$0x3F9D] =	sst s1;
	(tag) =	ssettag s2;
	_ =	strace s9  }
0x27: {  	s1 =	sld [smem:$0x3FAD]  }
0x28: {  	s2 =	sld [smem:$0x3FAE]  }
0x29: {  	s4 =	sld [smem:$0x3FB0]  }
0x2a: {  	p0 =	seq.s32 s5, $0x0;
	s5 =	sld [smem:$0x3FB1]  }
0x2b: {  	s6 =	sld [smem:$0x3FB2]  }
0x2c: {  	s7 =	sld [smem:$0x3FB3]  }
0x2d: {  	s3 =	simm.s32 $0x108;
	s8 =	sld [smem:$0x3FB4]  }
0x2e: {  	s3 =	simm.s32 @!p0 $0x1082;
	s9 =	sld [smem:$0x3FB5]  }
0x2f: {  	lr =	sadd.s32 s0, s3;
	s0 =	sld [smem:$0x3FAC]  }
0x30: {  	s3 =	sld [smem:$0x3FAF]  }
0x31: {  	[smem:$0x3FB8] =	sst s10  }
0x32: {  	s10 =	sld [smem:$0x3FB6];
	_ =	sdelay $0x3  }
0x33: {  	p0 =	seq.s32 s10, $0x1;
	s10 =	sld [smem:$0x3FB8];
	_ =	sdelay $0x3  }
0x34: {  	[smem:$0x3FB8] =	sst s10  }
0x35: {  	s10 =	sld [smem:$0x3FB7];
	_ =	sdelay $0x3  }
0x36: {  	p1 =	seq.s32 s10, $0x1;
	s10 =	sld [smem:$0x3FB8];
	_ =	sdelay $0x3  }
0x37: {  	[smem:$0x3FB8] =	sst s10  }
0x38: {  	s10 =	sld [smem:$0x3FB9]  }
0x39: {  	_ = 	snop;
	(pc) =	sbr.ind lr, $3  }
0x3a: {  	_ = 	snop  }
0x3b: {  	_ = 	snop  }
0x3c: {  	p2 =	seq.s32 s10, $0x1;
	s10 =	sld [smem:$0x3FB8]  }
0x3d: {  	_ =	shalt  }
0x3e: {  	_ =	shalt  }
0x3f: {  	_ =	shalt  }
0x40: {  	_ =	shalt  }
0x41: {  	_ =	shalt  }
0x42: {  	_ =	shalt  }
0x43: {  	_ =	shalt  }
0x44: {  	_ =	shalt  }
0x45: {  	_ =	shalt  }
0x46: {  	_ =	shalt  }
0x47: {  	_ =	shalt  }
0x48: {  	_ =	shalt  }
0x49: {  	_ =	shalt  }
0x4a: {  	_ =	shalt  }
0x4b: {  	_ =	shalt  }
0x4c: {  	_ =	shalt  }
0x4d: {  	_ =	shalt  }
0x4e: {  	_ =	shalt  }
0x4f: {  	_ =	shalt  }
0x50: {  	_ =	shalt  }
0x51: {  	_ =	shalt  }
0x52: {  	_ =	shalt  }
0x53: {  	_ =	shalt  }
0x54: {  	_ =	shalt  }
0x55: {  	_ =	shalt  }
0x56: {  	_ =	shalt  }
0x57: {  	_ =	shalt  }
0x58: {  	_ =	shalt  }
0x59: {  	_ =	shalt  }
0x5a: {  	_ =	shalt  }
0x5b: {  	_ =	shalt  }
0x5c: {  	_ =	shalt  }
0x5d: {  	_ =	shalt  }
0x5e: {  	_ =	shalt  }
0x5f: {  	_ =	shalt  }
0x60: {  	_ =	shalt  }
0x61: {  	_ =	shalt  }
0x62: {  	_ =	shalt  }
0x63: {  	_ =	shalt  }
0x64: {  	_ =	shalt  }
0x65: {  	_ =	shalt  }
0x66: {  	_ =	shalt  }
0x67: {  	_ =	shalt  }
0x68: {  	_ =	shalt  }
0x69: {  	_ =	shalt  }
0x6a: {  	_ =	shalt  }
0x6b: {  	_ =	shalt  }
0x6c: {  	_ =	shalt  }
0x6d: {  	_ =	shalt  }
0x6e: {  	_ =	shalt  }
0x6f: {  	_ =	shalt  }
0x70: {  	_ =	shalt  }
0x71: {  	_ =	shalt  }
0x72: {  	_ =	shalt  }
0x73: {  	_ =	shalt  }
0x74: {  	_ =	shalt  }
0x75: {  	_ =	shalt  }
0x76: {  	_ =	shalt  }
0x77: {  	_ =	shalt  }
0x78: {  	_ =	shalt  }
0x79: {  	_ =	shalt  }
0x7a: {  	_ =	shalt  }
0x7b: {  	_ =	shalt  }
0x7c: {  	_ =	shalt  }
0x7d: {  	_ =	shalt  }
0x7e: {  	_ =	shalt  }
0x7f: {  	_ =	shalt  }
0x80: {  	_ =	shalt  }
0x81: {  	_ =	shalt  }
0x82: {  	_ =	shalt  }
0x83: {  	_ =	shalt  }
0x84: {  	_ =	shalt  }
0x85: {  	_ =	shalt  }
0x86: {  	_ =	shalt  }
0x87: {  	_ =	shalt  }
.Lfunc_end0:
.L_simem_size_0:
called_computation.1_lowered:
.L_overlay_start_0:
0x88: {  	s2 =	sld [smem:$0x3FD9]  }
0x89: {  	s3 =	sld [smem:$0x3FFE];
	_ =	sdelay $0x1  }
0x8a: {  	s1 =	srdreg.scid  }
0x8b: {  	s0 =	sand.u32 $0x1, s1  }
0x8c: {  	s17 =	sshll.u32 s0, $0xA;
	s2 =	sadd.s32 s3, s2  }
0x8d: {  	s2 =	sadd.s32 s2, s17  }
0x8e: {  	[smem:$0x3FC4] =	sst s2  }
0x8f: {  	_ = 	snop  }
0x90: {  	s2 =	sld [smem:$0x3FD0];
	(tm) =	ssettm $0x1  }
0x91: {  	s18 =	sld [smem:$0x3FFB];
	_ =	sdelay $0x3  }
0x92: {  	_ =	strace s18  }
0x93: {  	s3 =	sld [smem:$0x3FFC];
	_ =	sdelay $0x3  }
0x94: {  	_ =	strace s3  }
0x95: {  	s3 =	sld [smem:$0x3FFD];
	_ =	sdelay $0x3  }
0x96: {  	_ =	strace s3  }
0x97: {  	_ =	strace $0x8FFFFFFF  }
0x98: {  	s19 =	sld [smem:$0x3FDB];
	_ =	sdelay $0x1  }
0x99: {  	s4 =	simm.s32 $_scs_section_size  }
0x9a: {  	s5 =	simm.s32 $_size__tile_overlayer_lowered;
	s6 =	simm.s32 $_tile_overlayer_lowered  }
0x9b: {  	s22 =	simm.s32 $0x1BFF;
	s21 =	sshll.u32 s6, $0x1;
	s3 =	sadd.s32 s4, s19  }
0x9c: {  	s7 =	simm.s32 $0x0;
	s20 =	sshll.u32 s5, $0x1;
	s5 =	sadd.s32 s21, s3  }
0x9d: {  	[timem:s7], [sflag:s22] =	dma.local [hbm:s5], s20  }
0x9e: {  	_ =	swait.ge [sflag:s22], s20  }
0x9f: {  	s4 =	ssub.s32 $0x0, s20;
	[sflag:s22] =	ssyncset.done $0x0  }
0xa0: {  	[sflag:s22] =	ssyncadd.s32 s4;
	_ =	sdelay $0x1  }
0xa1: {  	s23 =	simm.s32 $0x1B8B  }
0xa2: {  	_ =	swait.ge [sflag:s23], $0x1  }
0xa3: {  	[sflag:s23] =	ssyncset.done $0x0  }
0xa4: {  	s25 =	simm.s32 $0x1B8E;
	s24 =	sld [smem:$0x3FFE];
	[sflag:s23] =	ssyncadd.s32 $0xFFFFFFFF  }
0xa5: {  	s26 =	simm.s32 $execute0_lowered;
	[smem:$0x3FD2] =	sst s25  }
0xa6: {  	s5 =	sshll.u32 s26, $0x1;
	_ =	strace $0x80000049;
	[dreg:$0x1] =	wrdreg $0xFFFFFFFF  }
0xa7: {  	s28 =	simm.s32 $_size_execute0_lowered;
	s3 =	sadd.s32 s3, s5;
	[dreg:$0x0] =	wrdreg $0x0  }
0xa8: {  	s5 =	sshll.u32 s28, $0x1;
	[dreg:$0x2] =	wrdreg s3  }
0xa9: {  	[dreg:$0x3] =	wrdreg s5  }
0xaa: {  	[dreg:$0x4] =	wrdreg $0xC0  }
0xab: {  	_ =	task [dreg:s7], $0x5FFFF  }
0xac: {  	[dreg:$0x1] =	wrdreg $0xFFFFFFFF  }
0xad: {  	[dreg:$0x0] =	wrdreg $0x60  }
0xae: {  	[dreg:$0x2] =	wrdreg s24  }
0xaf: {  	[dreg:$0x3] =	wrdreg s2  }
0xb0: {  	[dreg:$0x4] =	wrdreg $0x0  }
0xb1: {  	[dreg:$0x5] =	wrdreg $0x9  }
0xb2: {  	_ =	task.clear_ibuf [dreg:s7], $0x6FFFF;
	_ =	strace $0x90000049  }
0xb3: {  	s29 =	simm.s32 $0x9;
	_ =	strace $0x8000004B  }
0xb4: {  	_ =	swait.ge [sflag:s29], $0x1  }
0xb5: {  	[sflag:s29] =	ssyncadd.s32 $0xFFFFFFFF  }
0xb6: {  	_ =	strace $0x9000004B  }
0xb7: {  	_ =	sfence  }
0xb8: {  	s30 =	sld [smem:$0x0];
	_ =	sdelay $0x2  }
0xb9: {  	s31 =	sshll.u32 s1, $0xD;
	s1 =	sshrl.u32 s1, $0x2  }
0xba: {  	s3 =	sand.u32 $0x4000, s31;
	s1 =	sadd.s32 s1, s30  }
0xbb: {  	s0 =	sor.u32 s3, s0;
	s1 =	sshll.u32 s1, $0x11  }
0xbc: {  	s0 =	sor.u32 s1, s0  }
0xbd: {  	s0 =	sadd.s32 $0x8F2B, s0  }
0xbe: {  	[sflag:s0] =	ssyncadd.remote.s32 $0x1  }
0xbf: {  	_ =	sfence.sel $0xFFFF  }
0xc0: {  	[dreg:$0x0] =	wrdreg $0xFFFFFFFF;
	(pc) =	sbr.abs _section_cstart, $3  }
0xc1: {  	[dreg:$0x1] =	wrdreg $0xFFFFFFFF  }
0xc2: {  	_ =	task.clear_ibuf [dreg:s7], $0x2FFFF;
	_ =	strace $0x9FFFFFFF  }
0xc3: {  	(tm) =	ssettm $0x7FFFFFFF  }
tec
execute0_lowered:
.L_overlay_start_1:
0x0: {  	(tag) =	ssettag $0x1  }
0x1: {  	s2 =	rddreg [dreg:$0x0]  }
0x2: {  	s1 =	rddreg [dreg:$0x1]  }
0x3: {  	s3 =	rddreg [dreg:$0x2]  }
0x4: {  	s0 =	srdreg.scid;
	s4 =	simm.s32 $0x0;
	s20 =	stileid.u32  }
0x5: {  	s21 =	simm.s32 $0x16C80;
	s23 =	simm.s32 $0x16D00;
	s24 =	simm.s32 $0x16D80  }
0x6: {  	s29 =	simm.s32 $0x5;
	s28 =	simm.s32 $0x6;
	[smem:$0x7FF] =	sst s4  }
0x7: {  	s14 =	sand.u32 $0x1, s0;
	_ =	strace $0x8000004A;
	[dreg:$0x4] =	wrdreg s21  }
0x8: {  	s15 =	smul.u32 $0x14000, s20;
	s16 =	sadd.s32 $0x48C00, s2;
	[dreg:$0x5] =	wrdreg s23  }
0x9: {  	s0 =	ssub.s32 $0x2, s14;
	s17 =	smul.u32 $0x140000, s14;
	[dreg:$0x6] =	wrdreg s24  }
0xa: {  	s21 =	simm.s32 $0x16F00;
	s24 =	simm.s32 $0x17080;
	s5 =	sshrl.u32 s0, $0x1  }
0xb: {  	s6 =	sadd.s32 $0x4000, s15;
	s7 =	sadd.s32 $0x6000, s15;
	s8 =	sadd.s32 $0x8000, s15  }
0xc: {  	s13 =	sadd.s32 $0xA000, s15;
	s9 =	sadd.s32 $0xC000, s15;
	s10 =	sadd.s32 $0xE000, s15  }
0xd: {  	s11 =	sadd.s32 $0x10000, s15;
	s12 =	sadd.s32 $0x12000, s15;
	[dreg:$0x9] =	wrdreg s21  }
0xe: {  	[dreg:$0xb] =	wrdreg s24;
	s24 =	sshll.u32 s14, $0x4;
	s0 =	ssub.s32 s0, s5  }
0xf: {  	s5 =	sor.u32 $0x2000, s15;
	s15 =	sadd.s32 s15, s17;
	s19 =	sadd.s32 s17, s6  }
0x10: {  	s22 =	sadd.s32 s17, s7;
	s31 =	sadd.s32 s8, s3;
	s15 =	sshrl.u32 s15, $0x3  }
0x11: {  	s18 =	sadd.s32 s17, s5;
	s0 =	smax.u32 s0, $0x1;
	[smem:$0x7FD] =	sst s31  }
0x12: {  	s26 =	sshrl.u32 s19, $0x3;
	s15 =	sadd.s32 s16, s15;
	[smem:$0x7F8] =	sst s0  }
0x13: {  	s25 =	sshrl.u32 s18, $0x3;
	s19 =	sadd.s32 s16, s26;
	[dreg:$0x12] =	wrdreg s15  }
0x14: {  	s18 =	sshrl.u32 s22, $0x3;
	s22 =	simm.s32 $0x16F80;
	[dreg:$0x14] =	wrdreg s19  }
0x15: {  	s26 =	sadd.s32 s17, s8;
	s8 =	sadd.s32 s13, s3;
	[dreg:$0xa] =	wrdreg s22  }
0x16: {  	s14 =	smul.u32 $0x58000, s14;
	s15 =	sadd.s32 s16, s25;
	[smem:$0x7F3] =	sst s8  }
0x17: {  	s23 =	sadd.s32 s17, s13;
	s18 =	sadd.s32 s16, s18;
	[dreg:$0x13] =	wrdreg s15  }
0x18: {  	s30 =	sadd.s32 s7, s3;
	s25 =	simm.s32 $0x16E00;
	[dreg:$0x15] =	wrdreg s18  }
0x19: {  	s7 =	simm.s32 $0x16C00;
	s19 =	simm.s32 $0x16E80;
	[dreg:$0x7] =	wrdreg s25  }
0x1a: {  	s8 =	simm.s32 $0x17000;
	s18 =	sshrl.u32 s26, $0x3;
	[dreg:$0x8] =	wrdreg s19  }
0x1b: {  	s25 =	sadd.s32 s17, s9;
	s26 =	sadd.s32 s17, s10;
	s19 =	sadd.s32 s17, s11  }
0x1c: {  	s17 =	sadd.s32 s17, s12;
	s18 =	sadd.s32 s16, s18;
	s15 =	sshrl.u32 s25, $0x3  }
0x1d: {  	s21 =	sshrl.u32 s19, $0x3;
	s25 =	simm.s32 $0x17180;
	[dreg:$0x16] =	wrdreg s18  }
0x1e: {  	s22 =	sshrl.u32 s17, $0x3;
	s17 =	sadd.s32 s10, s3;
	[dreg:$0xd] =	wrdreg s25  }
0x1f: {  	s19 =	smul.u32 $0x5800, s20;
	s15 =	sadd.s32 s16, s15;
	[smem:$0x7F5] =	sst s17  }
0x20: {  	s18 =	sshrl.u32 s23, $0x3;
	s23 =	simm.s32 $0x17100;
	[dreg:$0x18] =	wrdreg s15  }
0x21: {  	s10 =	simm.s32 $0x19400;
	s18 =	sadd.s32 s16, s18;
	[dreg:$0xc] =	wrdreg s23  }
0x22: {  	s23 =	simm.s32 $0x17300;
	s14 =	sadd.s32 s19, s14;
	[dreg:$0x17] =	wrdreg s18  }
0x23: {  	s19 =	sadd.s32 s12, s3;
	s18 =	sshrl.u32 s26, $0x3;
	[dreg:$0x10] =	wrdreg s23  }
0x24: {  	s17 =	simm.s32 $0x7;
	[smem:$0x7F7] =	sst s19;
	s15 =	sadd.s32 s16, s18  }
0x25: {  	s12 =	simm.s32 $0x1;
	s18 =	simm.s32 $0x17200;
	[dreg:$0x19] =	wrdreg s15  }
0x26: {  	s19 =	simm.s32 $0xA;
	s15 =	sadd.s32 s16, s21;
	[dreg:$0xe] =	wrdreg s18  }
0x27: {  	s21 =	simm.s32 $0x17280;
	[dreg:$0x1a] =	wrdreg s15;
	s15 =	sadd.s32 s16, s22  }
0x28: {  	s16 =	sor.u32 s20, s24;
	[dreg:$0xf] =	wrdreg s21;
	s22 =	smul.u32 $0x50000, s20  }
0x29: {  	s24 =	simm.s32 $0x17380;
	s20 =	sadd.s32 $0xC00, s14;
	[dreg:$0x1b] =	wrdreg s15  }
0x2a: {  	s26 =	smul.u32 $0x580, s16;
	[dreg:$0x11] =	wrdreg s24;
	s15 =	sadd.s32 $0x20C00, s2  }
0x2b: {  	s13 =	smul.u32 $0x5800, s16;
	s16 =	sadd.s32 s9, s3;
	s21 =	sshrl.u32 s20, $0x3  }
0x2c: {  	s9 =	simm.s32 $0x40;
	s20 =	simm.s32 $0x0;
	s18 =	sshrl.u32 s22, $0x2  }
0x2d: {  	[smem:$0x7F4] =	sst s16;
	s0 =	sadd.s32 s21, s1;
	s22 =	sadd.s32 $0x800, s14  }
0x2e: {  	s14 =	simm.s32 $0x2;
	s16 =	simm.s32 $0x1D400;
	[smem:$0x7F9] =	sst s0  }
0x2f: {  	s24 =	sadd.s32 s18, s3;
	s18 =	sadd.s32 s11, s3;
	[smem:$0x7FA] =	sst s22  }
0x30: {  	s25 =	sadd.s32 s26, s2;
	s2 =	sshrl.u32 s13, $0x3;
	[smem:$0x7F6] =	sst s18  }
0x31: {  	s11 =	simm.s32 $0x9;
	s26 =	sadd.s32 $0x15C00, s25;
	[dreg:$0x1d] =	wrdreg s24  }
0x32: {  	s13 =	simm.s32 $0x1B400;
	s2 =	sadd.s32 s1, s2;
	[dreg:$0x1c] =	wrdreg s26  }
0x33: {  	s0 =	simm.s32 $0x4;
	s25 =	sadd.s32 s5, s3;
	[smem:$0x7FB] =	sst s2  }
0x34: {  	s5 =	simm.s32 $0xB;
	s23 =	sadd.s32 $0x80, s2;
	[dreg:$0x1e] =	wrdreg s25  }
0x35: {  	s18 =	simm.s32 $0x8;
	s26 =	sadd.s32 s6, s3;
	[smem:$0x7FC] =	sst s23  }
0x36: {  	v0 =	vimm.f32 $0.0e+00;
	s6 =	simm.s32 $0x17400;
	s2 =	simm.s32 $0x3;
	[dreg:$0x1f] =	wrdreg s26  }
.LBB2_1:
0x37: {  	s21 =	rddreg [dreg:$0x1c];
	s22 =	simm.s32 $0x14000  }
0x38: {  	[tilespmem:s22], [sflag:$0xB] =	stream.linear.gather [hbm4b:s21+s4], $0x2900, $0x38;
	[tilespmem:$0x1F400] =	vst v63  }
0x39: {  	_ =	swait.ge [sflag:s5], $0x2900  }
0x3a: {  	[sflag:s5] =	ssyncset.done $0x0  }
0x3b: {  	s21 =	simm.s32 $0x0;
	s22 =	simm.s32 $0x200;
	[sflag:s5] =	ssyncadd.s32 $0xFFFFD700  }
.LBB2_2:
0x3c: {  	p0 =	sne.s32 s22, $0x7E00;
	[tilespmem:s21+$0x17470] =	vst v0  }
0x3d: {  	[tilespmem:s21+$0x17400] =	vst v0  }
0x3e: {  	[tilespmem:s21+$0x17410] =	vst v0  }
.Ltmp0:
0x3f: {  	[tilespmem:s21+$0x17420] =	vst v0;
	(pc) =	sbr.rel @p0 .LBB2_2-.Ltmp0, $4  }
0x40: {  	[tilespmem:s21+$0x17430] =	vst v0  }
0x41: {  	[tilespmem:s21+$0x17440] =	vst v0  }
0x42: {  	[tilespmem:s21+$0x17450] =	vst v0  }
0x43: {  	[tilespmem:s21+$0x17460] =	vst v0;
	s21 =	sshra.s32 s22, $0x2;
	s22 =	sadd.s32 $0x200, s22  }
0x44: {  	[tilespmem:s21+$0x17470] =	vst v0  }
0x45: {  	[tilespmem:s21+$0x17400] =	vst v0  }
0x46: {  	[tilespmem:s21+$0x17410] =	vst v0  }
0x47: {  	[tilespmem:s21+$0x17420] =	vst v0  }
0x48: {  	[tilespmem:s21+$0x17430] =	vst v0  }
0x49: {  	[tilespmem:s21+$0x17440] =	vst v0  }
0x4a: {  	[tilespmem:s21+$0x17450] =	vst v0  }
0x4b: {  	[tilespmem:s21+$0x17460] =	vst v0  }
0x4c: {  	[spmem:s24] =	stream.linear.scatter [tilespmem:s6], [sflag:$0xB], $0x2000, $0x38;
	[tilespmem:$0x1F400] =	vst v63  }
0x4d: {  	_ =	swait.ge [sflag:s5], $0x2000  }
0x4e: {  	[sflag:s5] =	ssyncset.done $0x0  }
0x4f: {  	[sflag:s5] =	ssyncadd.s32 $0xFFFFE000  }
0x50: {  	[spmem:s25] =	stream.linear.scatter [tilespmem:s6], [sflag:$0xB], $0x2000, $0x38;
	[tilespmem:$0x1F400] =	vst v63  }
0x51: {  	_ =	swait.ge [sflag:s5], $0x2000  }
0x52: {  	[sflag:s5] =	ssyncset.done $0x0  }
0x53: {  	[sflag:s5] =	ssyncadd.s32 $0xFFFFE000  }
0x54: {  	[spmem:s26] =	stream.linear.scatter [tilespmem:s6], [sflag:$0xB], $0x2000, $0x38;
	[tilespmem:$0x1F400] =	vst v63  }
0x55: {  	_ =	swait.ge [sflag:s5], $0x2000  }
0x56: {  	[sflag:s5] =	ssyncset.done $0x0  }
0x57: {  	[sflag:s5] =	ssyncadd.s32 $0xFFFFE000  }
0x58: {  	[spmem:s30] =	stream.linear.scatter [tilespmem:s6], [sflag:$0xB], $0x2000, $0x38;
	[tilespmem:$0x1F400] =	vst v63  }
0x59: {  	_ =	swait.ge [sflag:s5], $0x2000  }
0x5a: {  	[sflag:s5] =	ssyncset.done $0x0  }
0x5b: {  	[sflag:s5] =	ssyncadd.s32 $0xFFFFE000  }
0x5c: {  	[spmem:s31] =	stream.linear.scatter [tilespmem:s6], [sflag:$0xB], $0x2000, $0x38;
	[tilespmem:$0x1F400] =	vst v63  }
0x5d: {  	_ =	swait.ge [sflag:s5], $0x2000  }
0x5e: {  	s24 =	sld [smem:$0x7F3]  }
0x5f: {  	[sflag:s5] =	ssyncset.done $0x0  }
0x60: {  	[sflag:s5] =	ssyncadd.s32 $0xFFFFE000  }
0x61: {  	[spmem:s24] =	stream.linear.scatter [tilespmem:s6], [sflag:$0xB], $0x2000, $0x38;
	[tilespmem:$0x1F400] =	vst v63  }
0x62: {  	_ =	swait.ge [sflag:s5], $0x2000  }
0x63: {  	s25 =	sld [smem:$0x7F4]  }
0x64: {  	[sflag:s5] =	ssyncset.done $0x0  }
0x65: {  	[sflag:s5] =	ssyncadd.s32 $0xFFFFE000  }
0x66: {  	[spmem:s25] =	stream.linear.scatter [tilespmem:s6], [sflag:$0xB], $0x2000, $0x38;
	[tilespmem:$0x1F400] =	vst v63  }
0x67: {  	_ =	swait.ge [sflag:s5], $0x2000  }
0x68: {  	s26 =	sld [smem:$0x7F5]  }
0x69: {  	[sflag:s5] =	ssyncset.done $0x0  }
0x6a: {  	[sflag:s5] =	ssyncadd.s32 $0xFFFFE000  }
0x6b: {  	[spmem:s26] =	stream.linear.scatter [tilespmem:s6], [sflag:$0xB], $0x2000, $0x38;
	[tilespmem:$0x1F400] =	vst v63  }
0x6c: {  	_ =	swait.ge [sflag:s5], $0x2000  }
0x6d: {  	s22 =	sld [smem:$0x7F6]  }
0x6e: {  	[sflag:s5] =	ssyncset.done $0x0  }
0x6f: {  	[sflag:s5] =	ssyncadd.s32 $0xFFFFE000  }
0x70: {  	[spmem:s22] =	stream.linear.scatter [tilespmem:s6], [sflag:$0xB], $0x2000, $0x38;
	[tilespmem:$0x1F400] =	vst v63  }
0x71: {  	_ =	swait.ge [sflag:s5], $0x2000  }
0x72: {  	s24 =	sld [smem:$0x7F7]  }
0x73: {  	[sflag:s5] =	ssyncset.done $0x0  }
0x74: {  	[sflag:s5] =	ssyncadd.s32 $0xFFFFE000  }
0x75: {  	[spmem:s24] =	stream.linear.scatter [tilespmem:s6], [sflag:$0xB], $0x2000, $0x38;
	[tilespmem:$0x1F400] =	vst v63  }
0x76: {  	_ =	swait.ge [sflag:s5], $0x2000  }
0x77: {  	[sflag:s5] =	ssyncset.done $0x0  }
0x78: {  	[sflag:s5] =	ssyncadd.s32 $0xFFFFE000  }
0x79: {  	[bflag:$0x0] =	sbarrier.arrive $0xFFFF  }
0x7a: {  	s22 =	sld [smem:$0x7FB];
	_ =	sdelay $0x1  }
0x7b: {  	s25 =	simm.s32 $0x0;
	s26 =	sld [smem:$0x7FC]  }
0x7c: {  	[tilespmem:s7], [sflag:$0x9] =	stream.linear.gather [hbm4b:s22+s25], $0x400, $0x38;
	[tilespmem:$0x1F400] =	vst v63  }
0x7d: {  	_ = 	snop  }
0x7e: {  	[tilespmem:s8], [sflag:$0xA] =	stream.linear.gather [hbm4b:s26+s25], $0x400, $0x38;
	[tilespmem:$0x1F400] =	vst v63  }
0x7f: {  	s24 =	simm.s32 $0x14000  }
0x80: {  	[tilespmem:s6], [sflag:$0x1] =	stream.indirect.gather [hbm4b:s15+s9], $0x80, s24, s9, $0xb8;
	[tilespmem:$0x1F400] =	vst v63  }
0x81: {  	s25 =	simm.s32 $0x14040  }
0x82: {  	[tilespmem:s10], [sflag:$0x2] =	stream.indirect.gather [hbm4b:s15+s9], $0x80, s25, s9, $0xb8;
	[tilespmem:$0x1F400] =	vst v63  }
0x83: {  	_ =	swait.ge [sflag:s11], $0x400  }
0x84: {  	[sflag:s11] =	ssyncset.done $0x0  }
0x85: {  	[sflag:s11] =	ssyncadd.s32 $0xFFFFFC00  }
0x86: {  	_ =	swait.ge [sflag:s12], $0x2000  }
0x87: {  	p0 =	por $0x1, $0x1;
	[sflag:s12] =	ssyncset.done $0x0  }
0x88: {  	s21 =	simm.s32 @!p0 $0x7;
	[sflag:s12] =	ssyncadd.s32 $0xFFFFE000  }
0x89: {  	[spmem:s3] =	stream.indirect.scatter.add.f32 [tilespmem:s6], [sflag:$0x5], $0x80, s7, s9, $0xb8;
	[tilespmem:$0x1F400] =	vst v63  }
0x8a: {  	_ =	swait.ge @!p0 [sflag:s21], $0x2000  }
0x8b: {  	[sflag:s21] =	ssyncset.done @!p0 $0x0  }
0x8c: {  	s26 =	simm.s32 $0x14080;
	[sflag:s21] =	ssyncadd.s32 @!p0 $0xFFFFE000  }
0x8d: {  	[tilespmem:s13], [sflag:$0x3] =	stream.indirect.gather [hbm4b:s15+s9], $0x80, s26, s9, $0xb8;
	[tilespmem:$0x1F400] =	vst v63  }
0x8e: {  	_ =	swait.ge [sflag:s14], $0x2000  }
0x8f: {  	[sflag:s14] =	ssyncset.done $0x0  }
0x90: {  	s22 =	simm.s32 @!p0 $0x8;
	s24 =	rddreg [dreg:$0x4];
	[sflag:s14] =	ssyncadd.s32 $0xFFFFE000  }
0x91: {  	[spmem:s3] =	stream.indirect.scatter.add.f32 [tilespmem:s10], [sflag:$0x6], $0x80, s24, s9, $0xb8;
	[tilespmem:$0x1F400] =	vst v63  }
0x92: {  	_ =	swait.ge @!p0 [sflag:s22], $0x2000  }
0x93: {  	[sflag:s22] =	ssyncset.done @!p0 $0x0  }
0x94: {  	s25 =	simm.s32 $0x140C0;
	[sflag:s22] =	ssyncadd.s32 @!p0 $0xFFFFE000  }
0x95: {  	[tilespmem:s16], [sflag:$0x4] =	stream.indirect.gather [hbm4b:s15+s9], $0x80, s25, s9, $0xb8;
	[tilespmem:$0x1F400] =	vst v63  }
0x96: {  	_ =	swait.ge [sflag:s2], $0x2000  }
0x97: {  	[sflag:s2] =	ssyncset.done $0x0  }
0x98: {  	s26 =	rddreg [dreg:$0x5];
	[sflag:s2] =	ssyncadd.s32 $0xFFFFE000  }
0x99: {  	[spmem:s3] =	stream.indirect.scatter.add.f32 [tilespmem:s13], [sflag:$0x7], $0x80, s26, s9, $0xb8;
	[tilespmem:$0x1F400] =	vst v63  }
0x9a: {  	_ =	swait.ge [sflag:s29], $0x2000  }
0x9b: {  	[sflag:s29] =	ssyncset.done $0x0  }
0x9c: {  	s22 =	simm.s32 $0x14100;
	[sflag:s29] =	ssyncadd.s32 $0xFFFFE000  }
0x9d: {  	[tilespmem:s6], [sflag:$0x1] =	stream.indirect.gather [hbm4b:s15+s9], $0x80, s22, s9, $0xb8;
	[tilespmem:$0x1F400] =	vst v63  }
0x9e: {  	_ =	swait.ge [sflag:s0], $0x2000  }
0x9f: {  	[sflag:s0] =	ssyncset.done $0x0  }
0xa0: {  	s24 =	rddreg [dreg:$0x6];
	[sflag:s0] =	ssyncadd.s32 $0xFFFFE000  }
0xa1: {  	[spmem:s3] =	stream.indirect.scatter.add.f32 [tilespmem:s16], [sflag:$0x8], $0x80, s24, s9, $0xb8;
	[tilespmem:$0x1F400] =	vst v63  }
0xa2: {  	_ =	swait.ge [sflag:s28], $0x2000  }
0xa3: {  	[sflag:s28] =	ssyncset.done $0x0  }
0xa4: {  	s25 =	simm.s32 $0x14140;
	[sflag:s28] =	ssyncadd.s32 $0xFFFFE000  }
0xa5: {  	[tilespmem:s10], [sflag:$0x2] =	stream.indirect.gather [hbm4b:s15+s9], $0x80, s25, s9, $0xb8;
	[tilespmem:$0x1F400] =	vst v63  }
0xa6: {  	_ =	swait.ge [sflag:s12], $0x2000  }
0xa7: {  	[sflag:s12] =	ssyncset.done $0x0  }
0xa8: {  	s26 =	rddreg [dreg:$0x7];
	[sflag:s12] =	ssyncadd.s32 $0xFFFFE000  }
0xa9: {  	[spmem:s3] =	stream.indirect.scatter.add.f32 [tilespmem:s6], [sflag:$0x5], $0x80, s26, s9, $0xb8;
	[tilespmem:$0x1F400] =	vst v63  }
0xaa: {  	_ =	swait.ge [sflag:s17], $0x2000  }
0xab: {  	[sflag:s17] =	ssyncset.done $0x0  }
0xac: {  	s22 =	simm.s32 $0x14180;
	[sflag:s17] =	ssyncadd.s32 $0xFFFFE000  }
0xad: {  	[tilespmem:s13], [sflag:$0x3] =	stream.indirect.gather [hbm4b:s15+s9], $0x80, s22, s9, $0xb8;
	[tilespmem:$0x1F400] =	vst v63  }
0xae: {  	_ =	swait.ge [sflag:s14], $0x2000  }
0xaf: {  	[sflag:s14] =	ssyncset.done $0x0  }
0xb0: {  	s24 =	rddreg [dreg:$0x8];
	[sflag:s14] =	ssyncadd.s32 $0xFFFFE000  }
0xb1: {  	[spmem:s3] =	stream.indirect.scatter.add.f32 [tilespmem:s10], [sflag:$0x6], $0x80, s24, s9, $0xb8;
	[tilespmem:$0x1F400] =	vst v63  }
0xb2: {  	_ =	swait.ge [sflag:s18], $0x2000  }
0xb3: {  	[sflag:s18] =	ssyncset.done $0x0  }
0xb4: {  	s25 =	simm.s32 $0x141C0;
	[sflag:s18] =	ssyncadd.s32 $0xFFFFE000  }
0xb5: {  	[tilespmem:s16], [sflag:$0x4] =	stream.indirect.gather [hbm4b:s15+s9], $0x80, s25, s9, $0xb8;
	[tilespmem:$0x1F400] =	vst v63  }
0xb6: {  	_ =	swait.ge [sflag:s2], $0x2000  }
0xb7: {  	[sflag:s2] =	ssyncset.done $0x0  }
0xb8: {  	s26 =	rddreg [dreg:$0x9];
	[sflag:s2] =	ssyncadd.s32 $0xFFFFE000  }
0xb9: {  	[spmem:s3] =	stream.indirect.scatter.add.f32 [tilespmem:s13], [sflag:$0x7], $0x80, s26, s9, $0xb8;
	[tilespmem:$0x1F400] =	vst v63  }
0xba: {  	_ =	swait.ge [sflag:s29], $0x2000  }
0xbb: {  	[sflag:s29] =	ssyncset.done $0x0  }
0xbc: {  	s22 =	simm.s32 $0x14200;
	[sflag:s29] =	ssyncadd.s32 $0xFFFFE000  }
0xbd: {  	[tilespmem:s6], [sflag:$0x1] =	stream.indirect.gather [hbm4b:s15+s9], $0x80, s22, s9, $0xb8;
	[tilespmem:$0x1F400] =	vst v63  }
0xbe: {  	_ =	swait.ge [sflag:s0], $0x2000  }
0xbf: {  	[sflag:s0] =	ssyncset.done $0x0  }
0xc0: {  	s24 =	rddreg [dreg:$0xa];
	[sflag:s0] =	ssyncadd.s32 $0xFFFFE000  }
0xc1: {  	[spmem:s3] =	stream.indirect.scatter.add.f32 [tilespmem:s16], [sflag:$0x8], $0x80, s24, s9, $0xb8;
	[tilespmem:$0x1F400] =	vst v63  }
0xc2: {  	_ =	swait.ge [sflag:s28], $0x2000  }
0xc3: {  	[sflag:s28] =	ssyncset.done $0x0;
	s31 =	sld [smem:$0x7FA]  }
0xc4: {  	s25 =	simm.s32 $0x14240;
	[sflag:s28] =	ssyncadd.s32 $0xFFFFE000  }
0xc5: {  	[tilespmem:s10], [sflag:$0x2] =	stream.indirect.gather [hbm4b:s15+s9], $0x80, s25, s9, $0xb8;
	[tilespmem:$0x1F400] =	vst v63  }
0xc6: {  	s26 =	sshrl.u32 s31, $0x3  }
0xc7: {  	s22 =	sadd.s32 s1, s26  }
0xc8: {  	[tilespmem:s7], [sflag:$0x9] =	stream.linear.gather [hbm4b:s22+s4], $0x400, $0x38;
	[tilespmem:$0x1F400] =	vst v63  }
0xc9: {  	_ =	swait.ge [sflag:s19], $0x400  }
0xca: {  	[sflag:s19] =	ssyncset.done $0x0  }
0xcb: {  	[sflag:s19] =	ssyncadd.s32 $0xFFFFFC00  }
0xcc: {  	_ =	swait.ge [sflag:s12], $0x2000  }
0xcd: {  	[sflag:s12] =	ssyncset.done $0x0  }
0xce: {  	[sflag:s12] =	ssyncadd.s32 $0xFFFFE000  }
0xcf: {  	[spmem:s3] =	stream.indirect.scatter.add.f32 [tilespmem:s6], [sflag:$0x5], $0x80, s8, s9, $0xb8;
	[tilespmem:$0x1F400] =	vst v63  }
0xd0: {  	_ =	swait.ge [sflag:s17], $0x2000  }
0xd1: {  	[sflag:s17] =	ssyncset.done $0x0  }
0xd2: {  	s24 =	simm.s32 $0x14280;
	[sflag:s17] =	ssyncadd.s32 $0xFFFFE000  }
0xd3: {  	[tilespmem:s13], [sflag:$0x3] =	stream.indirect.gather [hbm4b:s15+s9], $0x80, s24, s9, $0xb8;
	[tilespmem:$0x1F400] =	vst v63  }
0xd4: {  	_ =	swait.ge [sflag:s14], $0x2000  }
0xd5: {  	[sflag:s14] =	ssyncset.done $0x0  }
0xd6: {  	s25 =	rddreg [dreg:$0xb];
	[sflag:s14] =	ssyncadd.s32 $0xFFFFE000  }
0xd7: {  	[spmem:s3] =	stream.indirect.scatter.add.f32 [tilespmem:s10], [sflag:$0x6], $0x80, s25, s9, $0xb8;
	[tilespmem:$0x1F400] =	vst v63  }
0xd8: {  	_ =	swait.ge [sflag:s18], $0x2000  }
0xd9: {  	[sflag:s18] =	ssyncset.done $0x0  }
0xda: {  	s26 =	simm.s32 $0x142C0;
	[sflag:s18] =	ssyncadd.s32 $0xFFFFE000  }
0xdb: {  	[tilespmem:s16], [sflag:$0x4] =	stream.indirect.gather [hbm4b:s15+s9], $0x80, s26, s9, $0xb8;
	[tilespmem:$0x1F400] =	vst v63  }
0xdc: {  	_ =	swait.ge [sflag:s2], $0x2000  }
0xdd: {  	[sflag:s2] =	ssyncset.done $0x0  }
0xde: {  	s22 =	rddreg [dreg:$0xc];
	[sflag:s2] =	ssyncadd.s32 $0xFFFFE000  }
0xdf: {  	[spmem:s3] =	stream.indirect.scatter.add.f32 [tilespmem:s13], [sflag:$0x7], $0x80, s22, s9, $0xb8;
	[tilespmem:$0x1F400] =	vst v63  }
0xe0: {  	_ =	swait.ge [sflag:s29], $0x2000  }
0xe1: {  	[sflag:s29] =	ssyncset.done $0x0  }
0xe2: {  	s24 =	simm.s32 $0x14300;
	[sflag:s29] =	ssyncadd.s32 $0xFFFFE000  }
0xe3: {  	[tilespmem:s6], [sflag:$0x1] =	stream.indirect.gather [hbm4b:s15+s9], $0x80, s24, s9, $0xb8;
	[tilespmem:$0x1F400] =	vst v63  }
0xe4: {  	_ =	swait.ge [sflag:s0], $0x2000  }
0xe5: {  	[sflag:s0] =	ssyncset.done $0x0  }
0xe6: {  	s25 =	rddreg [dreg:$0xd];
	[sflag:s0] =	ssyncadd.s32 $0xFFFFE000  }
0xe7: {  	[spmem:s3] =	stream.indirect.scatter.add.f32 [tilespmem:s16], [sflag:$0x8], $0x80, s25, s9, $0xb8;
	[tilespmem:$0x1F400] =	vst v63  }
0xe8: {  	_ =	swait.ge [sflag:s28], $0x2000  }
0xe9: {  	[sflag:s28] =	ssyncset.done $0x0  }
0xea: {  	s26 =	simm.s32 $0x14340;
	[sflag:s28] =	ssyncadd.s32 $0xFFFFE000  }
0xeb: {  	[tilespmem:s10], [sflag:$0x2] =	stream.indirect.gather [hbm4b:s15+s9], $0x80, s26, s9, $0xb8;
	[tilespmem:$0x1F400] =	vst v63  }
0xec: {  	_ =	swait.ge [sflag:s12], $0x2000  }
0xed: {  	[sflag:s12] =	ssyncset.done $0x0  }
0xee: {  	s22 =	rddreg [dreg:$0xe];
	[sflag:s12] =	ssyncadd.s32 $0xFFFFE000  }
0xef: {  	[spmem:s3] =	stream.indirect.scatter.add.f32 [tilespmem:s6], [sflag:$0x5], $0x80, s22, s9, $0xb8;
	[tilespmem:$0x1F400] =	vst v63  }
0xf0: {  	_ =	swait.ge [sflag:s17], $0x2000  }
0xf1: {  	[sflag:s17] =	ssyncset.done $0x0  }
0xf2: {  	s24 =	simm.s32 $0x14380;
	[sflag:s17] =	ssyncadd.s32 $0xFFFFE000  }
0xf3: {  	[tilespmem:s13], [sflag:$0x3] =	stream.indirect.gather [hbm4b:s15+s9], $0x80, s24, s9, $0xb8;
	[tilespmem:$0x1F400] =	vst v63  }
0xf4: {  	_ =	swait.ge [sflag:s14], $0x2000  }
0xf5: {  	[sflag:s14] =	ssyncset.done $0x0  }
0xf6: {  	s25 =	rddreg [dreg:$0xf];
	[sflag:s14] =	ssyncadd.s32 $0xFFFFE000  }
0xf7: {  	[spmem:s3] =	stream.indirect.scatter.add.f32 [tilespmem:s10], [sflag:$0x6], $0x80, s25, s9, $0xb8;
	[tilespmem:$0x1F400] =	vst v63  }
0xf8: {  	_ =	swait.ge [sflag:s18], $0x2000  }
0xf9: {  	[sflag:s18] =	ssyncset.done $0x0  }
0xfa: {  	s26 =	simm.s32 $0x143C0;
	[sflag:s18] =	ssyncadd.s32 $0xFFFFE000  }
0xfb: {  	[tilespmem:s16], [sflag:$0x4] =	stream.indirect.gather [hbm4b:s15+s9], $0x80, s26, s9, $0xb8;
	[tilespmem:$0x1F400] =	vst v63  }
0xfc: {  	_ =	swait.ge [sflag:s2], $0x2000  }
0xfd: {  	[sflag:s2] =	ssyncset.done $0x0  }
0xfe: {  	s22 =	rddreg [dreg:$0x10];
	[sflag:s2] =	ssyncadd.s32 $0xFFFFE000  }
0xff: {  	[spmem:s3] =	stream.indirect.scatter.add.f32 [tilespmem:s13], [sflag:$0x7], $0x80, s22, s9, $0xb8;
	[tilespmem:$0x1F400] =	vst v63  }
0x100: {  	_ =	swait.ge [sflag:s29], $0x2000  }
0x101: {  	[sflag:s29] =	ssyncset.done $0x0  }
0x102: {  	s24 =	simm.s32 $0x14400;
	[sflag:s29] =	ssyncadd.s32 $0xFFFFE000  }
0x103: {  	[tilespmem:s6], [sflag:$0x1] =	stream.indirect.gather [hbm4b:s15+s9], $0x80, s24, s9, $0xb8;
	[tilespmem:$0x1F400] =	vst v63  }
0x104: {  	_ =	swait.ge [sflag:s0], $0x2000  }
0x105: {  	[sflag:s0] =	ssyncset.done $0x0  }
0x106: {  	s25 =	rddreg [dreg:$0x11];
	[sflag:s0] =	ssyncadd.s32 $0xFFFFE000  }
0x107: {  	[spmem:s3] =	stream.indirect.scatter.add.f32 [tilespmem:s16], [sflag:$0x8], $0x80, s25, s9, $0xb8;
	[tilespmem:$0x1F400] =	vst v63  }
0x108: {  	_ =	swait.ge [sflag:s28], $0x2000  }
0x109: {  	[sflag:s28] =	ssyncset.done $0x0;
	s22 =	sld [smem:$0x7F9]  }
0x10a: {  	s26 =	simm.s32 $0x14440;
	[sflag:s28] =	ssyncadd.s32 $0xFFFFE000  }
0x10b: {  	[tilespmem:s10], [sflag:$0x2] =	stream.indirect.gather [hbm4b:s15+s9], $0x80, s26, s9, $0xb8;
	[tilespmem:$0x1F400] =	vst v63  }
0x10c: {  	s23 =	smov.u32 s30;
	s21 =	simm.s32 $0x1000;
	s30 =	smov.u32 s22  }
.LBB2_4:
0x10d: {  	[tilespmem:s8], [sflag:$0xA] =	stream.linear.gather [hbm4b:s22+s4], $0x400, $0x38;
	[tilespmem:$0x1F400] =	vst v63  }
0x10e: {  	_ =	swait.ge [sflag:s11], $0x400  }
0x10f: {  	[sflag:s11] =	ssyncset.done $0x0  }
0x110: {  	[sflag:s11] =	ssyncadd.s32 $0xFFFFFC00  }
0x111: {  	s25 =	smov.u32 s21;
	_ =	swait.ge [sflag:s12], $0x2000  }
0x112: {  	p1 =	seq.s32 s25, $0x0;
	[sflag:s12] =	ssyncset.done $0x0  }
0x113: {  	s26 =	simm.s32 @!p1 $0x7;
	[sflag:s12] =	ssyncadd.s32 $0xFFFFE000  }
0x114: {  	[spmem:s3] =	stream.indirect.scatter.add.f32 [tilespmem:s6], [sflag:$0x5], $0x80, s7, s9, $0xb8;
	[tilespmem:$0x1F400] =	vst v63  }
0x115: {  	_ =	swait.ge @!p1 [sflag:s26], $0x2000  }
0x116: {  	s25 =	sshra.s32 s25, $0x2;
	[sflag:s26] =	ssyncset.done @!p1 $0x0  }
0x117: {  	s24 =	sadd.s32 $0x14080, s25;
	[sflag:s26] =	ssyncadd.s32 @!p1 $0xFFFFE000  }
0x118: {  	[tilespmem:s13], [sflag:$0x3] =	stream.indirect.gather [hbm4b:s15+s9], $0x80, s24, s9, $0xb8;
	[tilespmem:$0x1F400] =	vst v63  }
0x119: {  	_ =	swait.ge [sflag:s14], $0x2000  }
0x11a: {  	[sflag:s14] =	ssyncset.done $0x0  }
0x11b: {  	s26 =	simm.s32 @!p1 $0x8;
	s24 =	rddreg [dreg:$0x4];
	[sflag:s14] =	ssyncadd.s32 $0xFFFFE000  }
0x11c: {  	[spmem:s3] =	stream.indirect.scatter.add.f32 [tilespmem:s10], [sflag:$0x6], $0x80, s24, s9, $0xb8;
	[tilespmem:$0x1F400] =	vst v63  }
0x11d: {  	_ =	swait.ge @!p1 [sflag:s26], $0x2000  }
0x11e: {  	[sflag:s26] =	ssyncset.done @!p1 $0x0  }
0x11f: {  	s24 =	sadd.s32 $0x140C0, s25;
	[sflag:s26] =	ssyncadd.s32 @!p1 $0xFFFFE000  }
0x120: {  	[tilespmem:s16], [sflag:$0x4] =	stream.indirect.gather [hbm4b:s15+s9], $0x80, s24, s9, $0xb8;
	[tilespmem:$0x1F400] =	vst v63  }
0x121: {  	_ =	swait.ge [sflag:s2], $0x2000  }
0x122: {  	[sflag:s2] =	ssyncset.done $0x0  }
0x123: {  	s26 =	rddreg [dreg:$0x5];
	[sflag:s2] =	ssyncadd.s32 $0xFFFFE000  }
0x124: {  	[spmem:s3] =	stream.indirect.scatter.add.f32 [tilespmem:s13], [sflag:$0x7], $0x80, s26, s9, $0xb8;
	[tilespmem:$0x1F400] =	vst v63  }
0x125: {  	_ =	swait.ge [sflag:s29], $0x2000  }
0x126: {  	[sflag:s29] =	ssyncset.done $0x0  }
0x127: {  	s26 =	sadd.s32 $0x14100, s25;
	[sflag:s29] =	ssyncadd.s32 $0xFFFFE000  }
0x128: {  	[tilespmem:s6], [sflag:$0x1] =	stream.indirect.gather [hbm4b:s15+s9], $0x80, s26, s9, $0xb8;
	[tilespmem:$0x1F400] =	vst v63  }
0x129: {  	_ =	swait.ge [sflag:s0], $0x2000  }
0x12a: {  	[sflag:s0] =	ssyncset.done $0x0  }
0x12b: {  	s26 =	rddreg [dreg:$0x6];
	[sflag:s0] =	ssyncadd.s32 $0xFFFFE000  }
0x12c: {  	[spmem:s3] =	stream.indirect.scatter.add.f32 [tilespmem:s16], [sflag:$0x8], $0x80, s26, s9, $0xb8;
	[tilespmem:$0x1F400] =	vst v63  }
0x12d: {  	_ =	swait.ge [sflag:s28], $0x2000  }
0x12e: {  	[sflag:s28] =	ssyncset.done $0x0  }
0x12f: {  	s26 =	sadd.s32 $0x14140, s25;
	[sflag:s28] =	ssyncadd.s32 $0xFFFFE000  }
0x130: {  	[tilespmem:s10], [sflag:$0x2] =	stream.indirect.gather [hbm4b:s15+s9], $0x80, s26, s9, $0xb8;
	[tilespmem:$0x1F400] =	vst v63  }
0x131: {  	_ =	swait.ge [sflag:s12], $0x2000  }
0x132: {  	[sflag:s12] =	ssyncset.done $0x0  }
0x133: {  	s26 =	rddreg [dreg:$0x7];
	[sflag:s12] =	ssyncadd.s32 $0xFFFFE000  }
0x134: {  	[spmem:s3] =	stream.indirect.scatter.add.f32 [tilespmem:s6], [sflag:$0x5], $0x80, s26, s9, $0xb8;
	[tilespmem:$0x1F400] =	vst v63  }
0x135: {  	_ =	swait.ge [sflag:s17], $0x2000  }
0x136: {  	[sflag:s17] =	ssyncset.done $0x0  }
0x137: {  	s26 =	sadd.s32 $0x14180, s25;
	[sflag:s17] =	ssyncadd.s32 $0xFFFFE000  }
0x138: {  	[tilespmem:s13], [sflag:$0x3] =	stream.indirect.gather [hbm4b:s15+s9], $0x80, s26, s9, $0xb8;
	[tilespmem:$0x1F400] =	vst v63  }
0x139: {  	_ =	swait.ge [sflag:s14], $0x2000  }
0x13a: {  	[sflag:s14] =	ssyncset.done $0x0  }
0x13b: {  	s26 =	rddreg [dreg:$0x8];
	[sflag:s14] =	ssyncadd.s32 $0xFFFFE000  }
0x13c: {  	[spmem:s3] =	stream.indirect.scatter.add.f32 [tilespmem:s10], [sflag:$0x6], $0x80, s26, s9, $0xb8;
	[tilespmem:$0x1F400] =	vst v63  }
0x13d: {  	_ =	swait.ge [sflag:s18], $0x2000  }
0x13e: {  	[sflag:s18] =	ssyncset.done $0x0  }
0x13f: {  	s26 =	sadd.s32 $0x141C0, s25;
	[sflag:s18] =	ssyncadd.s32 $0xFFFFE000  }
0x140: {  	[tilespmem:s16], [sflag:$0x4] =	stream.indirect.gather [hbm4b:s15+s9], $0x80, s26, s9, $0xb8;
	[tilespmem:$0x1F400] =	vst v63  }
0x141: {  	_ =	swait.ge [sflag:s2], $0x2000  }
0x142: {  	[sflag:s2] =	ssyncset.done $0x0  }
0x143: {  	s26 =	rddreg [dreg:$0x9];
	[sflag:s2] =	ssyncadd.s32 $0xFFFFE000  }
0x144: {  	[spmem:s3] =	stream.indirect.scatter.add.f32 [tilespmem:s13], [sflag:$0x7], $0x80, s26, s9, $0xb8;
	[tilespmem:$0x1F400] =	vst v63  }
0x145: {  	_ =	swait.ge [sflag:s29], $0x2000  }
0x146: {  	[sflag:s29] =	ssyncset.done $0x0  }
0x147: {  	s26 =	sadd.s32 $0x14200, s25;
	[sflag:s29] =	ssyncadd.s32 $0xFFFFE000  }
0x148: {  	[tilespmem:s6], [sflag:$0x1] =	stream.indirect.gather [hbm4b:s15+s9], $0x80, s26, s9, $0xb8;
	[tilespmem:$0x1F400] =	vst v63  }
0x149: {  	_ =	swait.ge [sflag:s0], $0x2000  }
0x14a: {  	[sflag:s0] =	ssyncset.done $0x0  }
0x14b: {  	s26 =	rddreg [dreg:$0xa];
	[sflag:s0] =	ssyncadd.s32 $0xFFFFE000  }
0x14c: {  	[spmem:s3] =	stream.indirect.scatter.add.f32 [tilespmem:s16], [sflag:$0x8], $0x80, s26, s9, $0xb8;
	[tilespmem:$0x1F400] =	vst v63  }
0x14d: {  	_ =	swait.ge [sflag:s28], $0x2000  }
0x14e: {  	s31 =	sadd.s32 $0x800, s31;
	[sflag:s28] =	ssyncset.done $0x0  }
0x14f: {  	s24 =	sadd.s32 $0x14240, s25;
	s26 =	sshrl.u32 s31, $0x3;
	[sflag:s28] =	ssyncadd.s32 $0xFFFFE000  }
0x150: {  	[tilespmem:s10], [sflag:$0x2] =	stream.indirect.gather [hbm4b:s15+s9], $0x80, s24, s9, $0xb8;
	[tilespmem:$0x1F400] =	vst v63  }
0x151: {  	s26 =	sadd.s32 s1, s26  }
0x152: {  	[tilespmem:s7], [sflag:$0x9] =	stream.linear.gather [hbm4b:s26+s4], $0x400, $0x38;
	[tilespmem:$0x1F400] =	vst v63  }
0x153: {  	_ =	swait.ge [sflag:s19], $0x400  }
0x154: {  	[sflag:s19] =	ssyncset.done $0x0  }
0x155: {  	[sflag:s19] =	ssyncadd.s32 $0xFFFFFC00  }
0x156: {  	_ =	swait.ge [sflag:s12], $0x2000  }
0x157: {  	[sflag:s12] =	ssyncset.done $0x0  }
0x158: {  	[sflag:s12] =	ssyncadd.s32 $0xFFFFE000  }
0x159: {  	[spmem:s3] =	stream.indirect.scatter.add.f32 [tilespmem:s6], [sflag:$0x5], $0x80, s8, s9, $0xb8;
	[tilespmem:$0x1F400] =	vst v63  }
0x15a: {  	_ =	swait.ge [sflag:s17], $0x2000  }
0x15b: {  	[sflag:s17] =	ssyncset.done $0x0  }
0x15c: {  	s26 =	sadd.s32 $0x14280, s25;
	[sflag:s17] =	ssyncadd.s32 $0xFFFFE000  }
0x15d: {  	[tilespmem:s13], [sflag:$0x3] =	stream.indirect.gather [hbm4b:s15+s9], $0x80, s26, s9, $0xb8;
	[tilespmem:$0x1F400] =	vst v63  }
0x15e: {  	_ =	swait.ge [sflag:s14], $0x2000  }
0x15f: {  	[sflag:s14] =	ssyncset.done $0x0  }
0x160: {  	s26 =	rddreg [dreg:$0xb];
	[sflag:s14] =	ssyncadd.s32 $0xFFFFE000  }
0x161: {  	[spmem:s3] =	stream.indirect.scatter.add.f32 [tilespmem:s10], [sflag:$0x6], $0x80, s26, s9, $0xb8;
	[tilespmem:$0x1F400] =	vst v63  }
0x162: {  	_ =	swait.ge [sflag:s18], $0x2000  }
0x163: {  	[sflag:s18] =	ssyncset.done $0x0  }
0x164: {  	s26 =	sadd.s32 $0x142C0, s25;
	[sflag:s18] =	ssyncadd.s32 $0xFFFFE000  }
0x165: {  	[tilespmem:s16], [sflag:$0x4] =	stream.indirect.gather [hbm4b:s15+s9], $0x80, s26, s9, $0xb8;
	[tilespmem:$0x1F400] =	vst v63  }
0x166: {  	_ =	swait.ge [sflag:s2], $0x2000  }
0x167: {  	[sflag:s2] =	ssyncset.done $0x0  }
0x168: {  	s26 =	rddreg [dreg:$0xc];
	[sflag:s2] =	ssyncadd.s32 $0xFFFFE000  }
0x169: {  	[spmem:s3] =	stream.indirect.scatter.add.f32 [tilespmem:s13], [sflag:$0x7], $0x80, s26, s9, $0xb8;
	[tilespmem:$0x1F400] =	vst v63  }
0x16a: {  	_ =	swait.ge [sflag:s29], $0x2000  }
0x16b: {  	[sflag:s29] =	ssyncset.done $0x0  }
0x16c: {  	s26 =	sadd.s32 $0x14300, s25;
	[sflag:s29] =	ssyncadd.s32 $0xFFFFE000  }
0x16d: {  	[tilespmem:s6], [sflag:$0x1] =	stream.indirect.gather [hbm4b:s15+s9], $0x80, s26, s9, $0xb8;
	[tilespmem:$0x1F400] =	vst v63  }
0x16e: {  	_ =	swait.ge [sflag:s0], $0x2000  }
0x16f: {  	[sflag:s0] =	ssyncset.done $0x0  }
0x170: {  	s26 =	rddreg [dreg:$0xd];
	[sflag:s0] =	ssyncadd.s32 $0xFFFFE000  }
0x171: {  	[spmem:s3] =	stream.indirect.scatter.add.f32 [tilespmem:s16], [sflag:$0x8], $0x80, s26, s9, $0xb8;
	[tilespmem:$0x1F400] =	vst v63  }
0x172: {  	_ =	swait.ge [sflag:s28], $0x2000  }
0x173: {  	[sflag:s28] =	ssyncset.done $0x0  }
0x174: {  	s26 =	sadd.s32 $0x14340, s25;
	[sflag:s28] =	ssyncadd.s32 $0xFFFFE000  }
0x175: {  	[tilespmem:s10], [sflag:$0x2] =	stream.indirect.gather [hbm4b:s15+s9], $0x80, s26, s9, $0xb8;
	[tilespmem:$0x1F400] =	vst v63  }
0x176: {  	_ =	swait.ge [sflag:s12], $0x2000  }
0x177: {  	[sflag:s12] =	ssyncset.done $0x0  }
0x178: {  	s26 =	rddreg [dreg:$0xe];
	[sflag:s12] =	ssyncadd.s32 $0xFFFFE000  }
0x179: {  	[spmem:s3] =	stream.indirect.scatter.add.f32 [tilespmem:s6], [sflag:$0x5], $0x80, s26, s9, $0xb8;
	[tilespmem:$0x1F400] =	vst v63  }
0x17a: {  	_ =	swait.ge [sflag:s17], $0x2000  }
0x17b: {  	[sflag:s17] =	ssyncset.done $0x0  }
0x17c: {  	s26 =	sadd.s32 $0x14380, s25;
	[sflag:s17] =	ssyncadd.s32 $0xFFFFE000  }
0x17d: {  	[tilespmem:s13], [sflag:$0x3] =	stream.indirect.gather [hbm4b:s15+s9], $0x80, s26, s9, $0xb8;
	[tilespmem:$0x1F400] =	vst v63  }
0x17e: {  	_ =	swait.ge [sflag:s14], $0x2000  }
0x17f: {  	[sflag:s14] =	ssyncset.done $0x0  }
0x180: {  	s26 =	rddreg [dreg:$0xf];
	[sflag:s14] =	ssyncadd.s32 $0xFFFFE000  }
0x181: {  	[spmem:s3] =	stream.indirect.scatter.add.f32 [tilespmem:s10], [sflag:$0x6], $0x80, s26, s9, $0xb8;
	[tilespmem:$0x1F400] =	vst v63  }
0x182: {  	_ =	swait.ge [sflag:s18], $0x2000  }
0x183: {  	[sflag:s18] =	ssyncset.done $0x0  }
0x184: {  	s26 =	sadd.s32 $0x143C0, s25;
	[sflag:s18] =	ssyncadd.s32 $0xFFFFE000  }
0x185: {  	[tilespmem:s16], [sflag:$0x4] =	stream.indirect.gather [hbm4b:s15+s9], $0x80, s26, s9, $0xb8;
	[tilespmem:$0x1F400] =	vst v63  }
0x186: {  	_ =	swait.ge [sflag:s2], $0x2000  }
0x187: {  	[sflag:s2] =	ssyncset.done $0x0  }
0x188: {  	s26 =	rddreg [dreg:$0x10];
	[sflag:s2] =	ssyncadd.s32 $0xFFFFE000  }
0x189: {  	[spmem:s3] =	stream.indirect.scatter.add.f32 [tilespmem:s13], [sflag:$0x7], $0x80, s26, s9, $0xb8;
	[tilespmem:$0x1F400] =	vst v63  }
0x18a: {  	_ =	swait.ge [sflag:s29], $0x2000  }
0x18b: {  	[sflag:s29] =	ssyncset.done $0x0  }
0x18c: {  	s26 =	sadd.s32 $0x14400, s25;
	[sflag:s29] =	ssyncadd.s32 $0xFFFFE000  }
0x18d: {  	[tilespmem:s6], [sflag:$0x1] =	stream.indirect.gather [hbm4b:s15+s9], $0x80, s26, s9, $0xb8;
	[tilespmem:$0x1F400] =	vst v63  }
0x18e: {  	_ =	swait.ge [sflag:s0], $0x2000  }
0x18f: {  	s21 =	sadd.s32 $0x1000, s21;
	[sflag:s0] =	ssyncset.done $0x0  }
0x190: {  	p0 =	sne.s32 s21, $0xA000;
	s26 =	rddreg [dreg:$0x11];
	[sflag:s0] =	ssyncadd.s32 $0xFFFFE000  }
0x191: {  	[spmem:s3] =	stream.indirect.scatter.add.f32 [tilespmem:s16], [sflag:$0x8], $0x80, s26, s9, $0xb8;
	[tilespmem:$0x1F400] =	vst v63  }
.Ltmp1:
0x192: {  	_ = 	snop;
	(pc) =	sbr.rel @p0 .LBB2_4-.Ltmp1, $4  }
0x193: {  	_ =	swait.ge [sflag:s28], $0x2000  }
0x194: {  	s30 =	sadd.s32 $0x100, s30;
	[sflag:s28] =	ssyncset.done $0x0  }
0x195: {  	s22 =	smov.u32 s30;
	s26 =	sadd.s32 $0x14440, s25;
	[sflag:s28] =	ssyncadd.s32 $0xFFFFE000  }
0x196: {  	[tilespmem:s10], [sflag:$0x2] =	stream.indirect.gather [hbm4b:s15+s9], $0x80, s26, s9, $0xb8;
	[tilespmem:$0x1F400] =	vst v63  }
0x197: {  	[tilespmem:s8], [sflag:$0xA] =	stream.linear.gather [hbm4b:s22+s4], $0x400, $0x38;
	[tilespmem:$0x1F400] =	vst v63  }
0x198: {  	_ =	swait.ge [sflag:s17], $0x2000  }
0x199: {  	[sflag:s17] =	ssyncset.done $0x0  }
0x19a: {  	[sflag:s17] =	ssyncadd.s32 $0xFFFFE000  }
0x19b: {  	_ =	swait.ge [sflag:s18], $0x2000  }
0x19c: {  	[sflag:s18] =	ssyncset.done $0x0  }
0x19d: {  	[sflag:s18] =	ssyncadd.s32 $0xFFFFE000  }
0x19e: {  	_ =	swait.ge [sflag:s12], $0x2000  }
0x19f: {  	[sflag:s12] =	ssyncset.done $0x0  }
0x1a0: {  	[sflag:s12] =	ssyncadd.s32 $0xFFFFE000  }
0x1a1: {  	_ =	swait.ge [sflag:s14], $0x2000  }
0x1a2: {  	[sflag:s14] =	ssyncset.done $0x0  }
0x1a3: {  	[sflag:s14] =	ssyncadd.s32 $0xFFFFE000  }
0x1a4: {  	_ =	swait.ge [sflag:s11], $0x400  }
0x1a5: {  	[sflag:s11] =	ssyncset.done $0x0  }
0x1a6: {  	[sflag:s11] =	ssyncadd.s32 $0xFFFFFC00  }
0x1a7: {  	_ =	swait.ge [sflag:s19], $0x400  }
0x1a8: {  	[sflag:s19] =	ssyncset.done $0x0  }
0x1a9: {  	[sflag:s19] =	ssyncadd.s32 $0xFFFFFC00  }
0x1aa: {  	[bflag:$0x0] =	sbarrier.arrive $0xFFFF  }
0x1ab: {  	s24 =	rddreg [dreg:$0x1d]  }
0x1ac: {  	[tilespmem:s6], [sflag:$0x1] =	stream.linear.gather [spmem:s24], $0x2000, $0x38;
	[tilespmem:$0x1F400] =	vst v63  }
0x1ad: {  	s25 =	rddreg [dreg:$0x1e]  }
0x1ae: {  	[tilespmem:s10], [sflag:$0x2] =	stream.linear.gather [spmem:s25], $0x2000, $0x38;
	[tilespmem:$0x1F400] =	vst v63  }
0x1af: {  	s26 =	rddreg [dreg:$0x1f]  }
0x1b0: {  	[tilespmem:s13], [sflag:$0x3] =	stream.linear.gather [spmem:s26], $0x2000, $0x38;
	[tilespmem:$0x1F400] =	vst v63  }
0x1b1: {  	_ = 	snop  }
0x1b2: {  	[tilespmem:s16], [sflag:$0x4] =	stream.linear.gather [spmem:s23], $0x2000, $0x38;
	[tilespmem:$0x1F400] =	vst v63  }
0x1b3: {  	_ =	swait.ge [sflag:s12], $0x2000  }
0x1b4: {  	[sflag:s12] =	ssyncset.done $0x0  }
0x1b5: {  	s21 =	rddreg [dreg:$0x12];
	[sflag:s12] =	ssyncadd.s32 $0xFFFFE000  }
0x1b6: {  	[hbm4b:s21+s4] =	stream.linear.scatter [tilespmem:s6], [sflag:$0x5], $0x2000, $0x38;
	[tilespmem:$0x1F400] =	vst v63  }
0x1b7: {  	_ =	swait.ge [sflag:s29], $0x2000  }
0x1b8: {  	s31 =	sld [smem:$0x7FD]  }
0x1b9: {  	[sflag:s29] =	ssyncset.done $0x0  }
0x1ba: {  	[sflag:s29] =	ssyncadd.s32 $0xFFFFE000  }
0x1bb: {  	[tilespmem:s6], [sflag:$0x1] =	stream.linear.gather [spmem:s31], $0x2000, $0x38;
	[tilespmem:$0x1F400] =	vst v63  }
0x1bc: {  	_ =	swait.ge [sflag:s14], $0x2000  }
0x1bd: {  	[sflag:s14] =	ssyncset.done $0x0  }
0x1be: {  	s30 =	smov.u32 s23;
	s23 =	rddreg [dreg:$0x13];
	[sflag:s14] =	ssyncadd.s32 $0xFFFFE000  }
0x1bf: {  	[hbm4b:s23+s4] =	stream.linear.scatter [tilespmem:s10], [sflag:$0x6], $0x2000, $0x38;
	[tilespmem:$0x1F400] =	vst v63  }
0x1c0: {  	_ =	swait.ge [sflag:s28], $0x2000  }
0x1c1: {  	s22 =	sld [smem:$0x7F3]  }
0x1c2: {  	[sflag:s28] =	ssyncset.done $0x0  }
0x1c3: {  	[sflag:s28] =	ssyncadd.s32 $0xFFFFE000  }
0x1c4: {  	[tilespmem:s10], [sflag:$0x2] =	stream.linear.gather [spmem:s22], $0x2000, $0x38;
	[tilespmem:$0x1F400] =	vst v63  }
0x1c5: {  	_ =	swait.ge [sflag:s2], $0x2000  }
0x1c6: {  	[sflag:s2] =	ssyncset.done $0x0  }
0x1c7: {  	s23 =	rddreg [dreg:$0x14];
	[sflag:s2] =	ssyncadd.s32 $0xFFFFE000  }
0x1c8: {  	[hbm4b:s23+s4] =	stream.linear.scatter [tilespmem:s13], [sflag:$0x7], $0x2000, $0x38;
	[tilespmem:$0x1F400] =	vst v63  }
0x1c9: {  	_ =	swait.ge [sflag:s17], $0x2000  }
0x1ca: {  	s22 =	sld [smem:$0x7F4]  }
0x1cb: {  	[sflag:s17] =	ssyncset.done $0x0  }
0x1cc: {  	[sflag:s17] =	ssyncadd.s32 $0xFFFFE000  }
0x1cd: {  	[tilespmem:s13], [sflag:$0x3] =	stream.linear.gather [spmem:s22], $0x2000, $0x38;
	[tilespmem:$0x1F400] =	vst v63  }
0x1ce: {  	_ =	swait.ge [sflag:s0], $0x2000  }
0x1cf: {  	[sflag:s0] =	ssyncset.done $0x0  }
0x1d0: {  	s23 =	rddreg [dreg:$0x15];
	[sflag:s0] =	ssyncadd.s32 $0xFFFFE000  }
0x1d1: {  	[hbm4b:s23+s4] =	stream.linear.scatter [tilespmem:s16], [sflag:$0x8], $0x2000, $0x38;
	[tilespmem:$0x1F400] =	vst v63  }
0x1d2: {  	_ =	swait.ge [sflag:s18], $0x2000  }
0x1d3: {  	s22 =	sld [smem:$0x7F5]  }
0x1d4: {  	[sflag:s18] =	ssyncset.done $0x0  }
0x1d5: {  	[sflag:s18] =	ssyncadd.s32 $0xFFFFE000  }
0x1d6: {  	[tilespmem:s16], [sflag:$0x4] =	stream.linear.gather [spmem:s22], $0x2000, $0x38;
	[tilespmem:$0x1F400] =	vst v63  }
0x1d7: {  	_ =	swait.ge [sflag:s12], $0x2000  }
0x1d8: {  	[sflag:s12] =	ssyncset.done $0x0  }
0x1d9: {  	s23 =	rddreg [dreg:$0x16];
	[sflag:s12] =	ssyncadd.s32 $0xFFFFE000  }
0x1da: {  	[hbm4b:s23+s4] =	stream.linear.scatter [tilespmem:s6], [sflag:$0x5], $0x2000, $0x38;
	[tilespmem:$0x1F400] =	vst v63  }
0x1db: {  	_ =	swait.ge [sflag:s29], $0x2000  }
0x1dc: {  	s22 =	sld [smem:$0x7F6]  }
0x1dd: {  	[sflag:s29] =	ssyncset.done $0x0  }
0x1de: {  	[sflag:s29] =	ssyncadd.s32 $0xFFFFE000  }
0x1df: {  	[tilespmem:s6], [sflag:$0x1] =	stream.linear.gather [spmem:s22], $0x2000, $0x38;
	[tilespmem:$0x1F400] =	vst v63  }
0x1e0: {  	_ =	swait.ge [sflag:s14], $0x2000  }
0x1e1: {  	[sflag:s14] =	ssyncset.done $0x0  }
0x1e2: {  	s23 =	rddreg [dreg:$0x17];
	[sflag:s14] =	ssyncadd.s32 $0xFFFFE000  }
0x1e3: {  	[hbm4b:s23+s4] =	stream.linear.scatter [tilespmem:s10], [sflag:$0x6], $0x2000, $0x38;
	[tilespmem:$0x1F400] =	vst v63  }
0x1e4: {  	_ =	swait.ge [sflag:s28], $0x2000  }
0x1e5: {  	s22 =	sld [smem:$0x7F7]  }
0x1e6: {  	[sflag:s28] =	ssyncset.done $0x0  }
0x1e7: {  	[sflag:s28] =	ssyncadd.s32 $0xFFFFE000  }
0x1e8: {  	[tilespmem:s10], [sflag:$0x2] =	stream.linear.gather [spmem:s22], $0x2000, $0x38;
	[tilespmem:$0x1F400] =	vst v63  }
0x1e9: {  	_ =	swait.ge [sflag:s2], $0x2000  }
0x1ea: {  	[sflag:s2] =	ssyncset.done $0x0  }
0x1eb: {  	s23 =	rddreg [dreg:$0x18];
	[sflag:s2] =	ssyncadd.s32 $0xFFFFE000  }
0x1ec: {  	[hbm4b:s23+s4] =	stream.linear.scatter [tilespmem:s13], [sflag:$0x7], $0x2000, $0x38;
	[tilespmem:$0x1F400] =	vst v63  }
0x1ed: {  	_ =	swait.ge [sflag:s0], $0x2000  }
0x1ee: {  	[sflag:s0] =	ssyncset.done $0x0  }
0x1ef: {  	s22 =	rddreg [dreg:$0x19];
	[sflag:s0] =	ssyncadd.s32 $0xFFFFE000  }
0x1f0: {  	[hbm4b:s22+s4] =	stream.linear.scatter [tilespmem:s16], [sflag:$0x8], $0x2000, $0x38;
	[tilespmem:$0x1F400] =	vst v63  }
0x1f1: {  	_ =	swait.ge [sflag:s12], $0x2000  }
0x1f2: {  	[sflag:s12] =	ssyncset.done $0x0  }
0x1f3: {  	s23 =	rddreg [dreg:$0x1a];
	[sflag:s12] =	ssyncadd.s32 $0xFFFFE000  }
0x1f4: {  	[hbm4b:s23+s4] =	stream.linear.scatter [tilespmem:s6], [sflag:$0x5], $0x2000, $0x38;
	[tilespmem:$0x1F400] =	vst v63  }
0x1f5: {  	_ =	swait.ge [sflag:s14], $0x2000  }
0x1f6: {  	[sflag:s14] =	ssyncset.done $0x0  }
0x1f7: {  	s22 =	rddreg [dreg:$0x1b];
	[sflag:s14] =	ssyncadd.s32 $0xFFFFE000  }
0x1f8: {  	[hbm4b:s22+s4] =	stream.linear.scatter [tilespmem:s10], [sflag:$0x6], $0x2000, $0x38;
	[tilespmem:$0x1F400] =	vst v63  }
0x1f9: {  	_ =	swait.ge [sflag:s17], $0x2000  }
0x1fa: {  	[sflag:s17] =	ssyncset.done $0x0  }
0x1fb: {  	[sflag:s17] =	ssyncadd.s32 $0xFFFFE000  }
0x1fc: {  	_ =	swait.ge [sflag:s18], $0x2000  }
0x1fd: {  	[sflag:s18] =	ssyncset.done $0x0  }
0x1fe: {  	[sflag:s18] =	ssyncadd.s32 $0xFFFFE000  }
0x1ff: {  	_ =	swait.ge [sflag:s29], $0x2000  }
0x200: {  	[sflag:s29] =	ssyncset.done $0x0  }
0x201: {  	[sflag:s29] =	ssyncadd.s32 $0xFFFFE000  }
0x202: {  	_ =	swait.ge [sflag:s28], $0x2000  }
0x203: {  	s23 =	sld [smem:$0x7F8];
	_ =	sdelay $0x1  }
0x204: {  	s20 =	sadd.s32 $0x1, s20  }
0x205: {  	p0 =	sne.s32 s20, s23  }
.Ltmp2:
0x206: {  	_ = 	snop;
	(pc) =	sbr.rel @p0 .LBB2_1-.Ltmp2, $3  }
0x207: {  	_ =	sdelay $0x1  }
0x208: {  	[sflag:s28] =	ssyncset.done $0x0  }
0x209: {  	[sflag:s28] =	ssyncadd.s32 $0xFFFFE000  }
0x20a: {  	_ =	sfence.sel $0x180000  }
0x20b: {  	[bflag:$0x0] =	sbarrier.arrive $0xFFFF  }
0x20c: {  	_ =	strace $0x9000004A  }
0x20d: {  	s0 =	stileid.u32;
	[bflag:$0x2] =	sbarrier.arrive $0xFFFF  }
0x20e: {  	p0 =	sne.s32 s0, $0x0;
	s0 =	rddreg [dreg:$0x3]  }
0x20f: {  	s0 =	sadd.s32 @!p0 $0x100000, s0  }
0x210: {  	[sflag:s0] =	ssyncadd.tile.s32 @!p0 $0x1;
	_ =	shalt  }
.Lfunc_end2:
_tile_overlayer_lowered:
.L_overlay_start_2:
0x211: {  	(tag) =	ssettag $0x2  }
0x212: {  	s0 =	rddreg [dreg:$0x0];
	s2 =	stileid.u32  }
0x213: {  	s1 =	rddreg [dreg:$0x1];
	p0 =	sne.s32 s2, $0x0  }
0x214: {  	s3 =	rddreg [dreg:$0x2];
	[bflag:$0x3] =	sbarrier.arrive $0xFFFF;
	s2 =	simm.s32 @!p0 $0x1C0B  }
0x215: {  	[timem:s3], [sflag:s2] =	dma.local @!p0 [hbm:s0], s1  }
0x216: {  	s0 =	simm.s32 @!p0 $0xB  }
0x217: {  	_ =	swait.ge @!p0 [sflag:s0], s1  }
0x218: {  	s1 =	ssub.s32 @!p0 $0x0, s1;
	[sflag:s0] =	ssyncset.done @!p0 $0x0  }
0x219: {  	[sflag:s0] =	ssyncadd.s32 @!p0 s1  }
0x21a: {  	[bflag:$0x3] =	sbarrier.arrive $0xFFFF  }
0x21b: {  	_ =	shalt  }

</sc_bundles>
